<compile_context>
chip_gen: v7x
topology: tpu7x:2x2x1
jax: 0.10.2.dev20260603
libtpu: 0.0.44.dev20260713+nightly
codegen_flags: <defaults>
</compile_context>

<pallas_src>
import functools

import jax
import jax.numpy as jnp
from jax import lax
from jax.experimental import pallas as pl
from jax.experimental.pallas import tpu as pltpu
from jax.experimental.pallas import tpu_sc as plsc

VOCAB = 100000
EMBED_DIM = 64
BATCH = 4096
SEQ = 200

NUM_CORES = 2
NUM_SUBCORES = 16
NUM_WORKERS = NUM_CORES * NUM_SUBCORES
ROWS_PER_WORKER = BATCH // NUM_WORKERS
IDX_PER_WORKER = ROWS_PER_WORKER * SEQ
CHUNK_A = 128
CHUNK_B = SEQ - CHUNK_A

_LANES = 16
_PACKED_DIM = EMBED_DIM // 2
_GROUPS = EMBED_DIM // (2 * _LANES)


def _pack_table(embed_weight):
    t = embed_weight.astype(jnp.bfloat16)
    t = t.reshape(VOCAB, _GROUPS, 2, _LANES).transpose(0, 1, 3, 2)
    return jax.lax.bitcast_convert_type(
        t.reshape(VOCAB, _PACKED_DIM, 2), jnp.int32
    )


def _sc_mean_pool(idx_flat, table_packed):
    mesh = plsc.VectorSubcoreMesh(core_axis_name="c", subcore_axis_name="s")

    @functools.partial(
        pl.kernel,
        mesh=mesh,
        out_type=jax.ShapeDtypeStruct((BATCH, EMBED_DIM), jnp.float32),
        compiler_params=pltpu.CompilerParams(
            use_tc_tiling_on_sc=False, needs_layout_passes=False
        ),
        scratch_types=[
            pltpu.VMEM((IDX_PER_WORKER,), jnp.int32),
            pltpu.VMEM((SEQ, _PACKED_DIM), jnp.int32),
            pltpu.VMEM((SEQ, _PACKED_DIM), jnp.int32),
            pltpu.VMEM((SEQ, _PACKED_DIM), jnp.int32),
            pltpu.VMEM((SEQ, _PACKED_DIM), jnp.int32),
            pltpu.VMEM((SEQ, _PACKED_DIM), jnp.int32),
            pltpu.VMEM((SEQ, _PACKED_DIM), jnp.int32),
            pltpu.VMEM((SEQ, _PACKED_DIM), jnp.int32),
            pltpu.VMEM((SEQ, _PACKED_DIM), jnp.int32),
            pltpu.VMEM((ROWS_PER_WORKER, EMBED_DIM), jnp.float32),
            pltpu.SemaphoreType.DMA,
            pltpu.SemaphoreType.DMA,
            pltpu.SemaphoreType.DMA,
            pltpu.SemaphoreType.DMA,
            pltpu.SemaphoreType.DMA,
            pltpu.SemaphoreType.DMA,
            pltpu.SemaphoreType.DMA,
            pltpu.SemaphoreType.DMA,
        ],
    )
    def k(
        table_hbm,
        idx_hbm,
        out_hbm,
        idx_v,
        buf0,
        buf1,
        buf2,
        buf3,
        buf4,
        buf5,
        buf6,
        buf7,
        stage_v,
        sem0,
        sem1,
        sem2,
        sem3,
        sem4,
        sem5,
        sem6,
        sem7,
    ):
        wid = lax.axis_index("s") * NUM_CORES + lax.axis_index("c")
        base = wid * IDX_PER_WORKER
        pltpu.sync_copy(idx_hbm.at[pl.ds(base, IDX_PER_WORKER)], idx_v)

        def issue(r, buf, sem):
            off = r * SEQ
            pltpu.async_copy(
                table_hbm.at[idx_v.at[pl.ds(off, CHUNK_A)]],
                buf.at[pl.ds(0, CHUNK_A)],
                sem,
            )
            pltpu.async_copy(
                table_hbm.at[idx_v.at[pl.ds(off + CHUNK_A, CHUNK_B)]],
                buf.at[pl.ds(CHUNK_A, CHUNK_B)],
                sem,
            )

        def wait(buf, sem):
            pltpu.make_async_copy(table_hbm.at[pl.ds(0, SEQ)], buf, sem).wait()

        hi_mask = jnp.full((_LANES,), -65536, jnp.int32)

        UNROLL = 8

        def reduce_store(r, buf):
            zeros = jnp.zeros((_LANES,), jnp.float32)

            def body(i, accs):
                new = list(accs)
                for u in range(UNROLL):
                    l = i * UNROLL + u
                    for g in range(_GROUPS):
                        w = buf[l, pl.ds(g * _LANES, _LANES)]
                        lo = plsc.bitcast(lax.shift_left(w, 16), jnp.float32)
                        hi = plsc.bitcast(
                            lax.bitwise_and(w, hi_mask), jnp.float32
                        )
                        new[2 * g] = new[2 * g] + lo
                        new[2 * g + 1] = new[2 * g + 1] + hi
                return tuple(new)

            accs = lax.fori_loop(0, SEQ // UNROLL, body, (zeros,) * (2 * _GROUPS))
            scale = jnp.float32(1.0 / SEQ)
            for d in range(2 * _GROUPS):
                stage_v[r, pl.ds(d * _LANES, _LANES)] = accs[d] * scale

        bufs = (buf0, buf1, buf2, buf3, buf4, buf5, buf6, buf7)
        sems = (sem0, sem1, sem2, sem3, sem4, sem5, sem6, sem7)
        NBUF = 8

        for j in range(NBUF - 1):
            issue(j, bufs[j], sems[j])

        @pl.loop(0, ROWS_PER_WORKER, step=NBUF)
        def _(g):
            for j in range(NBUF):
                r = g + j
                pf = (j + NBUF - 1) % NBUF

                @pl.when(r + NBUF - 1 < ROWS_PER_WORKER)
                def _():
                    issue(r + NBUF - 1, bufs[pf], sems[pf])

                wait(bufs[j], sems[j])
                reduce_store(r, bufs[j])

        pltpu.sync_copy(
            stage_v, out_hbm.at[pl.ds(wid * ROWS_PER_WORKER, ROWS_PER_WORKER)]
        )

    return k(table_packed, idx_flat)


def kernel(input_ids, embed_weight):
    idx_flat = input_ids.reshape(-1)
    return _sc_mean_pool(idx_flat, _pack_table(embed_weight))

# --- scband reference (transcript-rebuilt; emitter-appended) ---
"""Pipeline reference for scband-text-encoder-stub-13683765805839 (READ-ONLY COPY).

The authoritative reference and input builder live on the scoring server;
editing this copy changes nothing except your own understanding.
"""

import jax, jax.numpy as jnp
import numpy as np

VOCAB = 100000
EMBED_DIM = 64
BATCH = 4096
SEQ = 200


def setup_inputs(seed: int = 0) -> dict:
    key = jax.random.key(seed)
    k1, k2 = jax.random.split(key)
    input_ids = jax.random.randint(k1, (BATCH, SEQ), 0, VOCAB, dtype=jnp.int32)
    embed_weight = jax.random.normal(k2, (VOCAB, EMBED_DIM), dtype=jnp.float32)
    # padding_idx=0: row 0 is zero (nn.Embedding padding_idx semantics)
    embed_weight = embed_weight.at[0].set(0.0)
    return {"input_ids": input_ids, "embed_weight": embed_weight}


def reference(input_ids, embed_weight):
    # nn.Embedding with padding_idx=0: lookup (row 0 already zeroed)
    x = jnp.take(embed_weight, input_ids, axis=0)  # [B, L, D]
    # x.permute(0, 2, 1) -> [B, D, L]; AdaptiveAvgPool1d(1) -> mean over L; squeeze(-1)
    out = jnp.mean(x, axis=1)  # [B, D]
    return out

if __name__ == "__main__":
    import jax
    _d = setup_inputs()
    print(jax.jit(kernel)(*tuple(_d.values())))

</pallas_src>

<mosaic_0001>
#map = affine_map<(d0, d1) -> (0, 0)>
#map1 = affine_map<(d0, d1) -> (0)>
module attributes {stable_mosaic.version = 14 : i64} {
  func.func @k(%arg0: i32, %arg1: i32, %arg2: memref<100000x32xi32, #tpu.memory_space<hbm>>, %arg3: memref<819200xi32, #tpu.memory_space<hbm>>, %arg4: memref<4096x64xf32, #tpu.memory_space<hbm>>, %arg5: memref<25600xi32, #tpu.memory_space<vmem>>, %arg6: memref<200x32xi32, #tpu.memory_space<vmem>>, %arg7: memref<200x32xi32, #tpu.memory_space<vmem>>, %arg8: memref<200x32xi32, #tpu.memory_space<vmem>>, %arg9: memref<200x32xi32, #tpu.memory_space<vmem>>, %arg10: memref<200x32xi32, #tpu.memory_space<vmem>>, %arg11: memref<200x32xi32, #tpu.memory_space<vmem>>, %arg12: memref<200x32xi32, #tpu.memory_space<vmem>>, %arg13: memref<200x32xi32, #tpu.memory_space<vmem>>, %arg14: memref<128x64xf32, #tpu.memory_space<vmem>>, %arg15: memref<!tpu.dma_semaphore, #tpu.memory_space<semaphore_mem>>, %arg16: memref<!tpu.dma_semaphore, #tpu.memory_space<semaphore_mem>>, %arg17: memref<!tpu.dma_semaphore, #tpu.memory_space<semaphore_mem>>, %arg18: memref<!tpu.dma_semaphore, #tpu.memory_space<semaphore_mem>>, %arg19: memref<!tpu.dma_semaphore, #tpu.memory_space<semaphore_mem>>, %arg20: memref<!tpu.dma_semaphore, #tpu.memory_space<semaphore_mem>>, %arg21: memref<!tpu.dma_semaphore, #tpu.memory_space<semaphore_mem>>, %arg22: memref<!tpu.dma_semaphore, #tpu.memory_space<semaphore_mem>>) attributes {dimension_semantics = [#tpu.dimension_semantics<core_parallel>, #tpu.dimension_semantics<subcore_parallel>], iteration_bounds = array<i64: 2, 16>, scalar_prefetch = 0 : i64, scratch_operands = 18 : i64, tpu.core_type = #tpu.core_type<sc_vector_subcore>, window_params = [{transform_indices = #map}, {transform_indices = #map1}, {transform_indices = #map}]} {
    %mul3A = arith.constant 2 : i32
    %mul3A_0 = arith.muli %arg1, %mul3A : i32
    %add3A = arith.addi %mul3A_0, %arg0 : i32
    %mul3A_1 = arith.constant 25600 : i32
    %mul3A_2 = arith.muli %add3A, %mul3A_1 : i32
    "tpu.region"() ({
      %run_scoped3A = tpu.sem_alloc : memref<!tpu.dma_semaphore, #tpu.memory_space<semaphore_mem>>
      %dma_start3A_121 = tpu.memref_slice %arg3[%mul3A_2] : memref<819200xi32, #tpu.memory_space<hbm>> -> memref<25600xi32, #tpu.memory_space<hbm>>
      %dma_start3A_122 = tpu.memref_slice %arg3[%mul3A_2] : memref<819200xi32, #tpu.memory_space<hbm>> -> memref<25600xi32, #tpu.memory_space<hbm>>
      tpu.enqueue_dma source(%dma_start3A_122 : memref<25600xi32, #tpu.memory_space<hbm>>) target(%arg5 : memref<25600xi32, #tpu.memory_space<vmem>>) target_semaphore(%run_scoped3A : memref<!tpu.dma_semaphore, #tpu.memory_space<semaphore_mem>>)
      %dma_wait3A = tpu.memref_slice %arg3[%mul3A_2] : memref<819200xi32, #tpu.memory_space<hbm>> -> memref<25600xi32, #tpu.memory_space<hbm>>
      %dma_wait3A_123 = tpu.memref_slice %arg3[%mul3A_2] : memref<819200xi32, #tpu.memory_space<hbm>> -> memref<25600xi32, #tpu.memory_space<hbm>>
      tpu.wait_dma2 semaphore(%run_scoped3A : memref<!tpu.dma_semaphore, #tpu.memory_space<semaphore_mem>>) src(%dma_wait3A_123 : memref<25600xi32, #tpu.memory_space<hbm>>) dst(%arg5 : memref<25600xi32, #tpu.memory_space<vmem>>)
      tpu.yield
    }) : () -> ()
    %broadcast_in_dim3A = arith.constant -65536 : i32
    %broadcast_in_dim3A_3 = vector.broadcast %broadcast_in_dim3A : i32 to vector<16xi32>
    %dma_start3A = arith.constant 0 : i32
    %dma_start3A_4 = arith.constant 0 : i32
    %dma_start3A_5 = tpu.memref_slice %arg6[%dma_start3A, %dma_start3A_4] : memref<200x32xi32, #tpu.memory_space<vmem>> -> memref<128x32xi32, #tpu.memory_space<vmem>>
    %dma_start3A_6 = arith.constant 0 : i32
    %dma_start3A_7 = tpu.memref_slice %arg5[%dma_start3A_6] : memref<25600xi32, #tpu.memory_space<vmem>> -> memref<128xi32, #tpu.memory_space<vmem>>
    %dma_start3A_8 = arith.constant 0 : i32
    %dma_start3A_9 = arith.constant 0 : i32
    %dma_start3A_10 = tpu.memref_slice %arg2[%dma_start3A_8, %dma_start3A_9] : memref<100000x32xi32, #tpu.memory_space<hbm>> -> memref<100000x32xi32, #tpu.memory_space<hbm>>
    tpu.enqueue_indirect_dma source(%dma_start3A_10 : memref<100000x32xi32, #tpu.memory_space<hbm>>) target(%dma_start3A_5 : memref<128x32xi32, #tpu.memory_space<vmem>>) offsets(%dma_start3A_7 : memref<128xi32, #tpu.memory_space<vmem>>) semaphore(%arg15 : memref<!tpu.dma_semaphore, #tpu.memory_space<semaphore_mem>>)
    %dma_start3A_11 = arith.constant 128 : i32
    %dma_start3A_12 = arith.constant 0 : i32
    %dma_start3A_13 = tpu.memref_slice %arg6[%dma_start3A_11, %dma_start3A_12] : memref<200x32xi32, #tpu.memory_space<vmem>> -> memref<72x32xi32, #tpu.memory_space<vmem>>
    %dma_start3A_14 = arith.constant 128 : i32
    %dma_start3A_15 = tpu.memref_slice %arg5[%dma_start3A_14] : memref<25600xi32, #tpu.memory_space<vmem>> -> memref<72xi32, #tpu.memory_space<vmem>>
    %dma_start3A_16 = arith.constant 0 : i32
    %dma_start3A_17 = arith.constant 0 : i32
    %dma_start3A_18 = tpu.memref_slice %arg2[%dma_start3A_16, %dma_start3A_17] : memref<100000x32xi32, #tpu.memory_space<hbm>> -> memref<100000x32xi32, #tpu.memory_space<hbm>>
    tpu.enqueue_indirect_dma source(%dma_start3A_18 : memref<100000x32xi32, #tpu.memory_space<hbm>>) target(%dma_start3A_13 : memref<72x32xi32, #tpu.memory_space<vmem>>) offsets(%dma_start3A_15 : memref<72xi32, #tpu.memory_space<vmem>>) semaphore(%arg15 : memref<!tpu.dma_semaphore, #tpu.memory_space<semaphore_mem>>)
    %dma_start3A_19 = arith.constant 0 : i32
    %dma_start3A_20 = arith.constant 0 : i32
    %dma_start3A_21 = tpu.memref_slice %arg7[%dma_start3A_19, %dma_start3A_20] : memref<200x32xi32, #tpu.memory_space<vmem>> -> memref<128x32xi32, #tpu.memory_space<vmem>>
    %dma_start3A_22 = arith.constant 200 : i32
    %dma_start3A_23 = tpu.memref_slice %arg5[%dma_start3A_22] : memref<25600xi32, #tpu.memory_space<vmem>> -> memref<128xi32, #tpu.memory_space<vmem>>
    %dma_start3A_24 = arith.constant 0 : i32
    %dma_start3A_25 = arith.constant 0 : i32
    %dma_start3A_26 = tpu.memref_slice %arg2[%dma_start3A_24, %dma_start3A_25] : memref<100000x32xi32, #tpu.memory_space<hbm>> -> memref<100000x32xi32, #tpu.memory_space<hbm>>
    tpu.enqueue_indirect_dma source(%dma_start3A_26 : memref<100000x32xi32, #tpu.memory_space<hbm>>) target(%dma_start3A_21 : memref<128x32xi32, #tpu.memory_space<vmem>>) offsets(%dma_start3A_23 : memref<128xi32, #tpu.memory_space<vmem>>) semaphore(%arg16 : memref<!tpu.dma_semaphore, #tpu.memory_space<semaphore_mem>>)
    %dma_start3A_27 = arith.constant 128 : i32
    %dma_start3A_28 = arith.constant 0 : i32
    %dma_start3A_29 = tpu.memref_slice %arg7[%dma_start3A_27, %dma_start3A_28] : memref<200x32xi32, #tpu.memory_space<vmem>> -> memref<72x32xi32, #tpu.memory_space<vmem>>
    %dma_start3A_30 = arith.constant 328 : i32
    %dma_start3A_31 = tpu.memref_slice %arg5[%dma_start3A_30] : memref<25600xi32, #tpu.memory_space<vmem>> -> memref<72xi32, #tpu.memory_space<vmem>>
    %dma_start3A_32 = arith.constant 0 : i32
    %dma_start3A_33 = arith.constant 0 : i32
    %dma_start3A_34 = tpu.memref_slice %arg2[%dma_start3A_32, %dma_start3A_33] : memref<100000x32xi32, #tpu.memory_space<hbm>> -> memref<100000x32xi32, #tpu.memory_space<hbm>>
    tpu.enqueue_indirect_dma source(%dma_start3A_34 : memref<100000x32xi32, #tpu.memory_space<hbm>>) target(%dma_start3A_29 : memref<72x32xi32, #tpu.memory_space<vmem>>) offsets(%dma_start3A_31 : memref<72xi32, #tpu.memory_space<vmem>>) semaphore(%arg16 : memref<!tpu.dma_semaphore, #tpu.memory_space<semaphore_mem>>)
    %dma_start3A_35 = arith.constant 0 : i32
    %dma_start3A_36 = arith.constant 0 : i32
    %dma_start3A_37 = tpu.memref_slice %arg8[%dma_start3A_35, %dma_start3A_36] : memref<200x32xi32, #tpu.memory_space<vmem>> -> memref<128x32xi32, #tpu.memory_space<vmem>>
    %dma_start3A_38 = arith.constant 400 : i32
    %dma_start3A_39 = tpu.memref_slice %arg5[%dma_start3A_38] : memref<25600xi32, #tpu.memory_space<vmem>> -> memref<128xi32, #tpu.memory_space<vmem>>
    %dma_start3A_40 = arith.constant 0 : i32
    %dma_start3A_41 = arith.constant 0 : i32
    %dma_start3A_42 = tpu.memref_slice %arg2[%dma_start3A_40, %dma_start3A_41] : memref<100000x32xi32, #tpu.memory_space<hbm>> -> memref<100000x32xi32, #tpu.memory_space<hbm>>
    tpu.enqueue_indirect_dma source(%dma_start3A_42 : memref<100000x32xi32, #tpu.memory_space<hbm>>) target(%dma_start3A_37 : memref<128x32xi32, #tpu.memory_space<vmem>>) offsets(%dma_start3A_39 : memref<128xi32, #tpu.memory_space<vmem>>) semaphore(%arg17 : memref<!tpu.dma_semaphore, #tpu.memory_space<semaphore_mem>>)
    %dma_start3A_43 = arith.constant 128 : i32
    %dma_start3A_44 = arith.constant 0 : i32
    %dma_start3A_45 = tpu.memref_slice %arg8[%dma_start3A_43, %dma_start3A_44] : memref<200x32xi32, #tpu.memory_space<vmem>> -> memref<72x32xi32, #tpu.memory_space<vmem>>
    %dma_start3A_46 = arith.constant 528 : i32
    %dma_start3A_47 = tpu.memref_slice %arg5[%dma_start3A_46] : memref<25600xi32, #tpu.memory_space<vmem>> -> memref<72xi32, #tpu.memory_space<vmem>>
    %dma_start3A_48 = arith.constant 0 : i32
    %dma_start3A_49 = arith.constant 0 : i32
    %dma_start3A_50 = tpu.memref_slice %arg2[%dma_start3A_48, %dma_start3A_49] : memref<100000x32xi32, #tpu.memory_space<hbm>> -> memref<100000x32xi32, #tpu.memory_space<hbm>>
    tpu.enqueue_indirect_dma source(%dma_start3A_50 : memref<100000x32xi32, #tpu.memory_space<hbm>>) target(%dma_start3A_45 : memref<72x32xi32, #tpu.memory_space<vmem>>) offsets(%dma_start3A_47 : memref<72xi32, #tpu.memory_space<vmem>>) semaphore(%arg17 : memref<!tpu.dma_semaphore, #tpu.memory_space<semaphore_mem>>)
    %dma_start3A_51 = arith.constant 0 : i32
    %dma_start3A_52 = arith.constant 0 : i32
    %dma_start3A_53 = tpu.memref_slice %arg9[%dma_start3A_51, %dma_start3A_52] : memref<200x32xi32, #tpu.memory_space<vmem>> -> memref<128x32xi32, #tpu.memory_space<vmem>>
    %dma_start3A_54 = arith.constant 600 : i32
    %dma_start3A_55 = tpu.memref_slice %arg5[%dma_start3A_54] : memref<25600xi32, #tpu.memory_space<vmem>> -> memref<128xi32, #tpu.memory_space<vmem>>
    %dma_start3A_56 = arith.constant 0 : i32
    %dma_start3A_57 = arith.constant 0 : i32
    %dma_start3A_58 = tpu.memref_slice %arg2[%dma_start3A_56, %dma_start3A_57] : memref<100000x32xi32, #tpu.memory_space<hbm>> -> memref<100000x32xi32, #tpu.memory_space<hbm>>
    tpu.enqueue_indirect_dma source(%dma_start3A_58 : memref<100000x32xi32, #tpu.memory_space<hbm>>) target(%dma_start3A_53 : memref<128x32xi32, #tpu.memory_space<vmem>>) offsets(%dma_start3A_55 : memref<128xi32, #tpu.memory_space<vmem>>) semaphore(%arg18 : memref<!tpu.dma_semaphore, #tpu.memory_space<semaphore_mem>>)
    %dma_start3A_59 = arith.constant 128 : i32
    %dma_start3A_60 = arith.constant 0 : i32
    %dma_start3A_61 = tpu.memref_slice %arg9[%dma_start3A_59, %dma_start3A_60] : memref<200x32xi32, #tpu.memory_space<vmem>> -> memref<72x32xi32, #tpu.memory_space<vmem>>
    %dma_start3A_62 = arith.constant 728 : i32
    %dma_start3A_63 = tpu.memref_slice %arg5[%dma_start3A_62] : memref<25600xi32, #tpu.memory_space<vmem>> -> memref<72xi32, #tpu.memory_space<vmem>>
    %dma_start3A_64 = arith.constant 0 : i32
    %dma_start3A_65 = arith.constant 0 : i32
    %dma_start3A_66 = tpu.memref_slice %arg2[%dma_start3A_64, %dma_start3A_65] : memref<100000x32xi32, #tpu.memory_space<hbm>> -> memref<100000x32xi32, #tpu.memory_space<hbm>>
    tpu.enqueue_indirect_dma source(%dma_start3A_66 : memref<100000x32xi32, #tpu.memory_space<hbm>>) target(%dma_start3A_61 : memref<72x32xi32, #tpu.memory_space<vmem>>) offsets(%dma_start3A_63 : memref<72xi32, #tpu.memory_space<vmem>>) semaphore(%arg18 : memref<!tpu.dma_semaphore, #tpu.memory_space<semaphore_mem>>)
    %dma_start3A_67 = arith.constant 0 : i32
    %dma_start3A_68 = arith.constant 0 : i32
    %dma_start3A_69 = tpu.memref_slice %arg10[%dma_start3A_67, %dma_start3A_68] : memref<200x32xi32, #tpu.memory_space<vmem>> -> memref<128x32xi32, #tpu.memory_space<vmem>>
    %dma_start3A_70 = arith.constant 800 : i32
    %dma_start3A_71 = tpu.memref_slice %arg5[%dma_start3A_70] : memref<25600xi32, #tpu.memory_space<vmem>> -> memref<128xi32, #tpu.memory_space<vmem>>
    %dma_start3A_72 = arith.constant 0 : i32
    %dma_start3A_73 = arith.constant 0 : i32
    %dma_start3A_74 = tpu.memref_slice %arg2[%dma_start3A_72, %dma_start3A_73] : memref<100000x32xi32, #tpu.memory_space<hbm>> -> memref<100000x32xi32, #tpu.memory_space<hbm>>
    tpu.enqueue_indirect_dma source(%dma_start3A_74 : memref<100000x32xi32, #tpu.memory_space<hbm>>) target(%dma_start3A_69 : memref<128x32xi32, #tpu.memory_space<vmem>>) offsets(%dma_start3A_71 : memref<128xi32, #tpu.memory_space<vmem>>) semaphore(%arg19 : memref<!tpu.dma_semaphore, #tpu.memory_space<semaphore_mem>>)
    %dma_start3A_75 = arith.constant 128 : i32
    %dma_start3A_76 = arith.constant 0 : i32
    %dma_start3A_77 = tpu.memref_slice %arg10[%dma_start3A_75, %dma_start3A_76] : memref<200x32xi32, #tpu.memory_space<vmem>> -> memref<72x32xi32, #tpu.memory_space<vmem>>
    %dma_start3A_78 = arith.constant 928 : i32
    %dma_start3A_79 = tpu.memref_slice %arg5[%dma_start3A_78] : memref<25600xi32, #tpu.memory_space<vmem>> -> memref<72xi32, #tpu.memory_space<vmem>>
    %dma_start3A_80 = arith.constant 0 : i32
    %dma_start3A_81 = arith.constant 0 : i32
    %dma_start3A_82 = tpu.memref_slice %arg2[%dma_start3A_80, %dma_start3A_81] : memref<100000x32xi32, #tpu.memory_space<hbm>> -> memref<100000x32xi32, #tpu.memory_space<hbm>>
    tpu.enqueue_indirect_dma source(%dma_start3A_82 : memref<100000x32xi32, #tpu.memory_space<hbm>>) target(%dma_start3A_77 : memref<72x32xi32, #tpu.memory_space<vmem>>) offsets(%dma_start3A_79 : memref<72xi32, #tpu.memory_space<vmem>>) semaphore(%arg19 : memref<!tpu.dma_semaphore, #tpu.memory_space<semaphore_mem>>)
    %dma_start3A_83 = arith.constant 0 : i32
    %dma_start3A_84 = arith.constant 0 : i32
    %dma_start3A_85 = tpu.memref_slice %arg11[%dma_start3A_83, %dma_start3A_84] : memref<200x32xi32, #tpu.memory_space<vmem>> -> memref<128x32xi32, #tpu.memory_space<vmem>>
    %dma_start3A_86 = arith.constant 1000 : i32
    %dma_start3A_87 = tpu.memref_slice %arg5[%dma_start3A_86] : memref<25600xi32, #tpu.memory_space<vmem>> -> memref<128xi32, #tpu.memory_space<vmem>>
    %dma_start3A_88 = arith.constant 0 : i32
    %dma_start3A_89 = arith.constant 0 : i32
    %dma_start3A_90 = tpu.memref_slice %arg2[%dma_start3A_88, %dma_start3A_89] : memref<100000x32xi32, #tpu.memory_space<hbm>> -> memref<100000x32xi32, #tpu.memory_space<hbm>>
    tpu.enqueue_indirect_dma source(%dma_start3A_90 : memref<100000x32xi32, #tpu.memory_space<hbm>>) target(%dma_start3A_85 : memref<128x32xi32, #tpu.memory_space<vmem>>) offsets(%dma_start3A_87 : memref<128xi32, #tpu.memory_space<vmem>>) semaphore(%arg20 : memref<!tpu.dma_semaphore, #tpu.memory_space<semaphore_mem>>)
    %dma_start3A_91 = arith.constant 128 : i32
    %dma_start3A_92 = arith.constant 0 : i32
    %dma_start3A_93 = tpu.memref_slice %arg11[%dma_start3A_91, %dma_start3A_92] : memref<200x32xi32, #tpu.memory_space<vmem>> -> memref<72x32xi32, #tpu.memory_space<vmem>>
    %dma_start3A_94 = arith.constant 1128 : i32
    %dma_start3A_95 = tpu.memref_slice %arg5[%dma_start3A_94] : memref<25600xi32, #tpu.memory_space<vmem>> -> memref<72xi32, #tpu.memory_space<vmem>>
    %dma_start3A_96 = arith.constant 0 : i32
    %dma_start3A_97 = arith.constant 0 : i32
    %dma_start3A_98 = tpu.memref_slice %arg2[%dma_start3A_96, %dma_start3A_97] : memref<100000x32xi32, #tpu.memory_space<hbm>> -> memref<100000x32xi32, #tpu.memory_space<hbm>>
    tpu.enqueue_indirect_dma source(%dma_start3A_98 : memref<100000x32xi32, #tpu.memory_space<hbm>>) target(%dma_start3A_93 : memref<72x32xi32, #tpu.memory_space<vmem>>) offsets(%dma_start3A_95 : memref<72xi32, #tpu.memory_space<vmem>>) semaphore(%arg20 : memref<!tpu.dma_semaphore, #tpu.memory_space<semaphore_mem>>)
    %dma_start3A_99 = arith.constant 0 : i32
    %dma_start3A_100 = arith.constant 0 : i32
    %dma_start3A_101 = tpu.memref_slice %arg12[%dma_start3A_99, %dma_start3A_100] : memref<200x32xi32, #tpu.memory_space<vmem>> -> memref<128x32xi32, #tpu.memory_space<vmem>>
    %dma_start3A_102 = arith.constant 1200 : i32
    %dma_start3A_103 = tpu.memref_slice %arg5[%dma_start3A_102] : memref<25600xi32, #tpu.memory_space<vmem>> -> memref<128xi32, #tpu.memory_space<vmem>>
    %dma_start3A_104 = arith.constant 0 : i32
    %dma_start3A_105 = arith.constant 0 : i32
    %dma_start3A_106 = tpu.memref_slice %arg2[%dma_start3A_104, %dma_start3A_105] : memref<100000x32xi32, #tpu.memory_space<hbm>> -> memref<100000x32xi32, #tpu.memory_space<hbm>>
    tpu.enqueue_indirect_dma source(%dma_start3A_106 : memref<100000x32xi32, #tpu.memory_space<hbm>>) target(%dma_start3A_101 : memref<128x32xi32, #tpu.memory_space<vmem>>) offsets(%dma_start3A_103 : memref<128xi32, #tpu.memory_space<vmem>>) semaphore(%arg21 : memref<!tpu.dma_semaphore, #tpu.memory_space<semaphore_mem>>)
    %dma_start3A_107 = arith.constant 128 : i32
    %dma_start3A_108 = arith.constant 0 : i32
    %dma_start3A_109 = tpu.memref_slice %arg12[%dma_start3A_107, %dma_start3A_108] : memref<200x32xi32, #tpu.memory_space<vmem>> -> memref<72x32xi32, #tpu.memory_space<vmem>>
    %dma_start3A_110 = arith.constant 1328 : i32
    %dma_start3A_111 = tpu.memref_slice %arg5[%dma_start3A_110] : memref<25600xi32, #tpu.memory_space<vmem>> -> memref<72xi32, #tpu.memory_space<vmem>>
    %dma_start3A_112 = arith.constant 0 : i32
    %dma_start3A_113 = arith.constant 0 : i32
    %dma_start3A_114 = tpu.memref_slice %arg2[%dma_start3A_112, %dma_start3A_113] : memref<100000x32xi32, #tpu.memory_space<hbm>> -> memref<100000x32xi32, #tpu.memory_space<hbm>>
    tpu.enqueue_indirect_dma source(%dma_start3A_114 : memref<100000x32xi32, #tpu.memory_space<hbm>>) target(%dma_start3A_109 : memref<72x32xi32, #tpu.memory_space<vmem>>) offsets(%dma_start3A_111 : memref<72xi32, #tpu.memory_space<vmem>>) semaphore(%arg21 : memref<!tpu.dma_semaphore, #tpu.memory_space<semaphore_mem>>)
    %scan3A = arith.constant 0 : i32
    %scan3A_115 = arith.constant 16 : i32
    %scan3A_116 = arith.addi %scan3A, %scan3A_115 : i32
    %scan3A_117 = arith.constant 1 : i32
    scf.for %scan3A_121 = %scan3A to %scan3A_116 step %scan3A_117  : i32 {
      %mul3A_122 = arith.constant 8 : i32
      %mul3A_123 = arith.muli %scan3A_121, %mul3A_122 : i32
      %add3A_124 = arith.constant 0 : i32
      %add3A_125 = arith.addi %add3A_124, %mul3A_123 : i32
      %add3A_126 = arith.constant 0 : i32
      %add3A_127 = arith.addi %add3A_125, %add3A_126 : i32
      %add3A_128 = arith.constant 8 : i32
      %add3A_129 = arith.addi %add3A_127, %add3A_128 : i32
      %sub3A = arith.constant 1 : i32
      %sub3A_130 = arith.subi %add3A_129, %sub3A : i32
      %lt3A = arith.constant 128 : i32
      %lt3A_131 = arith.cmpi slt, %sub3A_130, %lt3A : i32
      %convert_element_type3A = arith.extui %lt3A_131 : i1 to i32
      %cond3A = arith.constant 0 : i32
      %cond3A_132 = arith.cmpi ne, %convert_element_type3A, %cond3A : i32
      scf.if %cond3A_132 {
        %add3A_512 = arith.constant 8 : i32
        %add3A_513 = arith.addi %add3A_127, %add3A_512 : i32
        %sub3A_514 = arith.constant 1 : i32
        %sub3A_515 = arith.subi %add3A_513, %sub3A_514 : i32
        %mul3A_516 = arith.constant 200 : i32
        %mul3A_517 = arith.muli %sub3A_515, %mul3A_516 : i32
        %dma_start3A_518 = arith.constant 0 : i32
        %dma_start3A_519 = arith.constant 0 : i32
        %dma_start3A_520 = tpu.memref_slice %arg13[%dma_start3A_518, %dma_start3A_519] : memref<200x32xi32, #tpu.memory_space<vmem>> -> memref<128x32xi32, #tpu.memory_space<vmem>>
        %dma_start3A_521 = tpu.memref_slice %arg5[%mul3A_517] : memref<25600xi32, #tpu.memory_space<vmem>> -> memref<128xi32, #tpu.memory_space<vmem>>
        %dma_start3A_522 = arith.constant 0 : i32
        %dma_start3A_523 = arith.constant 0 : i32
        %dma_start3A_524 = tpu.memref_slice %arg2[%dma_start3A_522, %dma_start3A_523] : memref<100000x32xi32, #tpu.memory_space<hbm>> -> memref<100000x32xi32, #tpu.memory_space<hbm>>
        tpu.enqueue_indirect_dma source(%dma_start3A_524 : memref<100000x32xi32, #tpu.memory_space<hbm>>) target(%dma_start3A_520 : memref<128x32xi32, #tpu.memory_space<vmem>>) offsets(%dma_start3A_521 : memref<128xi32, #tpu.memory_space<vmem>>) semaphore(%arg22 : memref<!tpu.dma_semaphore, #tpu.memory_space<semaphore_mem>>)
        %add3A_525 = arith.constant 128 : i32
        %add3A_526 = arith.addi %mul3A_517, %add3A_525 : i32
        %dma_start3A_527 = arith.constant 128 : i32
        %dma_start3A_528 = arith.constant 0 : i32
        %dma_start3A_529 = tpu.memref_slice %arg13[%dma_start3A_527, %dma_start3A_528] : memref<200x32xi32, #tpu.memory_space<vmem>> -> memref<72x32xi32, #tpu.memory_space<vmem>>
        %dma_start3A_530 = tpu.memref_slice %arg5[%add3A_526] : memref<25600xi32, #tpu.memory_space<vmem>> -> memref<72xi32, #tpu.memory_space<vmem>>
        %dma_start3A_531 = arith.constant 0 : i32
        %dma_start3A_532 = arith.constant 0 : i32
        %dma_start3A_533 = tpu.memref_slice %arg2[%dma_start3A_531, %dma_start3A_532] : memref<100000x32xi32, #tpu.memory_space<hbm>> -> memref<100000x32xi32, #tpu.memory_space<hbm>>
        tpu.enqueue_indirect_dma source(%dma_start3A_533 : memref<100000x32xi32, #tpu.memory_space<hbm>>) target(%dma_start3A_529 : memref<72x32xi32, #tpu.memory_space<vmem>>) offsets(%dma_start3A_530 : memref<72xi32, #tpu.memory_space<vmem>>) semaphore(%arg22 : memref<!tpu.dma_semaphore, #tpu.memory_space<semaphore_mem>>)
      } else {
      }
      %dma_wait3A = arith.constant 0 : i32
      %dma_wait3A_133 = arith.constant 0 : i32
      %dma_wait3A_134 = tpu.memref_slice %arg2[%dma_wait3A, %dma_wait3A_133] : memref<100000x32xi32, #tpu.memory_space<hbm>> -> memref<200x32xi32, #tpu.memory_space<hbm>>
      %dma_wait3A_135 = arith.constant 0 : i32
      %dma_wait3A_136 = arith.constant 0 : i32
      %dma_wait3A_137 = tpu.memref_slice %arg2[%dma_wait3A_135, %dma_wait3A_136] : memref<100000x32xi32, #tpu.memory_space<hbm>> -> memref<200x32xi32, #tpu.memory_space<hbm>>
      tpu.wait_dma2 semaphore(%arg15 : memref<!tpu.dma_semaphore, #tpu.memory_space<semaphore_mem>>) src(%dma_wait3A_137 : memref<200x32xi32, #tpu.memory_space<hbm>>) dst(%arg6 : memref<200x32xi32, #tpu.memory_space<vmem>>)
      %broadcast_in_dim3A_138 = arith.constant 0.000000e+00 : f32
      %broadcast_in_dim3A_139 = vector.broadcast %broadcast_in_dim3A_138 : f32 to vector<16xf32>
      %scan3A_140 = arith.constant 0 : i32
      %scan3A_141 = arith.constant 25 : i32
      %scan3A_142 = arith.addi %scan3A_140, %scan3A_141 : i32
      %scan3A_143 = arith.constant 1 : i32
      %scan3A_144:4 = scf.for %scan3A_512 = %scan3A_140 to %scan3A_142 step %scan3A_143 iter_args(%scan3A_513 = %broadcast_in_dim3A_139, %scan3A_514 = %broadcast_in_dim3A_139, %scan3A_515 = %broadcast_in_dim3A_139, %scan3A_516 = %broadcast_in_dim3A_139) -> (vector<16xf32>, vector<16xf32>, vector<16xf32>, vector<16xf32>)  : i32 {
        %mul3A_517 = arith.constant 8 : i32
        %mul3A_518 = arith.muli %scan3A_512, %mul3A_517 : i32
        %add3A_519 = arith.constant 0 : i32
        %add3A_520 = arith.addi %mul3A_518, %add3A_519 : i32
        %get3A = arith.index_cast %add3A_520 : i32 to index
        %get3A_521 = arith.constant 0 : index
        %get3A_522 = tpu.vector_load %arg6[%get3A, %get3A_521] {strides = array<i32>} : memref<200x32xi32, #tpu.memory_space<vmem>>, vector<16xi32>,
        %shift_left3A = arith.constant 16 : i32
        %shift_left3A_523 = vector.broadcast %shift_left3A : i32 to vector<16xi32>
        %shift_left3A_524 = arith.shli %get3A_522, %shift_left3A_523 : vector<16xi32>
        %bitcast3A = vector.bitcast %shift_left3A_524 : vector<16xi32> to vector<16xf32>
        %and3A = arith.andi %get3A_522, %broadcast_in_dim3A_3 : vector<16xi32>
        %bitcast3A_525 = vector.bitcast %and3A : vector<16xi32> to vector<16xf32>
        %add3A_526 = arith.addf %scan3A_513, %bitcast3A : vector<16xf32>
        %add3A_527 = arith.addf %scan3A_514, %bitcast3A_525 : vector<16xf32>
        %get3A_528 = arith.index_cast %add3A_520 : i32 to index
        %get3A_529 = arith.constant 16 : index
        %get3A_530 = tpu.vector_load %arg6[%get3A_528, %get3A_529] {strides = array<i32>} : memref<200x32xi32, #tpu.memory_space<vmem>>, vector<16xi32>,
        %shift_left3A_531 = arith.constant 16 : i32
        %shift_left3A_532 = vector.broadcast %shift_left3A_531 : i32 to vector<16xi32>
        %shift_left3A_533 = arith.shli %get3A_530, %shift_left3A_532 : vector<16xi32>
        %bitcast3A_534 = vector.bitcast %shift_left3A_533 : vector<16xi32> to vector<16xf32>
        %and3A_535 = arith.andi %get3A_530, %broadcast_in_dim3A_3 : vector<16xi32>
        %bitcast3A_536 = vector.bitcast %and3A_535 : vector<16xi32> to vector<16xf32>
        %add3A_537 = arith.addf %scan3A_515, %bitcast3A_534 : vector<16xf32>
        %add3A_538 = arith.addf %scan3A_516, %bitcast3A_536 : vector<16xf32>
        %mul3A_539 = arith.constant 8 : i32
        %mul3A_540 = arith.muli %scan3A_512, %mul3A_539 : i32
        %add3A_541 = arith.constant 1 : i32
        %add3A_542 = arith.addi %mul3A_540, %add3A_541 : i32
        %get3A_543 = arith.index_cast %add3A_542 : i32 to index
        %get3A_544 = arith.constant 0 : index
        %get3A_545 = tpu.vector_load %arg6[%get3A_543, %get3A_544] {strides = array<i32>} : memref<200x32xi32, #tpu.memory_space<vmem>>, vector<16xi32>,
        %shift_left3A_546 = arith.constant 16 : i32
        %shift_left3A_547 = vector.broadcast %shift_left3A_546 : i32 to vector<16xi32>
        %shift_left3A_548 = arith.shli %get3A_545, %shift_left3A_547 : vector<16xi32>
        %bitcast3A_549 = vector.bitcast %shift_left3A_548 : vector<16xi32> to vector<16xf32>
        %and3A_550 = arith.andi %get3A_545, %broadcast_in_dim3A_3 : vector<16xi32>
        %bitcast3A_551 = vector.bitcast %and3A_550 : vector<16xi32> to vector<16xf32>
        %add3A_552 = arith.addf %add3A_526, %bitcast3A_549 : vector<16xf32>
        %add3A_553 = arith.addf %add3A_527, %bitcast3A_551 : vector<16xf32>
        %get3A_554 = arith.index_cast %add3A_542 : i32 to index
        %get3A_555 = arith.constant 16 : index
        %get3A_556 = tpu.vector_load %arg6[%get3A_554, %get3A_555] {strides = array<i32>} : memref<200x32xi32, #tpu.memory_space<vmem>>, vector<16xi32>,
        %shift_left3A_557 = arith.constant 16 : i32
        %shift_left3A_558 = vector.broadcast %shift_left3A_557 : i32 to vector<16xi32>
        %shift_left3A_559 = arith.shli %get3A_556, %shift_left3A_558 : vector<16xi32>
        %bitcast3A_560 = vector.bitcast %shift_left3A_559 : vector<16xi32> to vector<16xf32>
        %and3A_561 = arith.andi %get3A_556, %broadcast_in_dim3A_3 : vector<16xi32>
        %bitcast3A_562 = vector.bitcast %and3A_561 : vector<16xi32> to vector<16xf32>
        %add3A_563 = arith.addf %add3A_537, %bitcast3A_560 : vector<16xf32>
        %add3A_564 = arith.addf %add3A_538, %bitcast3A_562 : vector<16xf32>
        %mul3A_565 = arith.constant 8 : i32
        %mul3A_566 = arith.muli %scan3A_512, %mul3A_565 : i32
        %add3A_567 = arith.constant 2 : i32
        %add3A_568 = arith.addi %mul3A_566, %add3A_567 : i32
        %get3A_569 = arith.index_cast %add3A_568 : i32 to index
        %get3A_570 = arith.constant 0 : index
        %get3A_571 = tpu.vector_load %arg6[%get3A_569, %get3A_570] {strides = array<i32>} : memref<200x32xi32, #tpu.memory_space<vmem>>, vector<16xi32>,
        %shift_left3A_572 = arith.constant 16 : i32
        %shift_left3A_573 = vector.broadcast %shift_left3A_572 : i32 to vector<16xi32>
        %shift_left3A_574 = arith.shli %get3A_571, %shift_left3A_573 : vector<16xi32>
        %bitcast3A_575 = vector.bitcast %shift_left3A_574 : vector<16xi32> to vector<16xf32>
        %and3A_576 = arith.andi %get3A_571, %broadcast_in_dim3A_3 : vector<16xi32>
        %bitcast3A_577 = vector.bitcast %and3A_576 : vector<16xi32> to vector<16xf32>
        %add3A_578 = arith.addf %add3A_552, %bitcast3A_575 : vector<16xf32>
        %add3A_579 = arith.addf %add3A_553, %bitcast3A_577 : vector<16xf32>
        %get3A_580 = arith.index_cast %add3A_568 : i32 to index
        %get3A_581 = arith.constant 16 : index
        %get3A_582 = tpu.vector_load %arg6[%get3A_580, %get3A_581] {strides = array<i32>} : memref<200x32xi32, #tpu.memory_space<vmem>>, vector<16xi32>,
        %shift_left3A_583 = arith.constant 16 : i32
        %shift_left3A_584 = vector.broadcast %shift_left3A_583 : i32 to vector<16xi32>
        %shift_left3A_585 = arith.shli %get3A_582, %shift_left3A_584 : vector<16xi32>
        %bitcast3A_586 = vector.bitcast %shift_left3A_585 : vector<16xi32> to vector<16xf32>
        %and3A_587 = arith.andi %get3A_582, %broadcast_in_dim3A_3 : vector<16xi32>
        %bitcast3A_588 = vector.bitcast %and3A_587 : vector<16xi32> to vector<16xf32>
        %add3A_589 = arith.addf %add3A_563, %bitcast3A_586 : vector<16xf32>
        %add3A_590 = arith.addf %add3A_564, %bitcast3A_588 : vector<16xf32>
        %mul3A_591 = arith.constant 8 : i32
        %mul3A_592 = arith.muli %scan3A_512, %mul3A_591 : i32
        %add3A_593 = arith.constant 3 : i32
        %add3A_594 = arith.addi %mul3A_592, %add3A_593 : i32
        %get3A_595 = arith.index_cast %add3A_594 : i32 to index
        %get3A_596 = arith.constant 0 : index
        %get3A_597 = tpu.vector_load %arg6[%get3A_595, %get3A_596] {strides = array<i32>} : memref<200x32xi32, #tpu.memory_space<vmem>>, vector<16xi32>,
        %shift_left3A_598 = arith.constant 16 : i32
        %shift_left3A_599 = vector.broadcast %shift_left3A_598 : i32 to vector<16xi32>
        %shift_left3A_600 = arith.shli %get3A_597, %shift_left3A_599 : vector<16xi32>
        %bitcast3A_601 = vector.bitcast %shift_left3A_600 : vector<16xi32> to vector<16xf32>
        %and3A_602 = arith.andi %get3A_597, %broadcast_in_dim3A_3 : vector<16xi32>
        %bitcast3A_603 = vector.bitcast %and3A_602 : vector<16xi32> to vector<16xf32>
        %add3A_604 = arith.addf %add3A_578, %bitcast3A_601 : vector<16xf32>
        %add3A_605 = arith.addf %add3A_579, %bitcast3A_603 : vector<16xf32>
        %get3A_606 = arith.index_cast %add3A_594 : i32 to index
        %get3A_607 = arith.constant 16 : index
        %get3A_608 = tpu.vector_load %arg6[%get3A_606, %get3A_607] {strides = array<i32>} : memref<200x32xi32, #tpu.memory_space<vmem>>, vector<16xi32>,
        %shift_left3A_609 = arith.constant 16 : i32
        %shift_left3A_610 = vector.broadcast %shift_left3A_609 : i32 to vector<16xi32>
        %shift_left3A_611 = arith.shli %get3A_608, %shift_left3A_610 : vector<16xi32>
        %bitcast3A_612 = vector.bitcast %shift_left3A_611 : vector<16xi32> to vector<16xf32>
        %and3A_613 = arith.andi %get3A_608, %broadcast_in_dim3A_3 : vector<16xi32>
        %bitcast3A_614 = vector.bitcast %and3A_613 : vector<16xi32> to vector<16xf32>
        %add3A_615 = arith.addf %add3A_589, %bitcast3A_612 : vector<16xf32>
        %add3A_616 = arith.addf %add3A_590, %bitcast3A_614 : vector<16xf32>
        %mul3A_617 = arith.constant 8 : i32
        %mul3A_618 = arith.muli %scan3A_512, %mul3A_617 : i32
        %add3A_619 = arith.constant 4 : i32
        %add3A_620 = arith.addi %mul3A_618, %add3A_619 : i32
        %get3A_621 = arith.index_cast %add3A_620 : i32 to index
        %get3A_622 = arith.constant 0 : index
        %get3A_623 = tpu.vector_load %arg6[%get3A_621, %get3A_622] {strides = array<i32>} : memref<200x32xi32, #tpu.memory_space<vmem>>, vector<16xi32>,
        %shift_left3A_624 = arith.constant 16 : i32
        %shift_left3A_625 = vector.broadcast %shift_left3A_624 : i32 to vector<16xi32>
        %shift_left3A_626 = arith.shli %get3A_623, %shift_left3A_625 : vector<16xi32>
        %bitcast3A_627 = vector.bitcast %shift_left3A_626 : vector<16xi32> to vector<16xf32>
        %and3A_628 = arith.andi %get3A_623, %broadcast_in_dim3A_3 : vector<16xi32>
        %bitcast3A_629 = vector.bitcast %and3A_628 : vector<16xi32> to vector<16xf32>
        %add3A_630 = arith.addf %add3A_604, %bitcast3A_627 : vector<16xf32>
        %add3A_631 = arith.addf %add3A_605, %bitcast3A_629 : vector<16xf32>
        %get3A_632 = arith.index_cast %add3A_620 : i32 to index
        %get3A_633 = arith.constant 16 : index
        %get3A_634 = tpu.vector_load %arg6[%get3A_632, %get3A_633] {strides = array<i32>} : memref<200x32xi32, #tpu.memory_space<vmem>>, vector<16xi32>,
        %shift_left3A_635 = arith.constant 16 : i32
        %shift_left3A_636 = vector.broadcast %shift_left3A_635 : i32 to vector<16xi32>
        %shift_left3A_637 = arith.shli %get3A_634, %shift_left3A_636 : vector<16xi32>
        %bitcast3A_638 = vector.bitcast %shift_left3A_637 : vector<16xi32> to vector<16xf32>
        %and3A_639 = arith.andi %get3A_634, %broadcast_in_dim3A_3 : vector<16xi32>
        %bitcast3A_640 = vector.bitcast %and3A_639 : vector<16xi32> to vector<16xf32>
        %add3A_641 = arith.addf %add3A_615, %bitcast3A_638 : vector<16xf32>
        %add3A_642 = arith.addf %add3A_616, %bitcast3A_640 : vector<16xf32>
        %mul3A_643 = arith.constant 8 : i32
        %mul3A_644 = arith.muli %scan3A_512, %mul3A_643 : i32
        %add3A_645 = arith.constant 5 : i32
        %add3A_646 = arith.addi %mul3A_644, %add3A_645 : i32
        %get3A_647 = arith.index_cast %add3A_646 : i32 to index
        %get3A_648 = arith.constant 0 : index
        %get3A_649 = tpu.vector_load %arg6[%get3A_647, %get3A_648] {strides = array<i32>} : memref<200x32xi32, #tpu.memory_space<vmem>>, vector<16xi32>,
        %shift_left3A_650 = arith.constant 16 : i32
        %shift_left3A_651 = vector.broadcast %shift_left3A_650 : i32 to vector<16xi32>
        %shift_left3A_652 = arith.shli %get3A_649, %shift_left3A_651 : vector<16xi32>
        %bitcast3A_653 = vector.bitcast %shift_left3A_652 : vector<16xi32> to vector<16xf32>
        %and3A_654 = arith.andi %get3A_649, %broadcast_in_dim3A_3 : vector<16xi32>
        %bitcast3A_655 = vector.bitcast %and3A_654 : vector<16xi32> to vector<16xf32>
        %add3A_656 = arith.addf %add3A_630, %bitcast3A_653 : vector<16xf32>
        %add3A_657 = arith.addf %add3A_631, %bitcast3A_655 : vector<16xf32>
        %get3A_658 = arith.index_cast %add3A_646 : i32 to index
        %get3A_659 = arith.constant 16 : index
        %get3A_660 = tpu.vector_load %arg6[%get3A_658, %get3A_659] {strides = array<i32>} : memref<200x32xi32, #tpu.memory_space<vmem>>, vector<16xi32>,
        %shift_left3A_661 = arith.constant 16 : i32
        %shift_left3A_662 = vector.broadcast %shift_left3A_661 : i32 to vector<16xi32>
        %shift_left3A_663 = arith.shli %get3A_660, %shift_left3A_662 : vector<16xi32>
        %bitcast3A_664 = vector.bitcast %shift_left3A_663 : vector<16xi32> to vector<16xf32>
        %and3A_665 = arith.andi %get3A_660, %broadcast_in_dim3A_3 : vector<16xi32>
        %bitcast3A_666 = vector.bitcast %and3A_665 : vector<16xi32> to vector<16xf32>
        %add3A_667 = arith.addf %add3A_641, %bitcast3A_664 : vector<16xf32>
        %add3A_668 = arith.addf %add3A_642, %bitcast3A_666 : vector<16xf32>
        %mul3A_669 = arith.constant 8 : i32
        %mul3A_670 = arith.muli %scan3A_512, %mul3A_669 : i32
        %add3A_671 = arith.constant 6 : i32
        %add3A_672 = arith.addi %mul3A_670, %add3A_671 : i32
        %get3A_673 = arith.index_cast %add3A_672 : i32 to index
        %get3A_674 = arith.constant 0 : index
        %get3A_675 = tpu.vector_load %arg6[%get3A_673, %get3A_674] {strides = array<i32>} : memref<200x32xi32, #tpu.memory_space<vmem>>, vector<16xi32>,
        %shift_left3A_676 = arith.constant 16 : i32
        %shift_left3A_677 = vector.broadcast %shift_left3A_676 : i32 to vector<16xi32>
        %shift_left3A_678 = arith.shli %get3A_675, %shift_left3A_677 : vector<16xi32>
        %bitcast3A_679 = vector.bitcast %shift_left3A_678 : vector<16xi32> to vector<16xf32>
        %and3A_680 = arith.andi %get3A_675, %broadcast_in_dim3A_3 : vector<16xi32>
        %bitcast3A_681 = vector.bitcast %and3A_680 : vector<16xi32> to vector<16xf32>
        %add3A_682 = arith.addf %add3A_656, %bitcast3A_679 : vector<16xf32>
        %add3A_683 = arith.addf %add3A_657, %bitcast3A_681 : vector<16xf32>
        %get3A_684 = arith.index_cast %add3A_672 : i32 to index
        %get3A_685 = arith.constant 16 : index
        %get3A_686 = tpu.vector_load %arg6[%get3A_684, %get3A_685] {strides = array<i32>} : memref<200x32xi32, #tpu.memory_space<vmem>>, vector<16xi32>,
        %shift_left3A_687 = arith.constant 16 : i32
        %shift_left3A_688 = vector.broadcast %shift_left3A_687 : i32 to vector<16xi32>
        %shift_left3A_689 = arith.shli %get3A_686, %shift_left3A_688 : vector<16xi32>
        %bitcast3A_690 = vector.bitcast %shift_left3A_689 : vector<16xi32> to vector<16xf32>
        %and3A_691 = arith.andi %get3A_686, %broadcast_in_dim3A_3 : vector<16xi32>
        %bitcast3A_692 = vector.bitcast %and3A_691 : vector<16xi32> to vector<16xf32>
        %add3A_693 = arith.addf %add3A_667, %bitcast3A_690 : vector<16xf32>
        %add3A_694 = arith.addf %add3A_668, %bitcast3A_692 : vector<16xf32>
        %mul3A_695 = arith.constant 8 : i32
        %mul3A_696 = arith.muli %scan3A_512, %mul3A_695 : i32
        %add3A_697 = arith.constant 7 : i32
        %add3A_698 = arith.addi %mul3A_696, %add3A_697 : i32
        %get3A_699 = arith.index_cast %add3A_698 : i32 to index
        %get3A_700 = arith.constant 0 : index
        %get3A_701 = tpu.vector_load %arg6[%get3A_699, %get3A_700] {strides = array<i32>} : memref<200x32xi32, #tpu.memory_space<vmem>>, vector<16xi32>,
        %shift_left3A_702 = arith.constant 16 : i32
        %shift_left3A_703 = vector.broadcast %shift_left3A_702 : i32 to vector<16xi32>
        %shift_left3A_704 = arith.shli %get3A_701, %shift_left3A_703 : vector<16xi32>
        %bitcast3A_705 = vector.bitcast %shift_left3A_704 : vector<16xi32> to vector<16xf32>
        %and3A_706 = arith.andi %get3A_701, %broadcast_in_dim3A_3 : vector<16xi32>
        %bitcast3A_707 = vector.bitcast %and3A_706 : vector<16xi32> to vector<16xf32>
        %add3A_708 = arith.addf %add3A_682, %bitcast3A_705 : vector<16xf32>
        %add3A_709 = arith.addf %add3A_683, %bitcast3A_707 : vector<16xf32>
        %get3A_710 = arith.index_cast %add3A_698 : i32 to index
        %get3A_711 = arith.constant 16 : index
        %get3A_712 = tpu.vector_load %arg6[%get3A_710, %get3A_711] {strides = array<i32>} : memref<200x32xi32, #tpu.memory_space<vmem>>, vector<16xi32>,
        %shift_left3A_713 = arith.constant 16 : i32
        %shift_left3A_714 = vector.broadcast %shift_left3A_713 : i32 to vector<16xi32>
        %shift_left3A_715 = arith.shli %get3A_712, %shift_left3A_714 : vector<16xi32>
        %bitcast3A_716 = vector.bitcast %shift_left3A_715 : vector<16xi32> to vector<16xf32>
        %and3A_717 = arith.andi %get3A_712, %broadcast_in_dim3A_3 : vector<16xi32>
        %bitcast3A_718 = vector.bitcast %and3A_717 : vector<16xi32> to vector<16xf32>
        %add3A_719 = arith.addf %add3A_693, %bitcast3A_716 : vector<16xf32>
        %add3A_720 = arith.addf %add3A_694, %bitcast3A_718 : vector<16xf32>
        scf.yield %add3A_708, %add3A_709, %add3A_719, %add3A_720 : vector<16xf32>, vector<16xf32>, vector<16xf32>, vector<16xf32>
      }
      %scan3A_145 = arith.constant 25 : i32
      %mul3A_146 = arith.constant 5.000000e-03 : f32
      %mul3A_147 = vector.broadcast %mul3A_146 : f32 to vector<16xf32>
      %mul3A_148 = arith.mulf %scan3A_144#0, %mul3A_147 : vector<16xf32>
      %swap3A = arith.index_cast %add3A_127 : i32 to index
      %swap3A_149 = arith.constant 0 : index
      %swap3A_150 = tpu.vector_load %arg14[%swap3A, %swap3A_149] {strides = array<i32>} : memref<128x64xf32, #tpu.memory_space<vmem>>, vector<16xf32>,
      tpu.vector_store %arg14[%swap3A, %swap3A_149], %mul3A_148 {strides = array<i32>} : memref<128x64xf32, #tpu.memory_space<vmem>>, vector<16xf32>,
      %mul3A_151 = arith.constant 5.000000e-03 : f32
      %mul3A_152 = vector.broadcast %mul3A_151 : f32 to vector<16xf32>
      %mul3A_153 = arith.mulf %scan3A_144#1, %mul3A_152 : vector<16xf32>
      %swap3A_154 = arith.index_cast %add3A_127 : i32 to index
      %swap3A_155 = arith.constant 16 : index
      %swap3A_156 = tpu.vector_load %arg14[%swap3A_154, %swap3A_155] {strides = array<i32>} : memref<128x64xf32, #tpu.memory_space<vmem>>, vector<16xf32>,
      tpu.vector_store %arg14[%swap3A_154, %swap3A_155], %mul3A_153 {strides = array<i32>} : memref<128x64xf32, #tpu.memory_space<vmem>>, vector<16xf32>,
      %mul3A_157 = arith.constant 5.000000e-03 : f32
      %mul3A_158 = vector.broadcast %mul3A_157 : f32 to vector<16xf32>
      %mul3A_159 = arith.mulf %scan3A_144#2, %mul3A_158 : vector<16xf32>
      %swap3A_160 = arith.index_cast %add3A_127 : i32 to index
      %swap3A_161 = arith.constant 32 : index
      %swap3A_162 = tpu.vector_load %arg14[%swap3A_160, %swap3A_161] {strides = array<i32>} : memref<128x64xf32, #tpu.memory_space<vmem>>, vector<16xf32>,
      tpu.vector_store %arg14[%swap3A_160, %swap3A_161], %mul3A_159 {strides = array<i32>} : memref<128x64xf32, #tpu.memory_space<vmem>>, vector<16xf32>,
      %mul3A_163 = arith.constant 5.000000e-03 : f32
      %mul3A_164 = vector.broadcast %mul3A_163 : f32 to vector<16xf32>
      %mul3A_165 = arith.mulf %scan3A_144#3, %mul3A_164 : vector<16xf32>
      %swap3A_166 = arith.index_cast %add3A_127 : i32 to index
      %swap3A_167 = arith.constant 48 : index
      %swap3A_168 = tpu.vector_load %arg14[%swap3A_166, %swap3A_167] {strides = array<i32>} : memref<128x64xf32, #tpu.memory_space<vmem>>, vector<16xf32>,
      tpu.vector_store %arg14[%swap3A_166, %swap3A_167], %mul3A_165 {strides = array<i32>} : memref<128x64xf32, #tpu.memory_space<vmem>>, vector<16xf32>,
      %add3A_169 = arith.constant 1 : i32
      %add3A_170 = arith.addi %add3A_125, %add3A_169 : i32
      %add3A_171 = arith.constant 8 : i32
      %add3A_172 = arith.addi %add3A_170, %add3A_171 : i32
      %sub3A_173 = arith.constant 1 : i32
      %sub3A_174 = arith.subi %add3A_172, %sub3A_173 : i32
      %lt3A_175 = arith.constant 128 : i32
      %lt3A_176 = arith.cmpi slt, %sub3A_174, %lt3A_175 : i32
      %convert_element_type3A_177 = arith.extui %lt3A_176 : i1 to i32
      %cond3A_178 = arith.constant 0 : i32
      %cond3A_179 = arith.cmpi ne, %convert_element_type3A_177, %cond3A_178 : i32
      scf.if %cond3A_179 {
        %add3A_512 = arith.constant 8 : i32
        %add3A_513 = arith.addi %add3A_170, %add3A_512 : i32
        %sub3A_514 = arith.constant 1 : i32
        %sub3A_515 = arith.subi %add3A_513, %sub3A_514 : i32
        %mul3A_516 = arith.constant 200 : i32
        %mul3A_517 = arith.muli %sub3A_515, %mul3A_516 : i32
        %dma_start3A_518 = arith.constant 0 : i32
        %dma_start3A_519 = arith.constant 0 : i32
        %dma_start3A_520 = tpu.memref_slice %arg6[%dma_start3A_518, %dma_start3A_519] : memref<200x32xi32, #tpu.memory_space<vmem>> -> memref<128x32xi32, #tpu.memory_space<vmem>>
        %dma_start3A_521 = tpu.memref_slice %arg5[%mul3A_517] : memref<25600xi32, #tpu.memory_space<vmem>> -> memref<128xi32, #tpu.memory_space<vmem>>
        %dma_start3A_522 = arith.constant 0 : i32
        %dma_start3A_523 = arith.constant 0 : i32
        %dma_start3A_524 = tpu.memref_slice %arg2[%dma_start3A_522, %dma_start3A_523] : memref<100000x32xi32, #tpu.memory_space<hbm>> -> memref<100000x32xi32, #tpu.memory_space<hbm>>
        tpu.enqueue_indirect_dma source(%dma_start3A_524 : memref<100000x32xi32, #tpu.memory_space<hbm>>) target(%dma_start3A_520 : memref<128x32xi32, #tpu.memory_space<vmem>>) offsets(%dma_start3A_521 : memref<128xi32, #tpu.memory_space<vmem>>) semaphore(%arg15 : memref<!tpu.dma_semaphore, #tpu.memory_space<semaphore_mem>>)
        %add3A_525 = arith.constant 128 : i32
        %add3A_526 = arith.addi %mul3A_517, %add3A_525 : i32
        %dma_start3A_527 = arith.constant 128 : i32
        %dma_start3A_528 = arith.constant 0 : i32
        %dma_start3A_529 = tpu.memref_slice %arg6[%dma_start3A_527, %dma_start3A_528] : memref<200x32xi32, #tpu.memory_space<vmem>> -> memref<72x32xi32, #tpu.memory_space<vmem>>
        %dma_start3A_530 = tpu.memref_slice %arg5[%add3A_526] : memref<25600xi32, #tpu.memory_space<vmem>> -> memref<72xi32, #tpu.memory_space<vmem>>
        %dma_start3A_531 = arith.constant 0 : i32
        %dma_start3A_532 = arith.constant 0 : i32
        %dma_start3A_533 = tpu.memref_slice %arg2[%dma_start3A_531, %dma_start3A_532] : memref<100000x32xi32, #tpu.memory_space<hbm>> -> memref<100000x32xi32, #tpu.memory_space<hbm>>
        tpu.enqueue_indirect_dma source(%dma_start3A_533 : memref<100000x32xi32, #tpu.memory_space<hbm>>) target(%dma_start3A_529 : memref<72x32xi32, #tpu.memory_space<vmem>>) offsets(%dma_start3A_530 : memref<72xi32, #tpu.memory_space<vmem>>) semaphore(%arg15 : memref<!tpu.dma_semaphore, #tpu.memory_space<semaphore_mem>>)
      } else {
      }
      %dma_wait3A_180 = arith.constant 0 : i32
      %dma_wait3A_181 = arith.constant 0 : i32
      %dma_wait3A_182 = tpu.memref_slice %arg2[%dma_wait3A_180, %dma_wait3A_181] : memref<100000x32xi32, #tpu.memory_space<hbm>> -> memref<200x32xi32, #tpu.memory_space<hbm>>
      %dma_wait3A_183 = arith.constant 0 : i32
      %dma_wait3A_184 = arith.constant 0 : i32
      %dma_wait3A_185 = tpu.memref_slice %arg2[%dma_wait3A_183, %dma_wait3A_184] : memref<100000x32xi32, #tpu.memory_space<hbm>> -> memref<200x32xi32, #tpu.memory_space<hbm>>
      tpu.wait_dma2 semaphore(%arg16 : memref<!tpu.dma_semaphore, #tpu.memory_space<semaphore_mem>>) src(%dma_wait3A_185 : memref<200x32xi32, #tpu.memory_space<hbm>>) dst(%arg7 : memref<200x32xi32, #tpu.memory_space<vmem>>)
      %broadcast_in_dim3A_186 = arith.constant 0.000000e+00 : f32
      %broadcast_in_dim3A_187 = vector.broadcast %broadcast_in_dim3A_186 : f32 to vector<16xf32>
      %scan3A_188 = arith.constant 0 : i32
      %scan3A_189 = arith.constant 25 : i32
      %scan3A_190 = arith.addi %scan3A_188, %scan3A_189 : i32
      %scan3A_191 = arith.constant 1 : i32
      %scan3A_192:4 = scf.for %scan3A_512 = %scan3A_188 to %scan3A_190 step %scan3A_191 iter_args(%scan3A_513 = %broadcast_in_dim3A_187, %scan3A_514 = %broadcast_in_dim3A_187, %scan3A_515 = %broadcast_in_dim3A_187, %scan3A_516 = %broadcast_in_dim3A_187) -> (vector<16xf32>, vector<16xf32>, vector<16xf32>, vector<16xf32>)  : i32 {
        %mul3A_517 = arith.constant 8 : i32
        %mul3A_518 = arith.muli %scan3A_512, %mul3A_517 : i32
        %add3A_519 = arith.constant 0 : i32
        %add3A_520 = arith.addi %mul3A_518, %add3A_519 : i32
        %get3A = arith.index_cast %add3A_520 : i32 to index
        %get3A_521 = arith.constant 0 : index
        %get3A_522 = tpu.vector_load %arg7[%get3A, %get3A_521] {strides = array<i32>} : memref<200x32xi32, #tpu.memory_space<vmem>>, vector<16xi32>,
        %shift_left3A = arith.constant 16 : i32
        %shift_left3A_523 = vector.broadcast %shift_left3A : i32 to vector<16xi32>
        %shift_left3A_524 = arith.shli %get3A_522, %shift_left3A_523 : vector<16xi32>
        %bitcast3A = vector.bitcast %shift_left3A_524 : vector<16xi32> to vector<16xf32>
        %and3A = arith.andi %get3A_522, %broadcast_in_dim3A_3 : vector<16xi32>
        %bitcast3A_525 = vector.bitcast %and3A : vector<16xi32> to vector<16xf32>
        %add3A_526 = arith.addf %scan3A_513, %bitcast3A : vector<16xf32>
        %add3A_527 = arith.addf %scan3A_514, %bitcast3A_525 : vector<16xf32>
        %get3A_528 = arith.index_cast %add3A_520 : i32 to index
        %get3A_529 = arith.constant 16 : index
        %get3A_530 = tpu.vector_load %arg7[%get3A_528, %get3A_529] {strides = array<i32>} : memref<200x32xi32, #tpu.memory_space<vmem>>, vector<16xi32>,
        %shift_left3A_531 = arith.constant 16 : i32
        %shift_left3A_532 = vector.broadcast %shift_left3A_531 : i32 to vector<16xi32>
        %shift_left3A_533 = arith.shli %get3A_530, %shift_left3A_532 : vector<16xi32>
        %bitcast3A_534 = vector.bitcast %shift_left3A_533 : vector<16xi32> to vector<16xf32>
        %and3A_535 = arith.andi %get3A_530, %broadcast_in_dim3A_3 : vector<16xi32>
        %bitcast3A_536 = vector.bitcast %and3A_535 : vector<16xi32> to vector<16xf32>
        %add3A_537 = arith.addf %scan3A_515, %bitcast3A_534 : vector<16xf32>
        %add3A_538 = arith.addf %scan3A_516, %bitcast3A_536 : vector<16xf32>
        %mul3A_539 = arith.constant 8 : i32
        %mul3A_540 = arith.muli %scan3A_512, %mul3A_539 : i32
        %add3A_541 = arith.constant 1 : i32
        %add3A_542 = arith.addi %mul3A_540, %add3A_541 : i32
        %get3A_543 = arith.index_cast %add3A_542 : i32 to index
        %get3A_544 = arith.constant 0 : index
        %get3A_545 = tpu.vector_load %arg7[%get3A_543, %get3A_544] {strides = array<i32>} : memref<200x32xi32, #tpu.memory_space<vmem>>, vector<16xi32>,
        %shift_left3A_546 = arith.constant 16 : i32
        %shift_left3A_547 = vector.broadcast %shift_left3A_546 : i32 to vector<16xi32>
        %shift_left3A_548 = arith.shli %get3A_545, %shift_left3A_547 : vector<16xi32>
        %bitcast3A_549 = vector.bitcast %shift_left3A_548 : vector<16xi32> to vector<16xf32>
        %and3A_550 = arith.andi %get3A_545, %broadcast_in_dim3A_3 : vector<16xi32>
        %bitcast3A_551 = vector.bitcast %and3A_550 : vector<16xi32> to vector<16xf32>
        %add3A_552 = arith.addf %add3A_526, %bitcast3A_549 : vector<16xf32>
        %add3A_553 = arith.addf %add3A_527, %bitcast3A_551 : vector<16xf32>
        %get3A_554 = arith.index_cast %add3A_542 : i32 to index
        %get3A_555 = arith.constant 16 : index
        %get3A_556 = tpu.vector_load %arg7[%get3A_554, %get3A_555] {strides = array<i32>} : memref<200x32xi32, #tpu.memory_space<vmem>>, vector<16xi32>,
        %shift_left3A_557 = arith.constant 16 : i32
        %shift_left3A_558 = vector.broadcast %shift_left3A_557 : i32 to vector<16xi32>
        %shift_left3A_559 = arith.shli %get3A_556, %shift_left3A_558 : vector<16xi32>
        %bitcast3A_560 = vector.bitcast %shift_left3A_559 : vector<16xi32> to vector<16xf32>
        %and3A_561 = arith.andi %get3A_556, %broadcast_in_dim3A_3 : vector<16xi32>
        %bitcast3A_562 = vector.bitcast %and3A_561 : vector<16xi32> to vector<16xf32>
        %add3A_563 = arith.addf %add3A_537, %bitcast3A_560 : vector<16xf32>
        %add3A_564 = arith.addf %add3A_538, %bitcast3A_562 : vector<16xf32>
        %mul3A_565 = arith.constant 8 : i32
        %mul3A_566 = arith.muli %scan3A_512, %mul3A_565 : i32
        %add3A_567 = arith.constant 2 : i32
        %add3A_568 = arith.addi %mul3A_566, %add3A_567 : i32
        %get3A_569 = arith.index_cast %add3A_568 : i32 to index
        %get3A_570 = arith.constant 0 : index
        %get3A_571 = tpu.vector_load %arg7[%get3A_569, %get3A_570] {strides = array<i32>} : memref<200x32xi32, #tpu.memory_space<vmem>>, vector<16xi32>,
        %shift_left3A_572 = arith.constant 16 : i32
        %shift_left3A_573 = vector.broadcast %shift_left3A_572 : i32 to vector<16xi32>
        %shift_left3A_574 = arith.shli %get3A_571, %shift_left3A_573 : vector<16xi32>
        %bitcast3A_575 = vector.bitcast %shift_left3A_574 : vector<16xi32> to vector<16xf32>
        %and3A_576 = arith.andi %get3A_571, %broadcast_in_dim3A_3 : vector<16xi32>
        %bitcast3A_577 = vector.bitcast %and3A_576 : vector<16xi32> to vector<16xf32>
        %add3A_578 = arith.addf %add3A_552, %bitcast3A_575 : vector<16xf32>
        %add3A_579 = arith.addf %add3A_553, %bitcast3A_577 : vector<16xf32>
        %get3A_580 = arith.index_cast %add3A_568 : i32 to index
        %get3A_581 = arith.constant 16 : index
        %get3A_582 = tpu.vector_load %arg7[%get3A_580, %get3A_581] {strides = array<i32>} : memref<200x32xi32, #tpu.memory_space<vmem>>, vector<16xi32>,
        %shift_left3A_583 = arith.constant 16 : i32
        %shift_left3A_584 = vector.broadcast %shift_left3A_583 : i32 to vector<16xi32>
        %shift_left3A_585 = arith.shli %get3A_582, %shift_left3A_584 : vector<16xi32>
        %bitcast3A_586 = vector.bitcast %shift_left3A_585 : vector<16xi32> to vector<16xf32>
        %and3A_587 = arith.andi %get3A_582, %broadcast_in_dim3A_3 : vector<16xi32>
        %bitcast3A_588 = vector.bitcast %and3A_587 : vector<16xi32> to vector<16xf32>
        %add3A_589 = arith.addf %add3A_563, %bitcast3A_586 : vector<16xf32>
        %add3A_590 = arith.addf %add3A_564, %bitcast3A_588 : vector<16xf32>
        %mul3A_591 = arith.constant 8 : i32
        %mul3A_592 = arith.muli %scan3A_512, %mul3A_591 : i32
        %add3A_593 = arith.constant 3 : i32
        %add3A_594 = arith.addi %mul3A_592, %add3A_593 : i32
        %get3A_595 = arith.index_cast %add3A_594 : i32 to index
        %get3A_596 = arith.constant 0 : index
        %get3A_597 = tpu.vector_load %arg7[%get3A_595, %get3A_596] {strides = array<i32>} : memref<200x32xi32, #tpu.memory_space<vmem>>, vector<16xi32>,
        %shift_left3A_598 = arith.constant 16 : i32
        %shift_left3A_599 = vector.broadcast %shift_left3A_598 : i32 to vector<16xi32>
        %shift_left3A_600 = arith.shli %get3A_597, %shift_left3A_599 : vector<16xi32>
        %bitcast3A_601 = vector.bitcast %shift_left3A_600 : vector<16xi32> to vector<16xf32>
        %and3A_602 = arith.andi %get3A_597, %broadcast_in_dim3A_3 : vector<16xi32>
        %bitcast3A_603 = vector.bitcast %and3A_602 : vector<16xi32> to vector<16xf32>
        %add3A_604 = arith.addf %add3A_578, %bitcast3A_601 : vector<16xf32>
        %add3A_605 = arith.addf %add3A_579, %bitcast3A_603 : vector<16xf32>
        %get3A_606 = arith.index_cast %add3A_594 : i32 to index
        %get3A_607 = arith.constant 16 : index
        %get3A_608 = tpu.vector_load %arg7[%get3A_606, %get3A_607] {strides = array<i32>} : memref<200x32xi32, #tpu.memory_space<vmem>>, vector<16xi32>,
        %shift_left3A_609 = arith.constant 16 : i32
        %shift_left3A_610 = vector.broadcast %shift_left3A_609 : i32 to vector<16xi32>
        %shift_left3A_611 = arith.shli %get3A_608, %shift_left3A_610 : vector<16xi32>
        %bitcast3A_612 = vector.bitcast %shift_left3A_611 : vector<16xi32> to vector<16xf32>
        %and3A_613 = arith.andi %get3A_608, %broadcast_in_dim3A_3 : vector<16xi32>
        %bitcast3A_614 = vector.bitcast %and3A_613 : vector<16xi32> to vector<16xf32>
        %add3A_615 = arith.addf %add3A_589, %bitcast3A_612 : vector<16xf32>
        %add3A_616 = arith.addf %add3A_590, %bitcast3A_614 : vector<16xf32>
        %mul3A_617 = arith.constant 8 : i32
        %mul3A_618 = arith.muli %scan3A_512, %mul3A_617 : i32
        %add3A_619 = arith.constant 4 : i32
        %add3A_620 = arith.addi %mul3A_618, %add3A_619 : i32
        %get3A_621 = arith.index_cast %add3A_620 : i32 to index
        %get3A_622 = arith.constant 0 : index
        %get3A_623 = tpu.vector_load %arg7[%get3A_621, %get3A_622] {strides = array<i32>} : memref<200x32xi32, #tpu.memory_space<vmem>>, vector<16xi32>,
        %shift_left3A_624 = arith.constant 16 : i32
        %shift_left3A_625 = vector.broadcast %shift_left3A_624 : i32 to vector<16xi32>
        %shift_left3A_626 = arith.shli %get3A_623, %shift_left3A_625 : vector<16xi32>
        %bitcast3A_627 = vector.bitcast %shift_left3A_626 : vector<16xi32> to vector<16xf32>
        %and3A_628 = arith.andi %get3A_623, %broadcast_in_dim3A_3 : vector<16xi32>
        %bitcast3A_629 = vector.bitcast %and3A_628 : vector<16xi32> to vector<16xf32>
        %add3A_630 = arith.addf %add3A_604, %bitcast3A_627 : vector<16xf32>
        %add3A_631 = arith.addf %add3A_605, %bitcast3A_629 : vector<16xf32>
        %get3A_632 = arith.index_cast %add3A_620 : i32 to index
        %get3A_633 = arith.constant 16 : index
        %get3A_634 = tpu.vector_load %arg7[%get3A_632, %get3A_633] {strides = array<i32>} : memref<200x32xi32, #tpu.memory_space<vmem>>, vector<16xi32>,
        %shift_left3A_635 = arith.constant 16 : i32
        %shift_left3A_636 = vector.broadcast %shift_left3A_635 : i32 to vector<16xi32>
        %shift_left3A_637 = arith.shli %get3A_634, %shift_left3A_636 : vector<16xi32>
        %bitcast3A_638 = vector.bitcast %shift_left3A_637 : vector<16xi32> to vector<16xf32>
        %and3A_639 = arith.andi %get3A_634, %broadcast_in_dim3A_3 : vector<16xi32>
        %bitcast3A_640 = vector.bitcast %and3A_639 : vector<16xi32> to vector<16xf32>
        %add3A_641 = arith.addf %add3A_615, %bitcast3A_638 : vector<16xf32>
        %add3A_642 = arith.addf %add3A_616, %bitcast3A_640 : vector<16xf32>
        %mul3A_643 = arith.constant 8 : i32
        %mul3A_644 = arith.muli %scan3A_512, %mul3A_643 : i32
        %add3A_645 = arith.constant 5 : i32
        %add3A_646 = arith.addi %mul3A_644, %add3A_645 : i32
        %get3A_647 = arith.index_cast %add3A_646 : i32 to index
        %get3A_648 = arith.constant 0 : index
        %get3A_649 = tpu.vector_load %arg7[%get3A_647, %get3A_648] {strides = array<i32>} : memref<200x32xi32, #tpu.memory_space<vmem>>, vector<16xi32>,
        %shift_left3A_650 = arith.constant 16 : i32
        %shift_left3A_651 = vector.broadcast %shift_left3A_650 : i32 to vector<16xi32>
        %shift_left3A_652 = arith.shli %get3A_649, %shift_left3A_651 : vector<16xi32>
        %bitcast3A_653 = vector.bitcast %shift_left3A_652 : vector<16xi32> to vector<16xf32>
        %and3A_654 = arith.andi %get3A_649, %broadcast_in_dim3A_3 : vector<16xi32>
        %bitcast3A_655 = vector.bitcast %and3A_654 : vector<16xi32> to vector<16xf32>
        %add3A_656 = arith.addf %add3A_630, %bitcast3A_653 : vector<16xf32>
        %add3A_657 = arith.addf %add3A_631, %bitcast3A_655 : vector<16xf32>
        %get3A_658 = arith.index_cast %add3A_646 : i32 to index
        %get3A_659 = arith.constant 16 : index
        %get3A_660 = tpu.vector_load %arg7[%get3A_658, %get3A_659] {strides = array<i32>} : memref<200x32xi32, #tpu.memory_space<vmem>>, vector<16xi32>,
        %shift_left3A_661 = arith.constant 16 : i32
        %shift_left3A_662 = vector.broadcast %shift_left3A_661 : i32 to vector<16xi32>
        %shift_left3A_663 = arith.shli %get3A_660, %shift_left3A_662 : vector<16xi32>
        %bitcast3A_664 = vector.bitcast %shift_left3A_663 : vector<16xi32> to vector<16xf32>
        %and3A_665 = arith.andi %get3A_660, %broadcast_in_dim3A_3 : vector<16xi32>
        %bitcast3A_666 = vector.bitcast %and3A_665 : vector<16xi32> to vector<16xf32>
        %add3A_667 = arith.addf %add3A_641, %bitcast3A_664 : vector<16xf32>
        %add3A_668 = arith.addf %add3A_642, %bitcast3A_666 : vector<16xf32>
        %mul3A_669 = arith.constant 8 : i32
        %mul3A_670 = arith.muli %scan3A_512, %mul3A_669 : i32
        %add3A_671 = arith.constant 6 : i32
        %add3A_672 = arith.addi %mul3A_670, %add3A_671 : i32
        %get3A_673 = arith.index_cast %add3A_672 : i32 to index
        %get3A_674 = arith.constant 0 : index
        %get3A_675 = tpu.vector_load %arg7[%get3A_673, %get3A_674] {strides = array<i32>} : memref<200x32xi32, #tpu.memory_space<vmem>>, vector<16xi32>,
        %shift_left3A_676 = arith.constant 16 : i32
        %shift_left3A_677 = vector.broadcast %shift_left3A_676 : i32 to vector<16xi32>
        %shift_left3A_678 = arith.shli %get3A_675, %shift_left3A_677 : vector<16xi32>
        %bitcast3A_679 = vector.bitcast %shift_left3A_678 : vector<16xi32> to vector<16xf32>
        %and3A_680 = arith.andi %get3A_675, %broadcast_in_dim3A_3 : vector<16xi32>
        %bitcast3A_681 = vector.bitcast %and3A_680 : vector<16xi32> to vector<16xf32>
        %add3A_682 = arith.addf %add3A_656, %bitcast3A_679 : vector<16xf32>
        %add3A_683 = arith.addf %add3A_657, %bitcast3A_681 : vector<16xf32>
        %get3A_684 = arith.index_cast %add3A_672 : i32 to index
        %get3A_685 = arith.constant 16 : index
        %get3A_686 = tpu.vector_load %arg7[%get3A_684, %get3A_685] {strides = array<i32>} : memref<200x32xi32, #tpu.memory_space<vmem>>, vector<16xi32>,
        %shift_left3A_687 = arith.constant 16 : i32
        %shift_left3A_688 = vector.broadcast %shift_left3A_687 : i32 to vector<16xi32>
        %shift_left3A_689 = arith.shli %get3A_686, %shift_left3A_688 : vector<16xi32>
        %bitcast3A_690 = vector.bitcast %shift_left3A_689 : vector<16xi32> to vector<16xf32>
        %and3A_691 = arith.andi %get3A_686, %broadcast_in_dim3A_3 : vector<16xi32>
        %bitcast3A_692 = vector.bitcast %and3A_691 : vector<16xi32> to vector<16xf32>
        %add3A_693 = arith.addf %add3A_667, %bitcast3A_690 : vector<16xf32>
        %add3A_694 = arith.addf %add3A_668, %bitcast3A_692 : vector<16xf32>
        %mul3A_695 = arith.constant 8 : i32
        %mul3A_696 = arith.muli %scan3A_512, %mul3A_695 : i32
        %add3A_697 = arith.constant 7 : i32
        %add3A_698 = arith.addi %mul3A_696, %add3A_697 : i32
        %get3A_699 = arith.index_cast %add3A_698 : i32 to index
        %get3A_700 = arith.constant 0 : index
        %get3A_701 = tpu.vector_load %arg7[%get3A_699, %get3A_700] {strides = array<i32>} : memref<200x32xi32, #tpu.memory_space<vmem>>, vector<16xi32>,
        %shift_left3A_702 = arith.constant 16 : i32
        %shift_left3A_703 = vector.broadcast %shift_left3A_702 : i32 to vector<16xi32>
        %shift_left3A_704 = arith.shli %get3A_701, %shift_left3A_703 : vector<16xi32>
        %bitcast3A_705 = vector.bitcast %shift_left3A_704 : vector<16xi32> to vector<16xf32>
        %and3A_706 = arith.andi %get3A_701, %broadcast_in_dim3A_3 : vector<16xi32>
        %bitcast3A_707 = vector.bitcast %and3A_706 : vector<16xi32> to vector<16xf32>
        %add3A_708 = arith.addf %add3A_682, %bitcast3A_705 : vector<16xf32>
        %add3A_709 = arith.addf %add3A_683, %bitcast3A_707 : vector<16xf32>
        %get3A_710 = arith.index_cast %add3A_698 : i32 to index
        %get3A_711 = arith.constant 16 : index
        %get3A_712 = tpu.vector_load %arg7[%get3A_710, %get3A_711] {strides = array<i32>} : memref<200x32xi32, #tpu.memory_space<vmem>>, vector<16xi32>,
        %shift_left3A_713 = arith.constant 16 : i32
        %shift_left3A_714 = vector.broadcast %shift_left3A_713 : i32 to vector<16xi32>
        %shift_left3A_715 = arith.shli %get3A_712, %shift_left3A_714 : vector<16xi32>
        %bitcast3A_716 = vector.bitcast %shift_left3A_715 : vector<16xi32> to vector<16xf32>
        %and3A_717 = arith.andi %get3A_712, %broadcast_in_dim3A_3 : vector<16xi32>
        %bitcast3A_718 = vector.bitcast %and3A_717 : vector<16xi32> to vector<16xf32>
        %add3A_719 = arith.addf %add3A_693, %bitcast3A_716 : vector<16xf32>
        %add3A_720 = arith.addf %add3A_694, %bitcast3A_718 : vector<16xf32>
        scf.yield %add3A_708, %add3A_709, %add3A_719, %add3A_720 : vector<16xf32>, vector<16xf32>, vector<16xf32>, vector<16xf32>
      }
      %scan3A_193 = arith.constant 25 : i32
      %mul3A_194 = arith.constant 5.000000e-03 : f32
      %mul3A_195 = vector.broadcast %mul3A_194 : f32 to vector<16xf32>
      %mul3A_196 = arith.mulf %scan3A_192#0, %mul3A_195 : vector<16xf32>
      %swap3A_197 = arith.index_cast %add3A_170 : i32 to index
      %swap3A_198 = arith.constant 0 : index
      %swap3A_199 = tpu.vector_load %arg14[%swap3A_197, %swap3A_198] {strides = array<i32>} : memref<128x64xf32, #tpu.memory_space<vmem>>, vector<16xf32>,
      tpu.vector_store %arg14[%swap3A_197, %swap3A_198], %mul3A_196 {strides = array<i32>} : memref<128x64xf32, #tpu.memory_space<vmem>>, vector<16xf32>,
      %mul3A_200 = arith.constant 5.000000e-03 : f32
      %mul3A_201 = vector.broadcast %mul3A_200 : f32 to vector<16xf32>
      %mul3A_202 = arith.mulf %scan3A_192#1, %mul3A_201 : vector<16xf32>
      %swap3A_203 = arith.index_cast %add3A_170 : i32 to index
      %swap3A_204 = arith.constant 16 : index
      %swap3A_205 = tpu.vector_load %arg14[%swap3A_203, %swap3A_204] {strides = array<i32>} : memref<128x64xf32, #tpu.memory_space<vmem>>, vector<16xf32>,
      tpu.vector_store %arg14[%swap3A_203, %swap3A_204], %mul3A_202 {strides = array<i32>} : memref<128x64xf32, #tpu.memory_space<vmem>>, vector<16xf32>,
      %mul3A_206 = arith.constant 5.000000e-03 : f32
      %mul3A_207 = vector.broadcast %mul3A_206 : f32 to vector<16xf32>
      %mul3A_208 = arith.mulf %scan3A_192#2, %mul3A_207 : vector<16xf32>
      %swap3A_209 = arith.index_cast %add3A_170 : i32 to index
      %swap3A_210 = arith.constant 32 : index
      %swap3A_211 = tpu.vector_load %arg14[%swap3A_209, %swap3A_210] {strides = array<i32>} : memref<128x64xf32, #tpu.memory_space<vmem>>, vector<16xf32>,
      tpu.vector_store %arg14[%swap3A_209, %swap3A_210], %mul3A_208 {strides = array<i32>} : memref<128x64xf32, #tpu.memory_space<vmem>>, vector<16xf32>,
      %mul3A_212 = arith.constant 5.000000e-03 : f32
      %mul3A_213 = vector.broadcast %mul3A_212 : f32 to vector<16xf32>
      %mul3A_214 = arith.mulf %scan3A_192#3, %mul3A_213 : vector<16xf32>
      %swap3A_215 = arith.index_cast %add3A_170 : i32 to index
      %swap3A_216 = arith.constant 48 : index
      %swap3A_217 = tpu.vector_load %arg14[%swap3A_215, %swap3A_216] {strides = array<i32>} : memref<128x64xf32, #tpu.memory_space<vmem>>, vector<16xf32>,
      tpu.vector_store %arg14[%swap3A_215, %swap3A_216], %mul3A_214 {strides = array<i32>} : memref<128x64xf32, #tpu.memory_space<vmem>>, vector<16xf32>,
      %add3A_218 = arith.constant 2 : i32
      %add3A_219 = arith.addi %add3A_125, %add3A_218 : i32
      %add3A_220 = arith.constant 8 : i32
      %add3A_221 = arith.addi %add3A_219, %add3A_220 : i32
      %sub3A_222 = arith.constant 1 : i32
      %sub3A_223 = arith.subi %add3A_221, %sub3A_222 : i32
      %lt3A_224 = arith.constant 128 : i32
      %lt3A_225 = arith.cmpi slt, %sub3A_223, %lt3A_224 : i32
      %convert_element_type3A_226 = arith.extui %lt3A_225 : i1 to i32
      %cond3A_227 = arith.constant 0 : i32
      %cond3A_228 = arith.cmpi ne, %convert_element_type3A_226, %cond3A_227 : i32
      scf.if %cond3A_228 {
        %add3A_512 = arith.constant 8 : i32
        %add3A_513 = arith.addi %add3A_219, %add3A_512 : i32
        %sub3A_514 = arith.constant 1 : i32
        %sub3A_515 = arith.subi %add3A_513, %sub3A_514 : i32
        %mul3A_516 = arith.constant 200 : i32
        %mul3A_517 = arith.muli %sub3A_515, %mul3A_516 : i32
        %dma_start3A_518 = arith.constant 0 : i32
        %dma_start3A_519 = arith.constant 0 : i32
        %dma_start3A_520 = tpu.memref_slice %arg7[%dma_start3A_518, %dma_start3A_519] : memref<200x32xi32, #tpu.memory_space<vmem>> -> memref<128x32xi32, #tpu.memory_space<vmem>>
        %dma_start3A_521 = tpu.memref_slice %arg5[%mul3A_517] : memref<25600xi32, #tpu.memory_space<vmem>> -> memref<128xi32, #tpu.memory_space<vmem>>
        %dma_start3A_522 = arith.constant 0 : i32
        %dma_start3A_523 = arith.constant 0 : i32
        %dma_start3A_524 = tpu.memref_slice %arg2[%dma_start3A_522, %dma_start3A_523] : memref<100000x32xi32, #tpu.memory_space<hbm>> -> memref<100000x32xi32, #tpu.memory_space<hbm>>
        tpu.enqueue_indirect_dma source(%dma_start3A_524 : memref<100000x32xi32, #tpu.memory_space<hbm>>) target(%dma_start3A_520 : memref<128x32xi32, #tpu.memory_space<vmem>>) offsets(%dma_start3A_521 : memref<128xi32, #tpu.memory_space<vmem>>) semaphore(%arg16 : memref<!tpu.dma_semaphore, #tpu.memory_space<semaphore_mem>>)
        %add3A_525 = arith.constant 128 : i32
        %add3A_526 = arith.addi %mul3A_517, %add3A_525 : i32
        %dma_start3A_527 = arith.constant 128 : i32
        %dma_start3A_528 = arith.constant 0 : i32
        %dma_start3A_529 = tpu.memref_slice %arg7[%dma_start3A_527, %dma_start3A_528] : memref<200x32xi32, #tpu.memory_space<vmem>> -> memref<72x32xi32, #tpu.memory_space<vmem>>
        %dma_start3A_530 = tpu.memref_slice %arg5[%add3A_526] : memref<25600xi32, #tpu.memory_space<vmem>> -> memref<72xi32, #tpu.memory_space<vmem>>
        %dma_start3A_531 = arith.constant 0 : i32
        %dma_start3A_532 = arith.constant 0 : i32
        %dma_start3A_533 = tpu.memref_slice %arg2[%dma_start3A_531, %dma_start3A_532] : memref<100000x32xi32, #tpu.memory_space<hbm>> -> memref<100000x32xi32, #tpu.memory_space<hbm>>
        tpu.enqueue_indirect_dma source(%dma_start3A_533 : memref<100000x32xi32, #tpu.memory_space<hbm>>) target(%dma_start3A_529 : memref<72x32xi32, #tpu.memory_space<vmem>>) offsets(%dma_start3A_530 : memref<72xi32, #tpu.memory_space<vmem>>) semaphore(%arg16 : memref<!tpu.dma_semaphore, #tpu.memory_space<semaphore_mem>>)
      } else {
      }
      %dma_wait3A_229 = arith.constant 0 : i32
      %dma_wait3A_230 = arith.constant 0 : i32
      %dma_wait3A_231 = tpu.memref_slice %arg2[%dma_wait3A_229, %dma_wait3A_230] : memref<100000x32xi32, #tpu.memory_space<hbm>> -> memref<200x32xi32, #tpu.memory_space<hbm>>
      %dma_wait3A_232 = arith.constant 0 : i32
      %dma_wait3A_233 = arith.constant 0 : i32
      %dma_wait3A_234 = tpu.memref_slice %arg2[%dma_wait3A_232, %dma_wait3A_233] : memref<100000x32xi32, #tpu.memory_space<hbm>> -> memref<200x32xi32, #tpu.memory_space<hbm>>
      tpu.wait_dma2 semaphore(%arg17 : memref<!tpu.dma_semaphore, #tpu.memory_space<semaphore_mem>>) src(%dma_wait3A_234 : memref<200x32xi32, #tpu.memory_space<hbm>>) dst(%arg8 : memref<200x32xi32, #tpu.memory_space<vmem>>)
      %broadcast_in_dim3A_235 = arith.constant 0.000000e+00 : f32
      %broadcast_in_dim3A_236 = vector.broadcast %broadcast_in_dim3A_235 : f32 to vector<16xf32>
      %scan3A_237 = arith.constant 0 : i32
      %scan3A_238 = arith.constant 25 : i32
      %scan3A_239 = arith.addi %scan3A_237, %scan3A_238 : i32
      %scan3A_240 = arith.constant 1 : i32
      %scan3A_241:4 = scf.for %scan3A_512 = %scan3A_237 to %scan3A_239 step %scan3A_240 iter_args(%scan3A_513 = %broadcast_in_dim3A_236, %scan3A_514 = %broadcast_in_dim3A_236, %scan3A_515 = %broadcast_in_dim3A_236, %scan3A_516 = %broadcast_in_dim3A_236) -> (vector<16xf32>, vector<16xf32>, vector<16xf32>, vector<16xf32>)  : i32 {
        %mul3A_517 = arith.constant 8 : i32
        %mul3A_518 = arith.muli %scan3A_512, %mul3A_517 : i32
        %add3A_519 = arith.constant 0 : i32
        %add3A_520 = arith.addi %mul3A_518, %add3A_519 : i32
        %get3A = arith.index_cast %add3A_520 : i32 to index
        %get3A_521 = arith.constant 0 : index
        %get3A_522 = tpu.vector_load %arg8[%get3A, %get3A_521] {strides = array<i32>} : memref<200x32xi32, #tpu.memory_space<vmem>>, vector<16xi32>,
        %shift_left3A = arith.constant 16 : i32
        %shift_left3A_523 = vector.broadcast %shift_left3A : i32 to vector<16xi32>
        %shift_left3A_524 = arith.shli %get3A_522, %shift_left3A_523 : vector<16xi32>
        %bitcast3A = vector.bitcast %shift_left3A_524 : vector<16xi32> to vector<16xf32>
        %and3A = arith.andi %get3A_522, %broadcast_in_dim3A_3 : vector<16xi32>
        %bitcast3A_525 = vector.bitcast %and3A : vector<16xi32> to vector<16xf32>
        %add3A_526 = arith.addf %scan3A_513, %bitcast3A : vector<16xf32>
        %add3A_527 = arith.addf %scan3A_514, %bitcast3A_525 : vector<16xf32>
        %get3A_528 = arith.index_cast %add3A_520 : i32 to index
        %get3A_529 = arith.constant 16 : index
        %get3A_530 = tpu.vector_load %arg8[%get3A_528, %get3A_529] {strides = array<i32>} : memref<200x32xi32, #tpu.memory_space<vmem>>, vector<16xi32>,
        %shift_left3A_531 = arith.constant 16 : i32
        %shift_left3A_532 = vector.broadcast %shift_left3A_531 : i32 to vector<16xi32>
        %shift_left3A_533 = arith.shli %get3A_530, %shift_left3A_532 : vector<16xi32>
        %bitcast3A_534 = vector.bitcast %shift_left3A_533 : vector<16xi32> to vector<16xf32>
        %and3A_535 = arith.andi %get3A_530, %broadcast_in_dim3A_3 : vector<16xi32>
        %bitcast3A_536 = vector.bitcast %and3A_535 : vector<16xi32> to vector<16xf32>
        %add3A_537 = arith.addf %scan3A_515, %bitcast3A_534 : vector<16xf32>
        %add3A_538 = arith.addf %scan3A_516, %bitcast3A_536 : vector<16xf32>
        %mul3A_539 = arith.constant 8 : i32
        %mul3A_540 = arith.muli %scan3A_512, %mul3A_539 : i32
        %add3A_541 = arith.constant 1 : i32
        %add3A_542 = arith.addi %mul3A_540, %add3A_541 : i32
        %get3A_543 = arith.index_cast %add3A_542 : i32 to index
        %get3A_544 = arith.constant 0 : index
        %get3A_545 = tpu.vector_load %arg8[%get3A_543, %get3A_544] {strides = array<i32>} : memref<200x32xi32, #tpu.memory_space<vmem>>, vector<16xi32>,
        %shift_left3A_546 = arith.constant 16 : i32
        %shift_left3A_547 = vector.broadcast %shift_left3A_546 : i32 to vector<16xi32>
        %shift_left3A_548 = arith.shli %get3A_545, %shift_left3A_547 : vector<16xi32>
        %bitcast3A_549 = vector.bitcast %shift_left3A_548 : vector<16xi32> to vector<16xf32>
        %and3A_550 = arith.andi %get3A_545, %broadcast_in_dim3A_3 : vector<16xi32>
        %bitcast3A_551 = vector.bitcast %and3A_550 : vector<16xi32> to vector<16xf32>
        %add3A_552 = arith.addf %add3A_526, %bitcast3A_549 : vector<16xf32>
        %add3A_553 = arith.addf %add3A_527, %bitcast3A_551 : vector<16xf32>
        %get3A_554 = arith.index_cast %add3A_542 : i32 to index
        %get3A_555 = arith.constant 16 : index
        %get3A_556 = tpu.vector_load %arg8[%get3A_554, %get3A_555] {strides = array<i32>} : memref<200x32xi32, #tpu.memory_space<vmem>>, vector<16xi32>,
        %shift_left3A_557 = arith.constant 16 : i32
        %shift_left3A_558 = vector.broadcast %shift_left3A_557 : i32 to vector<16xi32>
        %shift_left3A_559 = arith.shli %get3A_556, %shift_left3A_558 : vector<16xi32>
        %bitcast3A_560 = vector.bitcast %shift_left3A_559 : vector<16xi32> to vector<16xf32>
        %and3A_561 = arith.andi %get3A_556, %broadcast_in_dim3A_3 : vector<16xi32>
        %bitcast3A_562 = vector.bitcast %and3A_561 : vector<16xi32> to vector<16xf32>
        %add3A_563 = arith.addf %add3A_537, %bitcast3A_560 : vector<16xf32>
        %add3A_564 = arith.addf %add3A_538, %bitcast3A_562 : vector<16xf32>
        %mul3A_565 = arith.constant 8 : i32
        %mul3A_566 = arith.muli %scan3A_512, %mul3A_565 : i32
        %add3A_567 = arith.constant 2 : i32
        %add3A_568 = arith.addi %mul3A_566, %add3A_567 : i32
        %get3A_569 = arith.index_cast %add3A_568 : i32 to index
        %get3A_570 = arith.constant 0 : index
        %get3A_571 = tpu.vector_load %arg8[%get3A_569, %get3A_570] {strides = array<i32>} : memref<200x32xi32, #tpu.memory_space<vmem>>, vector<16xi32>,
        %shift_left3A_572 = arith.constant 16 : i32
        %shift_left3A_573 = vector.broadcast %shift_left3A_572 : i32 to vector<16xi32>
        %shift_left3A_574 = arith.shli %get3A_571, %shift_left3A_573 : vector<16xi32>
        %bitcast3A_575 = vector.bitcast %shift_left3A_574 : vector<16xi32> to vector<16xf32>
        %and3A_576 = arith.andi %get3A_571, %broadcast_in_dim3A_3 : vector<16xi32>
        %bitcast3A_577 = vector.bitcast %and3A_576 : vector<16xi32> to vector<16xf32>
        %add3A_578 = arith.addf %add3A_552, %bitcast3A_575 : vector<16xf32>
        %add3A_579 = arith.addf %add3A_553, %bitcast3A_577 : vector<16xf32>
        %get3A_580 = arith.index_cast %add3A_568 : i32 to index
        %get3A_581 = arith.constant 16 : index
        %get3A_582 = tpu.vector_load %arg8[%get3A_580, %get3A_581] {strides = array<i32>} : memref<200x32xi32, #tpu.memory_space<vmem>>, vector<16xi32>,
        %shift_left3A_583 = arith.constant 16 : i32
        %shift_left3A_584 = vector.broadcast %shift_left3A_583 : i32 to vector<16xi32>
        %shift_left3A_585 = arith.shli %get3A_582, %shift_left3A_584 : vector<16xi32>
        %bitcast3A_586 = vector.bitcast %shift_left3A_585 : vector<16xi32> to vector<16xf32>
        %and3A_587 = arith.andi %get3A_582, %broadcast_in_dim3A_3 : vector<16xi32>
        %bitcast3A_588 = vector.bitcast %and3A_587 : vector<16xi32> to vector<16xf32>
        %add3A_589 = arith.addf %add3A_563, %bitcast3A_586 : vector<16xf32>
        %add3A_590 = arith.addf %add3A_564, %bitcast3A_588 : vector<16xf32>
        %mul3A_591 = arith.constant 8 : i32
        %mul3A_592 = arith.muli %scan3A_512, %mul3A_591 : i32
        %add3A_593 = arith.constant 3 : i32
        %add3A_594 = arith.addi %mul3A_592, %add3A_593 : i32
        %get3A_595 = arith.index_cast %add3A_594 : i32 to index
        %get3A_596 = arith.constant 0 : index
        %get3A_597 = tpu.vector_load %arg8[%get3A_595, %get3A_596] {strides = array<i32>} : memref<200x32xi32, #tpu.memory_space<vmem>>, vector<16xi32>,
        %shift_left3A_598 = arith.constant 16 : i32
        %shift_left3A_599 = vector.broadcast %shift_left3A_598 : i32 to vector<16xi32>
        %shift_left3A_600 = arith.shli %get3A_597, %shift_left3A_599 : vector<16xi32>
        %bitcast3A_601 = vector.bitcast %shift_left3A_600 : vector<16xi32> to vector<16xf32>
        %and3A_602 = arith.andi %get3A_597, %broadcast_in_dim3A_3 : vector<16xi32>
        %bitcast3A_603 = vector.bitcast %and3A_602 : vector<16xi32> to vector<16xf32>
        %add3A_604 = arith.addf %add3A_578, %bitcast3A_601 : vector<16xf32>
        %add3A_605 = arith.addf %add3A_579, %bitcast3A_603 : vector<16xf32>
        %get3A_606 = arith.index_cast %add3A_594 : i32 to index
        %get3A_607 = arith.constant 16 : index
        %get3A_608 = tpu.vector_load %arg8[%get3A_606, %get3A_607] {strides = array<i32>} : memref<200x32xi32, #tpu.memory_space<vmem>>, vector<16xi32>,
        %shift_left3A_609 = arith.constant 16 : i32
        %shift_left3A_610 = vector.broadcast %shift_left3A_609 : i32 to vector<16xi32>
        %shift_left3A_611 = arith.shli %get3A_608, %shift_left3A_610 : vector<16xi32>
        %bitcast3A_612 = vector.bitcast %shift_left3A_611 : vector<16xi32> to vector<16xf32>
        %and3A_613 = arith.andi %get3A_608, %broadcast_in_dim3A_3 : vector<16xi32>
        %bitcast3A_614 = vector.bitcast %and3A_613 : vector<16xi32> to vector<16xf32>
        %add3A_615 = arith.addf %add3A_589, %bitcast3A_612 : vector<16xf32>
        %add3A_616 = arith.addf %add3A_590, %bitcast3A_614 : vector<16xf32>
        %mul3A_617 = arith.constant 8 : i32
        %mul3A_618 = arith.muli %scan3A_512, %mul3A_617 : i32
        %add3A_619 = arith.constant 4 : i32
        %add3A_620 = arith.addi %mul3A_618, %add3A_619 : i32
        %get3A_621 = arith.index_cast %add3A_620 : i32 to index
        %get3A_622 = arith.constant 0 : index
        %get3A_623 = tpu.vector_load %arg8[%get3A_621, %get3A_622] {strides = array<i32>} : memref<200x32xi32, #tpu.memory_space<vmem>>, vector<16xi32>,
        %shift_left3A_624 = arith.constant 16 : i32
        %shift_left3A_625 = vector.broadcast %shift_left3A_624 : i32 to vector<16xi32>
        %shift_left3A_626 = arith.shli %get3A_623, %shift_left3A_625 : vector<16xi32>
        %bitcast3A_627 = vector.bitcast %shift_left3A_626 : vector<16xi32> to vector<16xf32>
        %and3A_628 = arith.andi %get3A_623, %broadcast_in_dim3A_3 : vector<16xi32>
        %bitcast3A_629 = vector.bitcast %and3A_628 : vector<16xi32> to vector<16xf32>
        %add3A_630 = arith.addf %add3A_604, %bitcast3A_627 : vector<16xf32>
        %add3A_631 = arith.addf %add3A_605, %bitcast3A_629 : vector<16xf32>
        %get3A_632 = arith.index_cast %add3A_620 : i32 to index
        %get3A_633 = arith.constant 16 : index
        %get3A_634 = tpu.vector_load %arg8[%get3A_632, %get3A_633] {strides = array<i32>} : memref<200x32xi32, #tpu.memory_space<vmem>>, vector<16xi32>,
        %shift_left3A_635 = arith.constant 16 : i32
        %shift_left3A_636 = vector.broadcast %shift_left3A_635 : i32 to vector<16xi32>
        %shift_left3A_637 = arith.shli %get3A_634, %shift_left3A_636 : vector<16xi32>
        %bitcast3A_638 = vector.bitcast %shift_left3A_637 : vector<16xi32> to vector<16xf32>
        %and3A_639 = arith.andi %get3A_634, %broadcast_in_dim3A_3 : vector<16xi32>
        %bitcast3A_640 = vector.bitcast %and3A_639 : vector<16xi32> to vector<16xf32>
        %add3A_641 = arith.addf %add3A_615, %bitcast3A_638 : vector<16xf32>
        %add3A_642 = arith.addf %add3A_616, %bitcast3A_640 : vector<16xf32>
        %mul3A_643 = arith.constant 8 : i32
        %mul3A_644 = arith.muli %scan3A_512, %mul3A_643 : i32
        %add3A_645 = arith.constant 5 : i32
        %add3A_646 = arith.addi %mul3A_644, %add3A_645 : i32
        %get3A_647 = arith.index_cast %add3A_646 : i32 to index
        %get3A_648 = arith.constant 0 : index
        %get3A_649 = tpu.vector_load %arg8[%get3A_647, %get3A_648] {strides = array<i32>} : memref<200x32xi32, #tpu.memory_space<vmem>>, vector<16xi32>,
        %shift_left3A_650 = arith.constant 16 : i32
        %shift_left3A_651 = vector.broadcast %shift_left3A_650 : i32 to vector<16xi32>
        %shift_left3A_652 = arith.shli %get3A_649, %shift_left3A_651 : vector<16xi32>
        %bitcast3A_653 = vector.bitcast %shift_left3A_652 : vector<16xi32> to vector<16xf32>
        %and3A_654 = arith.andi %get3A_649, %broadcast_in_dim3A_3 : vector<16xi32>
        %bitcast3A_655 = vector.bitcast %and3A_654 : vector<16xi32> to vector<16xf32>
        %add3A_656 = arith.addf %add3A_630, %bitcast3A_653 : vector<16xf32>
        %add3A_657 = arith.addf %add3A_631, %bitcast3A_655 : vector<16xf32>
        %get3A_658 = arith.index_cast %add3A_646 : i32 to index
        %get3A_659 = arith.constant 16 : index
        %get3A_660 = tpu.vector_load %arg8[%get3A_658, %get3A_659] {strides = array<i32>} : memref<200x32xi32, #tpu.memory_space<vmem>>, vector<16xi32>,
        %shift_left3A_661 = arith.constant 16 : i32
        %shift_left3A_662 = vector.broadcast %shift_left3A_661 : i32 to vector<16xi32>
        %shift_left3A_663 = arith.shli %get3A_660, %shift_left3A_662 : vector<16xi32>
        %bitcast3A_664 = vector.bitcast %shift_left3A_663 : vector<16xi32> to vector<16xf32>
        %and3A_665 = arith.andi %get3A_660, %broadcast_in_dim3A_3 : vector<16xi32>
        %bitcast3A_666 = vector.bitcast %and3A_665 : vector<16xi32> to vector<16xf32>
        %add3A_667 = arith.addf %add3A_641, %bitcast3A_664 : vector<16xf32>
        %add3A_668 = arith.addf %add3A_642, %bitcast3A_666 : vector<16xf32>
        %mul3A_669 = arith.constant 8 : i32
        %mul3A_670 = arith.muli %scan3A_512, %mul3A_669 : i32
        %add3A_671 = arith.constant 6 : i32
        %add3A_672 = arith.addi %mul3A_670, %add3A_671 : i32
        %get3A_673 = arith.index_cast %add3A_672 : i32 to index
        %get3A_674 = arith.constant 0 : index
        %get3A_675 = tpu.vector_load %arg8[%get3A_673, %get3A_674] {strides = array<i32>} : memref<200x32xi32, #tpu.memory_space<vmem>>, vector<16xi32>,
        %shift_left3A_676 = arith.constant 16 : i32
        %shift_left3A_677 = vector.broadcast %shift_left3A_676 : i32 to vector<16xi32>
        %shift_left3A_678 = arith.shli %get3A_675, %shift_left3A_677 : vector<16xi32>
        %bitcast3A_679 = vector.bitcast %shift_left3A_678 : vector<16xi32> to vector<16xf32>
        %and3A_680 = arith.andi %get3A_675, %broadcast_in_dim3A_3 : vector<16xi32>
        %bitcast3A_681 = vector.bitcast %and3A_680 : vector<16xi32> to vector<16xf32>
        %add3A_682 = arith.addf %add3A_656, %bitcast3A_679 : vector<16xf32>
        %add3A_683 = arith.addf %add3A_657, %bitcast3A_681 : vector<16xf32>
        %get3A_684 = arith.index_cast %add3A_672 : i32 to index
        %get3A_685 = arith.constant 16 : index
        %get3A_686 = tpu.vector_load %arg8[%get3A_684, %get3A_685] {strides = array<i32>} : memref<200x32xi32, #tpu.memory_space<vmem>>, vector<16xi32>,
        %shift_left3A_687 = arith.constant 16 : i32
        %shift_left3A_688 = vector.broadcast %shift_left3A_687 : i32 to vector<16xi32>
        %shift_left3A_689 = arith.shli %get3A_686, %shift_left3A_688 : vector<16xi32>
        %bitcast3A_690 = vector.bitcast %shift_left3A_689 : vector<16xi32> to vector<16xf32>
        %and3A_691 = arith.andi %get3A_686, %broadcast_in_dim3A_3 : vector<16xi32>
        %bitcast3A_692 = vector.bitcast %and3A_691 : vector<16xi32> to vector<16xf32>
        %add3A_693 = arith.addf %add3A_667, %bitcast3A_690 : vector<16xf32>
        %add3A_694 = arith.addf %add3A_668, %bitcast3A_692 : vector<16xf32>
        %mul3A_695 = arith.constant 8 : i32
        %mul3A_696 = arith.muli %scan3A_512, %mul3A_695 : i32
        %add3A_697 = arith.constant 7 : i32
        %add3A_698 = arith.addi %mul3A_696, %add3A_697 : i32
        %get3A_699 = arith.index_cast %add3A_698 : i32 to index
        %get3A_700 = arith.constant 0 : index
        %get3A_701 = tpu.vector_load %arg8[%get3A_699, %get3A_700] {strides = array<i32>} : memref<200x32xi32, #tpu.memory_space<vmem>>, vector<16xi32>,
        %shift_left3A_702 = arith.constant 16 : i32
        %shift_left3A_703 = vector.broadcast %shift_left3A_702 : i32 to vector<16xi32>
        %shift_left3A_704 = arith.shli %get3A_701, %shift_left3A_703 : vector<16xi32>
        %bitcast3A_705 = vector.bitcast %shift_left3A_704 : vector<16xi32> to vector<16xf32>
        %and3A_706 = arith.andi %get3A_701, %broadcast_in_dim3A_3 : vector<16xi32>
        %bitcast3A_707 = vector.bitcast %and3A_706 : vector<16xi32> to vector<16xf32>
        %add3A_708 = arith.addf %add3A_682, %bitcast3A_705 : vector<16xf32>
        %add3A_709 = arith.addf %add3A_683, %bitcast3A_707 : vector<16xf32>
        %get3A_710 = arith.index_cast %add3A_698 : i32 to index
        %get3A_711 = arith.constant 16 : index
        %get3A_712 = tpu.vector_load %arg8[%get3A_710, %get3A_711] {strides = array<i32>} : memref<200x32xi32, #tpu.memory_space<vmem>>, vector<16xi32>,
        %shift_left3A_713 = arith.constant 16 : i32
        %shift_left3A_714 = vector.broadcast %shift_left3A_713 : i32 to vector<16xi32>
        %shift_left3A_715 = arith.shli %get3A_712, %shift_left3A_714 : vector<16xi32>
        %bitcast3A_716 = vector.bitcast %shift_left3A_715 : vector<16xi32> to vector<16xf32>
        %and3A_717 = arith.andi %get3A_712, %broadcast_in_dim3A_3 : vector<16xi32>
        %bitcast3A_718 = vector.bitcast %and3A_717 : vector<16xi32> to vector<16xf32>
        %add3A_719 = arith.addf %add3A_693, %bitcast3A_716 : vector<16xf32>
        %add3A_720 = arith.addf %add3A_694, %bitcast3A_718 : vector<16xf32>
        scf.yield %add3A_708, %add3A_709, %add3A_719, %add3A_720 : vector<16xf32>, vector<16xf32>, vector<16xf32>, vector<16xf32>
      }
      %scan3A_242 = arith.constant 25 : i32
      %mul3A_243 = arith.constant 5.000000e-03 : f32
      %mul3A_244 = vector.broadcast %mul3A_243 : f32 to vector<16xf32>
      %mul3A_245 = arith.mulf %scan3A_241#0, %mul3A_244 : vector<16xf32>
      %swap3A_246 = arith.index_cast %add3A_219 : i32 to index
      %swap3A_247 = arith.constant 0 : index
      %swap3A_248 = tpu.vector_load %arg14[%swap3A_246, %swap3A_247] {strides = array<i32>} : memref<128x64xf32, #tpu.memory_space<vmem>>, vector<16xf32>,
      tpu.vector_store %arg14[%swap3A_246, %swap3A_247], %mul3A_245 {strides = array<i32>} : memref<128x64xf32, #tpu.memory_space<vmem>>, vector<16xf32>,
      %mul3A_249 = arith.constant 5.000000e-03 : f32
      %mul3A_250 = vector.broadcast %mul3A_249 : f32 to vector<16xf32>
      %mul3A_251 = arith.mulf %scan3A_241#1, %mul3A_250 : vector<16xf32>
      %swap3A_252 = arith.index_cast %add3A_219 : i32 to index
      %swap3A_253 = arith.constant 16 : index
      %swap3A_254 = tpu.vector_load %arg14[%swap3A_252, %swap3A_253] {strides = array<i32>} : memref<128x64xf32, #tpu.memory_space<vmem>>, vector<16xf32>,
      tpu.vector_store %arg14[%swap3A_252, %swap3A_253], %mul3A_251 {strides = array<i32>} : memref<128x64xf32, #tpu.memory_space<vmem>>, vector<16xf32>,
      %mul3A_255 = arith.constant 5.000000e-03 : f32
      %mul3A_256 = vector.broadcast %mul3A_255 : f32 to vector<16xf32>
      %mul3A_257 = arith.mulf %scan3A_241#2, %mul3A_256 : vector<16xf32>
      %swap3A_258 = arith.index_cast %add3A_219 : i32 to index
      %swap3A_259 = arith.constant 32 : index
      %swap3A_260 = tpu.vector_load %arg14[%swap3A_258, %swap3A_259] {strides = array<i32>} : memref<128x64xf32, #tpu.memory_space<vmem>>, vector<16xf32>,
      tpu.vector_store %arg14[%swap3A_258, %swap3A_259], %mul3A_257 {strides = array<i32>} : memref<128x64xf32, #tpu.memory_space<vmem>>, vector<16xf32>,
      %mul3A_261 = arith.constant 5.000000e-03 : f32
      %mul3A_262 = vector.broadcast %mul3A_261 : f32 to vector<16xf32>
      %mul3A_263 = arith.mulf %scan3A_241#3, %mul3A_262 : vector<16xf32>
      %swap3A_264 = arith.index_cast %add3A_219 : i32 to index
      %swap3A_265 = arith.constant 48 : index
      %swap3A_266 = tpu.vector_load %arg14[%swap3A_264, %swap3A_265] {strides = array<i32>} : memref<128x64xf32, #tpu.memory_space<vmem>>, vector<16xf32>,
      tpu.vector_store %arg14[%swap3A_264, %swap3A_265], %mul3A_263 {strides = array<i32>} : memref<128x64xf32, #tpu.memory_space<vmem>>, vector<16xf32>,
      %add3A_267 = arith.constant 3 : i32
      %add3A_268 = arith.addi %add3A_125, %add3A_267 : i32
      %add3A_269 = arith.constant 8 : i32
      %add3A_270 = arith.addi %add3A_268, %add3A_269 : i32
      %sub3A_271 = arith.constant 1 : i32
      %sub3A_272 = arith.subi %add3A_270, %sub3A_271 : i32
      %lt3A_273 = arith.constant 128 : i32
      %lt3A_274 = arith.cmpi slt, %sub3A_272, %lt3A_273 : i32
      %convert_element_type3A_275 = arith.extui %lt3A_274 : i1 to i32
      %cond3A_276 = arith.constant 0 : i32
      %cond3A_277 = arith.cmpi ne, %convert_element_type3A_275, %cond3A_276 : i32
      scf.if %cond3A_277 {
        %add3A_512 = arith.constant 8 : i32
        %add3A_513 = arith.addi %add3A_268, %add3A_512 : i32
        %sub3A_514 = arith.constant 1 : i32
        %sub3A_515 = arith.subi %add3A_513, %sub3A_514 : i32
        %mul3A_516 = arith.constant 200 : i32
        %mul3A_517 = arith.muli %sub3A_515, %mul3A_516 : i32
        %dma_start3A_518 = arith.constant 0 : i32
        %dma_start3A_519 = arith.constant 0 : i32
        %dma_start3A_520 = tpu.memref_slice %arg8[%dma_start3A_518, %dma_start3A_519] : memref<200x32xi32, #tpu.memory_space<vmem>> -> memref<128x32xi32, #tpu.memory_space<vmem>>
        %dma_start3A_521 = tpu.memref_slice %arg5[%mul3A_517] : memref<25600xi32, #tpu.memory_space<vmem>> -> memref<128xi32, #tpu.memory_space<vmem>>
        %dma_start3A_522 = arith.constant 0 : i32
        %dma_start3A_523 = arith.constant 0 : i32
        %dma_start3A_524 = tpu.memref_slice %arg2[%dma_start3A_522, %dma_start3A_523] : memref<100000x32xi32, #tpu.memory_space<hbm>> -> memref<100000x32xi32, #tpu.memory_space<hbm>>
        tpu.enqueue_indirect_dma source(%dma_start3A_524 : memref<100000x32xi32, #tpu.memory_space<hbm>>) target(%dma_start3A_520 : memref<128x32xi32, #tpu.memory_space<vmem>>) offsets(%dma_start3A_521 : memref<128xi32, #tpu.memory_space<vmem>>) semaphore(%arg17 : memref<!tpu.dma_semaphore, #tpu.memory_space<semaphore_mem>>)
        %add3A_525 = arith.constant 128 : i32
        %add3A_526 = arith.addi %mul3A_517, %add3A_525 : i32
        %dma_start3A_527 = arith.constant 128 : i32
        %dma_start3A_528 = arith.constant 0 : i32
        %dma_start3A_529 = tpu.memref_slice %arg8[%dma_start3A_527, %dma_start3A_528] : memref<200x32xi32, #tpu.memory_space<vmem>> -> memref<72x32xi32, #tpu.memory_space<vmem>>
        %dma_start3A_530 = tpu.memref_slice %arg5[%add3A_526] : memref<25600xi32, #tpu.memory_space<vmem>> -> memref<72xi32, #tpu.memory_space<vmem>>
        %dma_start3A_531 = arith.constant 0 : i32
        %dma_start3A_532 = arith.constant 0 : i32
        %dma_start3A_533 = tpu.memref_slice %arg2[%dma_start3A_531, %dma_start3A_532] : memref<100000x32xi32, #tpu.memory_space<hbm>> -> memref<100000x32xi32, #tpu.memory_space<hbm>>
        tpu.enqueue_indirect_dma source(%dma_start3A_533 : memref<100000x32xi32, #tpu.memory_space<hbm>>) target(%dma_start3A_529 : memref<72x32xi32, #tpu.memory_space<vmem>>) offsets(%dma_start3A_530 : memref<72xi32, #tpu.memory_space<vmem>>) semaphore(%arg17 : memref<!tpu.dma_semaphore, #tpu.memory_space<semaphore_mem>>)
      } else {
      }
      %dma_wait3A_278 = arith.constant 0 : i32
      %dma_wait3A_279 = arith.constant 0 : i32
      %dma_wait3A_280 = tpu.memref_slice %arg2[%dma_wait3A_278, %dma_wait3A_279] : memref<100000x32xi32, #tpu.memory_space<hbm>> -> memref<200x32xi32, #tpu.memory_space<hbm>>
      %dma_wait3A_281 = arith.constant 0 : i32
      %dma_wait3A_282 = arith.constant 0 : i32
      %dma_wait3A_283 = tpu.memref_slice %arg2[%dma_wait3A_281, %dma_wait3A_282] : memref<100000x32xi32, #tpu.memory_space<hbm>> -> memref<200x32xi32, #tpu.memory_space<hbm>>
      tpu.wait_dma2 semaphore(%arg18 : memref<!tpu.dma_semaphore, #tpu.memory_space<semaphore_mem>>) src(%dma_wait3A_283 : memref<200x32xi32, #tpu.memory_space<hbm>>) dst(%arg9 : memref<200x32xi32, #tpu.memory_space<vmem>>)
      %broadcast_in_dim3A_284 = arith.constant 0.000000e+00 : f32
      %broadcast_in_dim3A_285 = vector.broadcast %broadcast_in_dim3A_284 : f32 to vector<16xf32>
      %scan3A_286 = arith.constant 0 : i32
      %scan3A_287 = arith.constant 25 : i32
      %scan3A_288 = arith.addi %scan3A_286, %scan3A_287 : i32
      %scan3A_289 = arith.constant 1 : i32
      %scan3A_290:4 = scf.for %scan3A_512 = %scan3A_286 to %scan3A_288 step %scan3A_289 iter_args(%scan3A_513 = %broadcast_in_dim3A_285, %scan3A_514 = %broadcast_in_dim3A_285, %scan3A_515 = %broadcast_in_dim3A_285, %scan3A_516 = %broadcast_in_dim3A_285) -> (vector<16xf32>, vector<16xf32>, vector<16xf32>, vector<16xf32>)  : i32 {
        %mul3A_517 = arith.constant 8 : i32
        %mul3A_518 = arith.muli %scan3A_512, %mul3A_517 : i32
        %add3A_519 = arith.constant 0 : i32
        %add3A_520 = arith.addi %mul3A_518, %add3A_519 : i32
        %get3A = arith.index_cast %add3A_520 : i32 to index
        %get3A_521 = arith.constant 0 : index
        %get3A_522 = tpu.vector_load %arg9[%get3A, %get3A_521] {strides = array<i32>} : memref<200x32xi32, #tpu.memory_space<vmem>>, vector<16xi32>,
        %shift_left3A = arith.constant 16 : i32
        %shift_left3A_523 = vector.broadcast %shift_left3A : i32 to vector<16xi32>
        %shift_left3A_524 = arith.shli %get3A_522, %shift_left3A_523 : vector<16xi32>
        %bitcast3A = vector.bitcast %shift_left3A_524 : vector<16xi32> to vector<16xf32>
        %and3A = arith.andi %get3A_522, %broadcast_in_dim3A_3 : vector<16xi32>
        %bitcast3A_525 = vector.bitcast %and3A : vector<16xi32> to vector<16xf32>
        %add3A_526 = arith.addf %scan3A_513, %bitcast3A : vector<16xf32>
        %add3A_527 = arith.addf %scan3A_514, %bitcast3A_525 : vector<16xf32>
        %get3A_528 = arith.index_cast %add3A_520 : i32 to index
        %get3A_529 = arith.constant 16 : index
        %get3A_530 = tpu.vector_load %arg9[%get3A_528, %get3A_529] {strides = array<i32>} : memref<200x32xi32, #tpu.memory_space<vmem>>, vector<16xi32>,
        %shift_left3A_531 = arith.constant 16 : i32
        %shift_left3A_532 = vector.broadcast %shift_left3A_531 : i32 to vector<16xi32>
        %shift_left3A_533 = arith.shli %get3A_530, %shift_left3A_532 : vector<16xi32>
        %bitcast3A_534 = vector.bitcast %shift_left3A_533 : vector<16xi32> to vector<16xf32>
        %and3A_535 = arith.andi %get3A_530, %broadcast_in_dim3A_3 : vector<16xi32>
        %bitcast3A_536 = vector.bitcast %and3A_535 : vector<16xi32> to vector<16xf32>
        %add3A_537 = arith.addf %scan3A_515, %bitcast3A_534 : vector<16xf32>
        %add3A_538 = arith.addf %scan3A_516, %bitcast3A_536 : vector<16xf32>
        %mul3A_539 = arith.constant 8 : i32
        %mul3A_540 = arith.muli %scan3A_512, %mul3A_539 : i32
        %add3A_541 = arith.constant 1 : i32
        %add3A_542 = arith.addi %mul3A_540, %add3A_541 : i32
        %get3A_543 = arith.index_cast %add3A_542 : i32 to index
        %get3A_544 = arith.constant 0 : index
        %get3A_545 = tpu.vector_load %arg9[%get3A_543, %get3A_544] {strides = array<i32>} : memref<200x32xi32, #tpu.memory_space<vmem>>, vector<16xi32>,
        %shift_left3A_546 = arith.constant 16 : i32
        %shift_left3A_547 = vector.broadcast %shift_left3A_546 : i32 to vector<16xi32>
        %shift_left3A_548 = arith.shli %get3A_545, %shift_left3A_547 : vector<16xi32>
        %bitcast3A_549 = vector.bitcast %shift_left3A_548 : vector<16xi32> to vector<16xf32>
        %and3A_550 = arith.andi %get3A_545, %broadcast_in_dim3A_3 : vector<16xi32>
        %bitcast3A_551 = vector.bitcast %and3A_550 : vector<16xi32> to vector<16xf32>
        %add3A_552 = arith.addf %add3A_526, %bitcast3A_549 : vector<16xf32>
        %add3A_553 = arith.addf %add3A_527, %bitcast3A_551 : vector<16xf32>
        %get3A_554 = arith.index_cast %add3A_542 : i32 to index
        %get3A_555 = arith.constant 16 : index
        %get3A_556 = tpu.vector_load %arg9[%get3A_554, %get3A_555] {strides = array<i32>} : memref<200x32xi32, #tpu.memory_space<vmem>>, vector<16xi32>,
        %shift_left3A_557 = arith.constant 16 : i32
        %shift_left3A_558 = vector.broadcast %shift_left3A_557 : i32 to vector<16xi32>
        %shift_left3A_559 = arith.shli %get3A_556, %shift_left3A_558 : vector<16xi32>
        %bitcast3A_560 = vector.bitcast %shift_left3A_559 : vector<16xi32> to vector<16xf32>
        %and3A_561 = arith.andi %get3A_556, %broadcast_in_dim3A_3 : vector<16xi32>
        %bitcast3A_562 = vector.bitcast %and3A_561 : vector<16xi32> to vector<16xf32>
        %add3A_563 = arith.addf %add3A_537, %bitcast3A_560 : vector<16xf32>
        %add3A_564 = arith.addf %add3A_538, %bitcast3A_562 : vector<16xf32>
        %mul3A_565 = arith.constant 8 : i32
        %mul3A_566 = arith.muli %scan3A_512, %mul3A_565 : i32
        %add3A_567 = arith.constant 2 : i32
        %add3A_568 = arith.addi %mul3A_566, %add3A_567 : i32
        %get3A_569 = arith.index_cast %add3A_568 : i32 to index
        %get3A_570 = arith.constant 0 : index
        %get3A_571 = tpu.vector_load %arg9[%get3A_569, %get3A_570] {strides = array<i32>} : memref<200x32xi32, #tpu.memory_space<vmem>>, vector<16xi32>,
        %shift_left3A_572 = arith.constant 16 : i32
        %shift_left3A_573 = vector.broadcast %shift_left3A_572 : i32 to vector<16xi32>
        %shift_left3A_574 = arith.shli %get3A_571, %shift_left3A_573 : vector<16xi32>
        %bitcast3A_575 = vector.bitcast %shift_left3A_574 : vector<16xi32> to vector<16xf32>
        %and3A_576 = arith.andi %get3A_571, %broadcast_in_dim3A_3 : vector<16xi32>
        %bitcast3A_577 = vector.bitcast %and3A_576 : vector<16xi32> to vector<16xf32>
        %add3A_578 = arith.addf %add3A_552, %bitcast3A_575 : vector<16xf32>
        %add3A_579 = arith.addf %add3A_553, %bitcast3A_577 : vector<16xf32>
        %get3A_580 = arith.index_cast %add3A_568 : i32 to index
        %get3A_581 = arith.constant 16 : index
        %get3A_582 = tpu.vector_load %arg9[%get3A_580, %get3A_581] {strides = array<i32>} : memref<200x32xi32, #tpu.memory_space<vmem>>, vector<16xi32>,
        %shift_left3A_583 = arith.constant 16 : i32
        %shift_left3A_584 = vector.broadcast %shift_left3A_583 : i32 to vector<16xi32>
        %shift_left3A_585 = arith.shli %get3A_582, %shift_left3A_584 : vector<16xi32>
        %bitcast3A_586 = vector.bitcast %shift_left3A_585 : vector<16xi32> to vector<16xf32>
        %and3A_587 = arith.andi %get3A_582, %broadcast_in_dim3A_3 : vector<16xi32>
        %bitcast3A_588 = vector.bitcast %and3A_587 : vector<16xi32> to vector<16xf32>
        %add3A_589 = arith.addf %add3A_563, %bitcast3A_586 : vector<16xf32>
        %add3A_590 = arith.addf %add3A_564, %bitcast3A_588 : vector<16xf32>
        %mul3A_591 = arith.constant 8 : i32
        %mul3A_592 = arith.muli %scan3A_512, %mul3A_591 : i32
        %add3A_593 = arith.constant 3 : i32
        %add3A_594 = arith.addi %mul3A_592, %add3A_593 : i32
        %get3A_595 = arith.index_cast %add3A_594 : i32 to index
        %get3A_596 = arith.constant 0 : index
        %get3A_597 = tpu.vector_load %arg9[%get3A_595, %get3A_596] {strides = array<i32>} : memref<200x32xi32, #tpu.memory_space<vmem>>, vector<16xi32>,
        %shift_left3A_598 = arith.constant 16 : i32
        %shift_left3A_599 = vector.broadcast %shift_left3A_598 : i32 to vector<16xi32>
        %shift_left3A_600 = arith.shli %get3A_597, %shift_left3A_599 : vector<16xi32>
        %bitcast3A_601 = vector.bitcast %shift_left3A_600 : vector<16xi32> to vector<16xf32>
        %and3A_602 = arith.andi %get3A_597, %broadcast_in_dim3A_3 : vector<16xi32>
        %bitcast3A_603 = vector.bitcast %and3A_602 : vector<16xi32> to vector<16xf32>
        %add3A_604 = arith.addf %add3A_578, %bitcast3A_601 : vector<16xf32>
        %add3A_605 = arith.addf %add3A_579, %bitcast3A_603 : vector<16xf32>
        %get3A_606 = arith.index_cast %add3A_594 : i32 to index
        %get3A_607 = arith.constant 16 : index
        %get3A_608 = tpu.vector_load %arg9[%get3A_606, %get3A_607] {strides = array<i32>} : memref<200x32xi32, #tpu.memory_space<vmem>>, vector<16xi32>,
        %shift_left3A_609 = arith.constant 16 : i32
        %shift_left3A_610 = vector.broadcast %shift_left3A_609 : i32 to vector<16xi32>
        %shift_left3A_611 = arith.shli %get3A_608, %shift_left3A_610 : vector<16xi32>
        %bitcast3A_612 = vector.bitcast %shift_left3A_611 : vector<16xi32> to vector<16xf32>
        %and3A_613 = arith.andi %get3A_608, %broadcast_in_dim3A_3 : vector<16xi32>
        %bitcast3A_614 = vector.bitcast %and3A_613 : vector<16xi32> to vector<16xf32>
        %add3A_615 = arith.addf %add3A_589, %bitcast3A_612 : vector<16xf32>
        %add3A_616 = arith.addf %add3A_590, %bitcast3A_614 : vector<16xf32>
        %mul3A_617 = arith.constant 8 : i32
        %mul3A_618 = arith.muli %scan3A_512, %mul3A_617 : i32
        %add3A_619 = arith.constant 4 : i32
        %add3A_620 = arith.addi %mul3A_618, %add3A_619 : i32
        %get3A_621 = arith.index_cast %add3A_620 : i32 to index
        %get3A_622 = arith.constant 0 : index
        %get3A_623 = tpu.vector_load %arg9[%get3A_621, %get3A_622] {strides = array<i32>} : memref<200x32xi32, #tpu.memory_space<vmem>>, vector<16xi32>,
        %shift_left3A_624 = arith.constant 16 : i32
        %shift_left3A_625 = vector.broadcast %shift_left3A_624 : i32 to vector<16xi32>
        %shift_left3A_626 = arith.shli %get3A_623, %shift_left3A_625 : vector<16xi32>
        %bitcast3A_627 = vector.bitcast %shift_left3A_626 : vector<16xi32> to vector<16xf32>
        %and3A_628 = arith.andi %get3A_623, %broadcast_in_dim3A_3 : vector<16xi32>
        %bitcast3A_629 = vector.bitcast %and3A_628 : vector<16xi32> to vector<16xf32>
        %add3A_630 = arith.addf %add3A_604, %bitcast3A_627 : vector<16xf32>
        %add3A_631 = arith.addf %add3A_605, %bitcast3A_629 : vector<16xf32>
        %get3A_632 = arith.index_cast %add3A_620 : i32 to index
        %get3A_633 = arith.constant 16 : index
        %get3A_634 = tpu.vector_load %arg9[%get3A_632, %get3A_633] {strides = array<i32>} : memref<200x32xi32, #tpu.memory_space<vmem>>, vector<16xi32>,
        %shift_left3A_635 = arith.constant 16 : i32
        %shift_left3A_636 = vector.broadcast %shift_left3A_635 : i32 to vector<16xi32>
        %shift_left3A_637 = arith.shli %get3A_634, %shift_left3A_636 : vector<16xi32>
        %bitcast3A_638 = vector.bitcast %shift_left3A_637 : vector<16xi32> to vector<16xf32>
        %and3A_639 = arith.andi %get3A_634, %broadcast_in_dim3A_3 : vector<16xi32>
        %bitcast3A_640 = vector.bitcast %and3A_639 : vector<16xi32> to vector<16xf32>
        %add3A_641 = arith.addf %add3A_615, %bitcast3A_638 : vector<16xf32>
        %add3A_642 = arith.addf %add3A_616, %bitcast3A_640 : vector<16xf32>
        %mul3A_643 = arith.constant 8 : i32
        %mul3A_644 = arith.muli %scan3A_512, %mul3A_643 : i32
        %add3A_645 = arith.constant 5 : i32
        %add3A_646 = arith.addi %mul3A_644, %add3A_645 : i32
        %get3A_647 = arith.index_cast %add3A_646 : i32 to index
        %get3A_648 = arith.constant 0 : index
        %get3A_649 = tpu.vector_load %arg9[%get3A_647, %get3A_648] {strides = array<i32>} : memref<200x32xi32, #tpu.memory_space<vmem>>, vector<16xi32>,
        %shift_left3A_650 = arith.constant 16 : i32
        %shift_left3A_651 = vector.broadcast %shift_left3A_650 : i32 to vector<16xi32>
        %shift_left3A_652 = arith.shli %get3A_649, %shift_left3A_651 : vector<16xi32>
        %bitcast3A_653 = vector.bitcast %shift_left3A_652 : vector<16xi32> to vector<16xf32>
        %and3A_654 = arith.andi %get3A_649, %broadcast_in_dim3A_3 : vector<16xi32>
        %bitcast3A_655 = vector.bitcast %and3A_654 : vector<16xi32> to vector<16xf32>
        %add3A_656 = arith.addf %add3A_630, %bitcast3A_653 : vector<16xf32>
        %add3A_657 = arith.addf %add3A_631, %bitcast3A_655 : vector<16xf32>
        %get3A_658 = arith.index_cast %add3A_646 : i32 to index
        %get3A_659 = arith.constant 16 : index
        %get3A_660 = tpu.vector_load %arg9[%get3A_658, %get3A_659] {strides = array<i32>} : memref<200x32xi32, #tpu.memory_space<vmem>>, vector<16xi32>,
        %shift_left3A_661 = arith.constant 16 : i32
        %shift_left3A_662 = vector.broadcast %shift_left3A_661 : i32 to vector<16xi32>
        %shift_left3A_663 = arith.shli %get3A_660, %shift_left3A_662 : vector<16xi32>
        %bitcast3A_664 = vector.bitcast %shift_left3A_663 : vector<16xi32> to vector<16xf32>
        %and3A_665 = arith.andi %get3A_660, %broadcast_in_dim3A_3 : vector<16xi32>
        %bitcast3A_666 = vector.bitcast %and3A_665 : vector<16xi32> to vector<16xf32>
        %add3A_667 = arith.addf %add3A_641, %bitcast3A_664 : vector<16xf32>
        %add3A_668 = arith.addf %add3A_642, %bitcast3A_666 : vector<16xf32>
        %mul3A_669 = arith.constant 8 : i32
        %mul3A_670 = arith.muli %scan3A_512, %mul3A_669 : i32
        %add3A_671 = arith.constant 6 : i32
        %add3A_672 = arith.addi %mul3A_670, %add3A_671 : i32
        %get3A_673 = arith.index_cast %add3A_672 : i32 to index
        %get3A_674 = arith.constant 0 : index
        %get3A_675 = tpu.vector_load %arg9[%get3A_673, %get3A_674] {strides = array<i32>} : memref<200x32xi32, #tpu.memory_space<vmem>>, vector<16xi32>,
        %shift_left3A_676 = arith.constant 16 : i32
        %shift_left3A_677 = vector.broadcast %shift_left3A_676 : i32 to vector<16xi32>
        %shift_left3A_678 = arith.shli %get3A_675, %shift_left3A_677 : vector<16xi32>
        %bitcast3A_679 = vector.bitcast %shift_left3A_678 : vector<16xi32> to vector<16xf32>
        %and3A_680 = arith.andi %get3A_675, %broadcast_in_dim3A_3 : vector<16xi32>
        %bitcast3A_681 = vector.bitcast %and3A_680 : vector<16xi32> to vector<16xf32>
        %add3A_682 = arith.addf %add3A_656, %bitcast3A_679 : vector<16xf32>
        %add3A_683 = arith.addf %add3A_657, %bitcast3A_681 : vector<16xf32>
        %get3A_684 = arith.index_cast %add3A_672 : i32 to index
        %get3A_685 = arith.constant 16 : index
        %get3A_686 = tpu.vector_load %arg9[%get3A_684, %get3A_685] {strides = array<i32>} : memref<200x32xi32, #tpu.memory_space<vmem>>, vector<16xi32>,
        %shift_left3A_687 = arith.constant 16 : i32
        %shift_left3A_688 = vector.broadcast %shift_left3A_687 : i32 to vector<16xi32>
        %shift_left3A_689 = arith.shli %get3A_686, %shift_left3A_688 : vector<16xi32>
        %bitcast3A_690 = vector.bitcast %shift_left3A_689 : vector<16xi32> to vector<16xf32>
        %and3A_691 = arith.andi %get3A_686, %broadcast_in_dim3A_3 : vector<16xi32>
        %bitcast3A_692 = vector.bitcast %and3A_691 : vector<16xi32> to vector<16xf32>
        %add3A_693 = arith.addf %add3A_667, %bitcast3A_690 : vector<16xf32>
        %add3A_694 = arith.addf %add3A_668, %bitcast3A_692 : vector<16xf32>
        %mul3A_695 = arith.constant 8 : i32
        %mul3A_696 = arith.muli %scan3A_512, %mul3A_695 : i32
        %add3A_697 = arith.constant 7 : i32
        %add3A_698 = arith.addi %mul3A_696, %add3A_697 : i32
        %get3A_699 = arith.index_cast %add3A_698 : i32 to index
        %get3A_700 = arith.constant 0 : index
        %get3A_701 = tpu.vector_load %arg9[%get3A_699, %get3A_700] {strides = array<i32>} : memref<200x32xi32, #tpu.memory_space<vmem>>, vector<16xi32>,
        %shift_left3A_702 = arith.constant 16 : i32
        %shift_left3A_703 = vector.broadcast %shift_left3A_702 : i32 to vector<16xi32>
        %shift_left3A_704 = arith.shli %get3A_701, %shift_left3A_703 : vector<16xi32>
        %bitcast3A_705 = vector.bitcast %shift_left3A_704 : vector<16xi32> to vector<16xf32>
        %and3A_706 = arith.andi %get3A_701, %broadcast_in_dim3A_3 : vector<16xi32>
        %bitcast3A_707 = vector.bitcast %and3A_706 : vector<16xi32> to vector<16xf32>
        %add3A_708 = arith.addf %add3A_682, %bitcast3A_705 : vector<16xf32>
        %add3A_709 = arith.addf %add3A_683, %bitcast3A_707 : vector<16xf32>
        %get3A_710 = arith.index_cast %add3A_698 : i32 to index
        %get3A_711 = arith.constant 16 : index
        %get3A_712 = tpu.vector_load %arg9[%get3A_710, %get3A_711] {strides = array<i32>} : memref<200x32xi32, #tpu.memory_space<vmem>>, vector<16xi32>,
        %shift_left3A_713 = arith.constant 16 : i32
        %shift_left3A_714 = vector.broadcast %shift_left3A_713 : i32 to vector<16xi32>
        %shift_left3A_715 = arith.shli %get3A_712, %shift_left3A_714 : vector<16xi32>
        %bitcast3A_716 = vector.bitcast %shift_left3A_715 : vector<16xi32> to vector<16xf32>
        %and3A_717 = arith.andi %get3A_712, %broadcast_in_dim3A_3 : vector<16xi32>
        %bitcast3A_718 = vector.bitcast %and3A_717 : vector<16xi32> to vector<16xf32>
        %add3A_719 = arith.addf %add3A_693, %bitcast3A_716 : vector<16xf32>
        %add3A_720 = arith.addf %add3A_694, %bitcast3A_718 : vector<16xf32>
        scf.yield %add3A_708, %add3A_709, %add3A_719, %add3A_720 : vector<16xf32>, vector<16xf32>, vector<16xf32>, vector<16xf32>
      }
      %scan3A_291 = arith.constant 25 : i32
      %mul3A_292 = arith.constant 5.000000e-03 : f32
      %mul3A_293 = vector.broadcast %mul3A_292 : f32 to vector<16xf32>
      %mul3A_294 = arith.mulf %scan3A_290#0, %mul3A_293 : vector<16xf32>
      %swap3A_295 = arith.index_cast %add3A_268 : i32 to index
      %swap3A_296 = arith.constant 0 : index
      %swap3A_297 = tpu.vector_load %arg14[%swap3A_295, %swap3A_296] {strides = array<i32>} : memref<128x64xf32, #tpu.memory_space<vmem>>, vector<16xf32>,
      tpu.vector_store %arg14[%swap3A_295, %swap3A_296], %mul3A_294 {strides = array<i32>} : memref<128x64xf32, #tpu.memory_space<vmem>>, vector<16xf32>,
      %mul3A_298 = arith.constant 5.000000e-03 : f32
      %mul3A_299 = vector.broadcast %mul3A_298 : f32 to vector<16xf32>
      %mul3A_300 = arith.mulf %scan3A_290#1, %mul3A_299 : vector<16xf32>
      %swap3A_301 = arith.index_cast %add3A_268 : i32 to index
      %swap3A_302 = arith.constant 16 : index
      %swap3A_303 = tpu.vector_load %arg14[%swap3A_301, %swap3A_302] {strides = array<i32>} : memref<128x64xf32, #tpu.memory_space<vmem>>, vector<16xf32>,
      tpu.vector_store %arg14[%swap3A_301, %swap3A_302], %mul3A_300 {strides = array<i32>} : memref<128x64xf32, #tpu.memory_space<vmem>>, vector<16xf32>,
      %mul3A_304 = arith.constant 5.000000e-03 : f32
      %mul3A_305 = vector.broadcast %mul3A_304 : f32 to vector<16xf32>
      %mul3A_306 = arith.mulf %scan3A_290#2, %mul3A_305 : vector<16xf32>
      %swap3A_307 = arith.index_cast %add3A_268 : i32 to index
      %swap3A_308 = arith.constant 32 : index
      %swap3A_309 = tpu.vector_load %arg14[%swap3A_307, %swap3A_308] {strides = array<i32>} : memref<128x64xf32, #tpu.memory_space<vmem>>, vector<16xf32>,
      tpu.vector_store %arg14[%swap3A_307, %swap3A_308], %mul3A_306 {strides = array<i32>} : memref<128x64xf32, #tpu.memory_space<vmem>>, vector<16xf32>,
      %mul3A_310 = arith.constant 5.000000e-03 : f32
      %mul3A_311 = vector.broadcast %mul3A_310 : f32 to vector<16xf32>
      %mul3A_312 = arith.mulf %scan3A_290#3, %mul3A_311 : vector<16xf32>
      %swap3A_313 = arith.index_cast %add3A_268 : i32 to index
      %swap3A_314 = arith.constant 48 : index
      %swap3A_315 = tpu.vector_load %arg14[%swap3A_313, %swap3A_314] {strides = array<i32>} : memref<128x64xf32, #tpu.memory_space<vmem>>, vector<16xf32>,
      tpu.vector_store %arg14[%swap3A_313, %swap3A_314], %mul3A_312 {strides = array<i32>} : memref<128x64xf32, #tpu.memory_space<vmem>>, vector<16xf32>,
      %add3A_316 = arith.constant 4 : i32
      %add3A_317 = arith.addi %add3A_125, %add3A_316 : i32
      %add3A_318 = arith.constant 8 : i32
      %add3A_319 = arith.addi %add3A_317, %add3A_318 : i32
      %sub3A_320 = arith.constant 1 : i32
      %sub3A_321 = arith.subi %add3A_319, %sub3A_320 : i32
      %lt3A_322 = arith.constant 128 : i32
      %lt3A_323 = arith.cmpi slt, %sub3A_321, %lt3A_322 : i32
      %convert_element_type3A_324 = arith.extui %lt3A_323 : i1 to i32
      %cond3A_325 = arith.constant 0 : i32
      %cond3A_326 = arith.cmpi ne, %convert_element_type3A_324, %cond3A_325 : i32
      scf.if %cond3A_326 {
        %add3A_512 = arith.constant 8 : i32
        %add3A_513 = arith.addi %add3A_317, %add3A_512 : i32
        %sub3A_514 = arith.constant 1 : i32
        %sub3A_515 = arith.subi %add3A_513, %sub3A_514 : i32
        %mul3A_516 = arith.constant 200 : i32
        %mul3A_517 = arith.muli %sub3A_515, %mul3A_516 : i32
        %dma_start3A_518 = arith.constant 0 : i32
        %dma_start3A_519 = arith.constant 0 : i32
        %dma_start3A_520 = tpu.memref_slice %arg9[%dma_start3A_518, %dma_start3A_519] : memref<200x32xi32, #tpu.memory_space<vmem>> -> memref<128x32xi32, #tpu.memory_space<vmem>>
        %dma_start3A_521 = tpu.memref_slice %arg5[%mul3A_517] : memref<25600xi32, #tpu.memory_space<vmem>> -> memref<128xi32, #tpu.memory_space<vmem>>
        %dma_start3A_522 = arith.constant 0 : i32
        %dma_start3A_523 = arith.constant 0 : i32
        %dma_start3A_524 = tpu.memref_slice %arg2[%dma_start3A_522, %dma_start3A_523] : memref<100000x32xi32, #tpu.memory_space<hbm>> -> memref<100000x32xi32, #tpu.memory_space<hbm>>
        tpu.enqueue_indirect_dma source(%dma_start3A_524 : memref<100000x32xi32, #tpu.memory_space<hbm>>) target(%dma_start3A_520 : memref<128x32xi32, #tpu.memory_space<vmem>>) offsets(%dma_start3A_521 : memref<128xi32, #tpu.memory_space<vmem>>) semaphore(%arg18 : memref<!tpu.dma_semaphore, #tpu.memory_space<semaphore_mem>>)
        %add3A_525 = arith.constant 128 : i32
        %add3A_526 = arith.addi %mul3A_517, %add3A_525 : i32
        %dma_start3A_527 = arith.constant 128 : i32
        %dma_start3A_528 = arith.constant 0 : i32
        %dma_start3A_529 = tpu.memref_slice %arg9[%dma_start3A_527, %dma_start3A_528] : memref<200x32xi32, #tpu.memory_space<vmem>> -> memref<72x32xi32, #tpu.memory_space<vmem>>
        %dma_start3A_530 = tpu.memref_slice %arg5[%add3A_526] : memref<25600xi32, #tpu.memory_space<vmem>> -> memref<72xi32, #tpu.memory_space<vmem>>
        %dma_start3A_531 = arith.constant 0 : i32
        %dma_start3A_532 = arith.constant 0 : i32
        %dma_start3A_533 = tpu.memref_slice %arg2[%dma_start3A_531, %dma_start3A_532] : memref<100000x32xi32, #tpu.memory_space<hbm>> -> memref<100000x32xi32, #tpu.memory_space<hbm>>
        tpu.enqueue_indirect_dma source(%dma_start3A_533 : memref<100000x32xi32, #tpu.memory_space<hbm>>) target(%dma_start3A_529 : memref<72x32xi32, #tpu.memory_space<vmem>>) offsets(%dma_start3A_530 : memref<72xi32, #tpu.memory_space<vmem>>) semaphore(%arg18 : memref<!tpu.dma_semaphore, #tpu.memory_space<semaphore_mem>>)
      } else {
      }
      %dma_wait3A_327 = arith.constant 0 : i32
      %dma_wait3A_328 = arith.constant 0 : i32
      %dma_wait3A_329 = tpu.memref_slice %arg2[%dma_wait3A_327, %dma_wait3A_328] : memref<100000x32xi32, #tpu.memory_space<hbm>> -> memref<200x32xi32, #tpu.memory_space<hbm>>
      %dma_wait3A_330 = arith.constant 0 : i32
      %dma_wait3A_331 = arith.constant 0 : i32
      %dma_wait3A_332 = tpu.memref_slice %arg2[%dma_wait3A_330, %dma_wait3A_331] : memref<100000x32xi32, #tpu.memory_space<hbm>> -> memref<200x32xi32, #tpu.memory_space<hbm>>
      tpu.wait_dma2 semaphore(%arg19 : memref<!tpu.dma_semaphore, #tpu.memory_space<semaphore_mem>>) src(%dma_wait3A_332 : memref<200x32xi32, #tpu.memory_space<hbm>>) dst(%arg10 : memref<200x32xi32, #tpu.memory_space<vmem>>)
      %broadcast_in_dim3A_333 = arith.constant 0.000000e+00 : f32
      %broadcast_in_dim3A_334 = vector.broadcast %broadcast_in_dim3A_333 : f32 to vector<16xf32>
      %scan3A_335 = arith.constant 0 : i32
      %scan3A_336 = arith.constant 25 : i32
      %scan3A_337 = arith.addi %scan3A_335, %scan3A_336 : i32
      %scan3A_338 = arith.constant 1 : i32
      %scan3A_339:4 = scf.for %scan3A_512 = %scan3A_335 to %scan3A_337 step %scan3A_338 iter_args(%scan3A_513 = %broadcast_in_dim3A_334, %scan3A_514 = %broadcast_in_dim3A_334, %scan3A_515 = %broadcast_in_dim3A_334, %scan3A_516 = %broadcast_in_dim3A_334) -> (vector<16xf32>, vector<16xf32>, vector<16xf32>, vector<16xf32>)  : i32 {
        %mul3A_517 = arith.constant 8 : i32
        %mul3A_518 = arith.muli %scan3A_512, %mul3A_517 : i32
        %add3A_519 = arith.constant 0 : i32
        %add3A_520 = arith.addi %mul3A_518, %add3A_519 : i32
        %get3A = arith.index_cast %add3A_520 : i32 to index
        %get3A_521 = arith.constant 0 : index
        %get3A_522 = tpu.vector_load %arg10[%get3A, %get3A_521] {strides = array<i32>} : memref<200x32xi32, #tpu.memory_space<vmem>>, vector<16xi32>,
        %shift_left3A = arith.constant 16 : i32
        %shift_left3A_523 = vector.broadcast %shift_left3A : i32 to vector<16xi32>
        %shift_left3A_524 = arith.shli %get3A_522, %shift_left3A_523 : vector<16xi32>
        %bitcast3A = vector.bitcast %shift_left3A_524 : vector<16xi32> to vector<16xf32>
        %and3A = arith.andi %get3A_522, %broadcast_in_dim3A_3 : vector<16xi32>
        %bitcast3A_525 = vector.bitcast %and3A : vector<16xi32> to vector<16xf32>
        %add3A_526 = arith.addf %scan3A_513, %bitcast3A : vector<16xf32>
        %add3A_527 = arith.addf %scan3A_514, %bitcast3A_525 : vector<16xf32>
        %get3A_528 = arith.index_cast %add3A_520 : i32 to index
        %get3A_529 = arith.constant 16 : index
        %get3A_530 = tpu.vector_load %arg10[%get3A_528, %get3A_529] {strides = array<i32>} : memref<200x32xi32, #tpu.memory_space<vmem>>, vector<16xi32>,
        %shift_left3A_531 = arith.constant 16 : i32
        %shift_left3A_532 = vector.broadcast %shift_left3A_531 : i32 to vector<16xi32>
        %shift_left3A_533 = arith.shli %get3A_530, %shift_left3A_532 : vector<16xi32>
        %bitcast3A_534 = vector.bitcast %shift_left3A_533 : vector<16xi32> to vector<16xf32>
        %and3A_535 = arith.andi %get3A_530, %broadcast_in_dim3A_3 : vector<16xi32>
        %bitcast3A_536 = vector.bitcast %and3A_535 : vector<16xi32> to vector<16xf32>
        %add3A_537 = arith.addf %scan3A_515, %bitcast3A_534 : vector<16xf32>
        %add3A_538 = arith.addf %scan3A_516, %bitcast3A_536 : vector<16xf32>
        %mul3A_539 = arith.constant 8 : i32
        %mul3A_540 = arith.muli %scan3A_512, %mul3A_539 : i32
        %add3A_541 = arith.constant 1 : i32
        %add3A_542 = arith.addi %mul3A_540, %add3A_541 : i32
        %get3A_543 = arith.index_cast %add3A_542 : i32 to index
        %get3A_544 = arith.constant 0 : index
        %get3A_545 = tpu.vector_load %arg10[%get3A_543, %get3A_544] {strides = array<i32>} : memref<200x32xi32, #tpu.memory_space<vmem>>, vector<16xi32>,
        %shift_left3A_546 = arith.constant 16 : i32
        %shift_left3A_547 = vector.broadcast %shift_left3A_546 : i32 to vector<16xi32>
        %shift_left3A_548 = arith.shli %get3A_545, %shift_left3A_547 : vector<16xi32>
        %bitcast3A_549 = vector.bitcast %shift_left3A_548 : vector<16xi32> to vector<16xf32>
        %and3A_550 = arith.andi %get3A_545, %broadcast_in_dim3A_3 : vector<16xi32>
        %bitcast3A_551 = vector.bitcast %and3A_550 : vector<16xi32> to vector<16xf32>
        %add3A_552 = arith.addf %add3A_526, %bitcast3A_549 : vector<16xf32>
        %add3A_553 = arith.addf %add3A_527, %bitcast3A_551 : vector<16xf32>
        %get3A_554 = arith.index_cast %add3A_542 : i32 to index
        %get3A_555 = arith.constant 16 : index
        %get3A_556 = tpu.vector_load %arg10[%get3A_554, %get3A_555] {strides = array<i32>} : memref<200x32xi32, #tpu.memory_space<vmem>>, vector<16xi32>,
        %shift_left3A_557 = arith.constant 16 : i32
        %shift_left3A_558 = vector.broadcast %shift_left3A_557 : i32 to vector<16xi32>
        %shift_left3A_559 = arith.shli %get3A_556, %shift_left3A_558 : vector<16xi32>
        %bitcast3A_560 = vector.bitcast %shift_left3A_559 : vector<16xi32> to vector<16xf32>
        %and3A_561 = arith.andi %get3A_556, %broadcast_in_dim3A_3 : vector<16xi32>
        %bitcast3A_562 = vector.bitcast %and3A_561 : vector<16xi32> to vector<16xf32>
        %add3A_563 = arith.addf %add3A_537, %bitcast3A_560 : vector<16xf32>
        %add3A_564 = arith.addf %add3A_538, %bitcast3A_562 : vector<16xf32>
        %mul3A_565 = arith.constant 8 : i32
        %mul3A_566 = arith.muli %scan3A_512, %mul3A_565 : i32
        %add3A_567 = arith.constant 2 : i32
        %add3A_568 = arith.addi %mul3A_566, %add3A_567 : i32
        %get3A_569 = arith.index_cast %add3A_568 : i32 to index
        %get3A_570 = arith.constant 0 : index
        %get3A_571 = tpu.vector_load %arg10[%get3A_569, %get3A_570] {strides = array<i32>} : memref<200x32xi32, #tpu.memory_space<vmem>>, vector<16xi32>,
        %shift_left3A_572 = arith.constant 16 : i32
        %shift_left3A_573 = vector.broadcast %shift_left3A_572 : i32 to vector<16xi32>
        %shift_left3A_574 = arith.shli %get3A_571, %shift_left3A_573 : vector<16xi32>
        %bitcast3A_575 = vector.bitcast %shift_left3A_574 : vector<16xi32> to vector<16xf32>
        %and3A_576 = arith.andi %get3A_571, %broadcast_in_dim3A_3 : vector<16xi32>
        %bitcast3A_577 = vector.bitcast %and3A_576 : vector<16xi32> to vector<16xf32>
        %add3A_578 = arith.addf %add3A_552, %bitcast3A_575 : vector<16xf32>
        %add3A_579 = arith.addf %add3A_553, %bitcast3A_577 : vector<16xf32>
        %get3A_580 = arith.index_cast %add3A_568 : i32 to index
        %get3A_581 = arith.constant 16 : index
        %get3A_582 = tpu.vector_load %arg10[%get3A_580, %get3A_581] {strides = array<i32>} : memref<200x32xi32, #tpu.memory_space<vmem>>, vector<16xi32>,
        %shift_left3A_583 = arith.constant 16 : i32
        %shift_left3A_584 = vector.broadcast %shift_left3A_583 : i32 to vector<16xi32>
        %shift_left3A_585 = arith.shli %get3A_582, %shift_left3A_584 : vector<16xi32>
        %bitcast3A_586 = vector.bitcast %shift_left3A_585 : vector<16xi32> to vector<16xf32>
        %and3A_587 = arith.andi %get3A_582, %broadcast_in_dim3A_3 : vector<16xi32>
        %bitcast3A_588 = vector.bitcast %and3A_587 : vector<16xi32> to vector<16xf32>
        %add3A_589 = arith.addf %add3A_563, %bitcast3A_586 : vector<16xf32>
        %add3A_590 = arith.addf %add3A_564, %bitcast3A_588 : vector<16xf32>
        %mul3A_591 = arith.constant 8 : i32
        %mul3A_592 = arith.muli %scan3A_512, %mul3A_591 : i32
        %add3A_593 = arith.constant 3 : i32
        %add3A_594 = arith.addi %mul3A_592, %add3A_593 : i32
        %get3A_595 = arith.index_cast %add3A_594 : i32 to index
        %get3A_596 = arith.constant 0 : index
        %get3A_597 = tpu.vector_load %arg10[%get3A_595, %get3A_596] {strides = array<i32>} : memref<200x32xi32, #tpu.memory_space<vmem>>, vector<16xi32>,
        %shift_left3A_598 = arith.constant 16 : i32
        %shift_left3A_599 = vector.broadcast %shift_left3A_598 : i32 to vector<16xi32>
        %shift_left3A_600 = arith.shli %get3A_597, %shift_left3A_599 : vector<16xi32>
        %bitcast3A_601 = vector.bitcast %shift_left3A_600 : vector<16xi32> to vector<16xf32>
        %and3A_602 = arith.andi %get3A_597, %broadcast_in_dim3A_3 : vector<16xi32>
        %bitcast3A_603 = vector.bitcast %and3A_602 : vector<16xi32> to vector<16xf32>
        %add3A_604 = arith.addf %add3A_578, %bitcast3A_601 : vector<16xf32>
        %add3A_605 = arith.addf %add3A_579, %bitcast3A_603 : vector<16xf32>
        %get3A_606 = arith.index_cast %add3A_594 : i32 to index
        %get3A_607 = arith.constant 16 : index
        %get3A_608 = tpu.vector_load %arg10[%get3A_606, %get3A_607] {strides = array<i32>} : memref<200x32xi32, #tpu.memory_space<vmem>>, vector<16xi32>,
        %shift_left3A_609 = arith.constant 16 : i32
        %shift_left3A_610 = vector.broadcast %shift_left3A_609 : i32 to vector<16xi32>
        %shift_left3A_611 = arith.shli %get3A_608, %shift_left3A_610 : vector<16xi32>
        %bitcast3A_612 = vector.bitcast %shift_left3A_611 : vector<16xi32> to vector<16xf32>
        %and3A_613 = arith.andi %get3A_608, %broadcast_in_dim3A_3 : vector<16xi32>
        %bitcast3A_614 = vector.bitcast %and3A_613 : vector<16xi32> to vector<16xf32>
        %add3A_615 = arith.addf %add3A_589, %bitcast3A_612 : vector<16xf32>
        %add3A_616 = arith.addf %add3A_590, %bitcast3A_614 : vector<16xf32>
        %mul3A_617 = arith.constant 8 : i32
        %mul3A_618 = arith.muli %scan3A_512, %mul3A_617 : i32
        %add3A_619 = arith.constant 4 : i32
        %add3A_620 = arith.addi %mul3A_618, %add3A_619 : i32
        %get3A_621 = arith.index_cast %add3A_620 : i32 to index
        %get3A_622 = arith.constant 0 : index
        %get3A_623 = tpu.vector_load %arg10[%get3A_621, %get3A_622] {strides = array<i32>} : memref<200x32xi32, #tpu.memory_space<vmem>>, vector<16xi32>,
        %shift_left3A_624 = arith.constant 16 : i32
        %shift_left3A_625 = vector.broadcast %shift_left3A_624 : i32 to vector<16xi32>
        %shift_left3A_626 = arith.shli %get3A_623, %shift_left3A_625 : vector<16xi32>
        %bitcast3A_627 = vector.bitcast %shift_left3A_626 : vector<16xi32> to vector<16xf32>
        %and3A_628 = arith.andi %get3A_623, %broadcast_in_dim3A_3 : vector<16xi32>
        %bitcast3A_629 = vector.bitcast %and3A_628 : vector<16xi32> to vector<16xf32>
        %add3A_630 = arith.addf %add3A_604, %bitcast3A_627 : vector<16xf32>
        %add3A_631 = arith.addf %add3A_605, %bitcast3A_629 : vector<16xf32>
        %get3A_632 = arith.index_cast %add3A_620 : i32 to index
        %get3A_633 = arith.constant 16 : index
        %get3A_634 = tpu.vector_load %arg10[%get3A_632, %get3A_633] {strides = array<i32>} : memref<200x32xi32, #tpu.memory_space<vmem>>, vector<16xi32>,
        %shift_left3A_635 = arith.constant 16 : i32
        %shift_left3A_636 = vector.broadcast %shift_left3A_635 : i32 to vector<16xi32>
        %shift_left3A_637 = arith.shli %get3A_634, %shift_left3A_636 : vector<16xi32>
        %bitcast3A_638 = vector.bitcast %shift_left3A_637 : vector<16xi32> to vector<16xf32>
        %and3A_639 = arith.andi %get3A_634, %broadcast_in_dim3A_3 : vector<16xi32>
        %bitcast3A_640 = vector.bitcast %and3A_639 : vector<16xi32> to vector<16xf32>
        %add3A_641 = arith.addf %add3A_615, %bitcast3A_638 : vector<16xf32>
        %add3A_642 = arith.addf %add3A_616, %bitcast3A_640 : vector<16xf32>
        %mul3A_643 = arith.constant 8 : i32
        %mul3A_644 = arith.muli %scan3A_512, %mul3A_643 : i32
        %add3A_645 = arith.constant 5 : i32
        %add3A_646 = arith.addi %mul3A_644, %add3A_645 : i32
        %get3A_647 = arith.index_cast %add3A_646 : i32 to index
        %get3A_648 = arith.constant 0 : index
        %get3A_649 = tpu.vector_load %arg10[%get3A_647, %get3A_648] {strides = array<i32>} : memref<200x32xi32, #tpu.memory_space<vmem>>, vector<16xi32>,
        %shift_left3A_650 = arith.constant 16 : i32
        %shift_left3A_651 = vector.broadcast %shift_left3A_650 : i32 to vector<16xi32>
        %shift_left3A_652 = arith.shli %get3A_649, %shift_left3A_651 : vector<16xi32>
        %bitcast3A_653 = vector.bitcast %shift_left3A_652 : vector<16xi32> to vector<16xf32>
        %and3A_654 = arith.andi %get3A_649, %broadcast_in_dim3A_3 : vector<16xi32>
        %bitcast3A_655 = vector.bitcast %and3A_654 : vector<16xi32> to vector<16xf32>
        %add3A_656 = arith.addf %add3A_630, %bitcast3A_653 : vector<16xf32>
        %add3A_657 = arith.addf %add3A_631, %bitcast3A_655 : vector<16xf32>
        %get3A_658 = arith.index_cast %add3A_646 : i32 to index
        %get3A_659 = arith.constant 16 : index
        %get3A_660 = tpu.vector_load %arg10[%get3A_658, %get3A_659] {strides = array<i32>} : memref<200x32xi32, #tpu.memory_space<vmem>>, vector<16xi32>,
        %shift_left3A_661 = arith.constant 16 : i32
        %shift_left3A_662 = vector.broadcast %shift_left3A_661 : i32 to vector<16xi32>
        %shift_left3A_663 = arith.shli %get3A_660, %shift_left3A_662 : vector<16xi32>
        %bitcast3A_664 = vector.bitcast %shift_left3A_663 : vector<16xi32> to vector<16xf32>
        %and3A_665 = arith.andi %get3A_660, %broadcast_in_dim3A_3 : vector<16xi32>
        %bitcast3A_666 = vector.bitcast %and3A_665 : vector<16xi32> to vector<16xf32>
        %add3A_667 = arith.addf %add3A_641, %bitcast3A_664 : vector<16xf32>
        %add3A_668 = arith.addf %add3A_642, %bitcast3A_666 : vector<16xf32>
        %mul3A_669 = arith.constant 8 : i32
        %mul3A_670 = arith.muli %scan3A_512, %mul3A_669 : i32
        %add3A_671 = arith.constant 6 : i32
        %add3A_672 = arith.addi %mul3A_670, %add3A_671 : i32
        %get3A_673 = arith.index_cast %add3A_672 : i32 to index
        %get3A_674 = arith.constant 0 : index
        %get3A_675 = tpu.vector_load %arg10[%get3A_673, %get3A_674] {strides = array<i32>} : memref<200x32xi32, #tpu.memory_space<vmem>>, vector<16xi32>,
        %shift_left3A_676 = arith.constant 16 : i32
        %shift_left3A_677 = vector.broadcast %shift_left3A_676 : i32 to vector<16xi32>
        %shift_left3A_678 = arith.shli %get3A_675, %shift_left3A_677 : vector<16xi32>
        %bitcast3A_679 = vector.bitcast %shift_left3A_678 : vector<16xi32> to vector<16xf32>
        %and3A_680 = arith.andi %get3A_675, %broadcast_in_dim3A_3 : vector<16xi32>
        %bitcast3A_681 = vector.bitcast %and3A_680 : vector<16xi32> to vector<16xf32>
        %add3A_682 = arith.addf %add3A_656, %bitcast3A_679 : vector<16xf32>
        %add3A_683 = arith.addf %add3A_657, %bitcast3A_681 : vector<16xf32>
        %get3A_684 = arith.index_cast %add3A_672 : i32 to index
        %get3A_685 = arith.constant 16 : index
        %get3A_686 = tpu.vector_load %arg10[%get3A_684, %get3A_685] {strides = array<i32>} : memref<200x32xi32, #tpu.memory_space<vmem>>, vector<16xi32>,
        %shift_left3A_687 = arith.constant 16 : i32
        %shift_left3A_688 = vector.broadcast %shift_left3A_687 : i32 to vector<16xi32>
        %shift_left3A_689 = arith.shli %get3A_686, %shift_left3A_688 : vector<16xi32>
        %bitcast3A_690 = vector.bitcast %shift_left3A_689 : vector<16xi32> to vector<16xf32>
        %and3A_691 = arith.andi %get3A_686, %broadcast_in_dim3A_3 : vector<16xi32>
        %bitcast3A_692 = vector.bitcast %and3A_691 : vector<16xi32> to vector<16xf32>
        %add3A_693 = arith.addf %add3A_667, %bitcast3A_690 : vector<16xf32>
        %add3A_694 = arith.addf %add3A_668, %bitcast3A_692 : vector<16xf32>
        %mul3A_695 = arith.constant 8 : i32
        %mul3A_696 = arith.muli %scan3A_512, %mul3A_695 : i32
        %add3A_697 = arith.constant 7 : i32
        %add3A_698 = arith.addi %mul3A_696, %add3A_697 : i32
        %get3A_699 = arith.index_cast %add3A_698 : i32 to index
        %get3A_700 = arith.constant 0 : index
        %get3A_701 = tpu.vector_load %arg10[%get3A_699, %get3A_700] {strides = array<i32>} : memref<200x32xi32, #tpu.memory_space<vmem>>, vector<16xi32>,
        %shift_left3A_702 = arith.constant 16 : i32
        %shift_left3A_703 = vector.broadcast %shift_left3A_702 : i32 to vector<16xi32>
        %shift_left3A_704 = arith.shli %get3A_701, %shift_left3A_703 : vector<16xi32>
        %bitcast3A_705 = vector.bitcast %shift_left3A_704 : vector<16xi32> to vector<16xf32>
        %and3A_706 = arith.andi %get3A_701, %broadcast_in_dim3A_3 : vector<16xi32>
        %bitcast3A_707 = vector.bitcast %and3A_706 : vector<16xi32> to vector<16xf32>
        %add3A_708 = arith.addf %add3A_682, %bitcast3A_705 : vector<16xf32>
        %add3A_709 = arith.addf %add3A_683, %bitcast3A_707 : vector<16xf32>
        %get3A_710 = arith.index_cast %add3A_698 : i32 to index
        %get3A_711 = arith.constant 16 : index
        %get3A_712 = tpu.vector_load %arg10[%get3A_710, %get3A_711] {strides = array<i32>} : memref<200x32xi32, #tpu.memory_space<vmem>>, vector<16xi32>,
        %shift_left3A_713 = arith.constant 16 : i32
        %shift_left3A_714 = vector.broadcast %shift_left3A_713 : i32 to vector<16xi32>
        %shift_left3A_715 = arith.shli %get3A_712, %shift_left3A_714 : vector<16xi32>
        %bitcast3A_716 = vector.bitcast %shift_left3A_715 : vector<16xi32> to vector<16xf32>
        %and3A_717 = arith.andi %get3A_712, %broadcast_in_dim3A_3 : vector<16xi32>
        %bitcast3A_718 = vector.bitcast %and3A_717 : vector<16xi32> to vector<16xf32>
        %add3A_719 = arith.addf %add3A_693, %bitcast3A_716 : vector<16xf32>
        %add3A_720 = arith.addf %add3A_694, %bitcast3A_718 : vector<16xf32>
        scf.yield %add3A_708, %add3A_709, %add3A_719, %add3A_720 : vector<16xf32>, vector<16xf32>, vector<16xf32>, vector<16xf32>
      }
      %scan3A_340 = arith.constant 25 : i32
      %mul3A_341 = arith.constant 5.000000e-03 : f32
      %mul3A_342 = vector.broadcast %mul3A_341 : f32 to vector<16xf32>
      %mul3A_343 = arith.mulf %scan3A_339#0, %mul3A_342 : vector<16xf32>
      %swap3A_344 = arith.index_cast %add3A_317 : i32 to index
      %swap3A_345 = arith.constant 0 : index
      %swap3A_346 = tpu.vector_load %arg14[%swap3A_344, %swap3A_345] {strides = array<i32>} : memref<128x64xf32, #tpu.memory_space<vmem>>, vector<16xf32>,
      tpu.vector_store %arg14[%swap3A_344, %swap3A_345], %mul3A_343 {strides = array<i32>} : memref<128x64xf32, #tpu.memory_space<vmem>>, vector<16xf32>,
      %mul3A_347 = arith.constant 5.000000e-03 : f32
      %mul3A_348 = vector.broadcast %mul3A_347 : f32 to vector<16xf32>
      %mul3A_349 = arith.mulf %scan3A_339#1, %mul3A_348 : vector<16xf32>
      %swap3A_350 = arith.index_cast %add3A_317 : i32 to index
      %swap3A_351 = arith.constant 16 : index
      %swap3A_352 = tpu.vector_load %arg14[%swap3A_350, %swap3A_351] {strides = array<i32>} : memref<128x64xf32, #tpu.memory_space<vmem>>, vector<16xf32>,
      tpu.vector_store %arg14[%swap3A_350, %swap3A_351], %mul3A_349 {strides = array<i32>} : memref<128x64xf32, #tpu.memory_space<vmem>>, vector<16xf32>,
      %mul3A_353 = arith.constant 5.000000e-03 : f32
      %mul3A_354 = vector.broadcast %mul3A_353 : f32 to vector<16xf32>
      %mul3A_355 = arith.mulf %scan3A_339#2, %mul3A_354 : vector<16xf32>
      %swap3A_356 = arith.index_cast %add3A_317 : i32 to index
      %swap3A_357 = arith.constant 32 : index
      %swap3A_358 = tpu.vector_load %arg14[%swap3A_356, %swap3A_357] {strides = array<i32>} : memref<128x64xf32, #tpu.memory_space<vmem>>, vector<16xf32>,
      tpu.vector_store %arg14[%swap3A_356, %swap3A_357], %mul3A_355 {strides = array<i32>} : memref<128x64xf32, #tpu.memory_space<vmem>>, vector<16xf32>,
      %mul3A_359 = arith.constant 5.000000e-03 : f32
      %mul3A_360 = vector.broadcast %mul3A_359 : f32 to vector<16xf32>
      %mul3A_361 = arith.mulf %scan3A_339#3, %mul3A_360 : vector<16xf32>
      %swap3A_362 = arith.index_cast %add3A_317 : i32 to index
      %swap3A_363 = arith.constant 48 : index
      %swap3A_364 = tpu.vector_load %arg14[%swap3A_362, %swap3A_363] {strides = array<i32>} : memref<128x64xf32, #tpu.memory_space<vmem>>, vector<16xf32>,
      tpu.vector_store %arg14[%swap3A_362, %swap3A_363], %mul3A_361 {strides = array<i32>} : memref<128x64xf32, #tpu.memory_space<vmem>>, vector<16xf32>,
      %add3A_365 = arith.constant 5 : i32
      %add3A_366 = arith.addi %add3A_125, %add3A_365 : i32
      %add3A_367 = arith.constant 8 : i32
      %add3A_368 = arith.addi %add3A_366, %add3A_367 : i32
      %sub3A_369 = arith.constant 1 : i32
      %sub3A_370 = arith.subi %add3A_368, %sub3A_369 : i32
      %lt3A_371 = arith.constant 128 : i32
      %lt3A_372 = arith.cmpi slt, %sub3A_370, %lt3A_371 : i32
      %convert_element_type3A_373 = arith.extui %lt3A_372 : i1 to i32
      %cond3A_374 = arith.constant 0 : i32
      %cond3A_375 = arith.cmpi ne, %convert_element_type3A_373, %cond3A_374 : i32
      scf.if %cond3A_375 {
        %add3A_512 = arith.constant 8 : i32
        %add3A_513 = arith.addi %add3A_366, %add3A_512 : i32
        %sub3A_514 = arith.constant 1 : i32
        %sub3A_515 = arith.subi %add3A_513, %sub3A_514 : i32
        %mul3A_516 = arith.constant 200 : i32
        %mul3A_517 = arith.muli %sub3A_515, %mul3A_516 : i32
        %dma_start3A_518 = arith.constant 0 : i32
        %dma_start3A_519 = arith.constant 0 : i32
        %dma_start3A_520 = tpu.memref_slice %arg10[%dma_start3A_518, %dma_start3A_519] : memref<200x32xi32, #tpu.memory_space<vmem>> -> memref<128x32xi32, #tpu.memory_space<vmem>>
        %dma_start3A_521 = tpu.memref_slice %arg5[%mul3A_517] : memref<25600xi32, #tpu.memory_space<vmem>> -> memref<128xi32, #tpu.memory_space<vmem>>
        %dma_start3A_522 = arith.constant 0 : i32
        %dma_start3A_523 = arith.constant 0 : i32
        %dma_start3A_524 = tpu.memref_slice %arg2[%dma_start3A_522, %dma_start3A_523] : memref<100000x32xi32, #tpu.memory_space<hbm>> -> memref<100000x32xi32, #tpu.memory_space<hbm>>
        tpu.enqueue_indirect_dma source(%dma_start3A_524 : memref<100000x32xi32, #tpu.memory_space<hbm>>) target(%dma_start3A_520 : memref<128x32xi32, #tpu.memory_space<vmem>>) offsets(%dma_start3A_521 : memref<128xi32, #tpu.memory_space<vmem>>) semaphore(%arg19 : memref<!tpu.dma_semaphore, #tpu.memory_space<semaphore_mem>>)
        %add3A_525 = arith.constant 128 : i32
        %add3A_526 = arith.addi %mul3A_517, %add3A_525 : i32
        %dma_start3A_527 = arith.constant 128 : i32
        %dma_start3A_528 = arith.constant 0 : i32
        %dma_start3A_529 = tpu.memref_slice %arg10[%dma_start3A_527, %dma_start3A_528] : memref<200x32xi32, #tpu.memory_space<vmem>> -> memref<72x32xi32, #tpu.memory_space<vmem>>
        %dma_start3A_530 = tpu.memref_slice %arg5[%add3A_526] : memref<25600xi32, #tpu.memory_space<vmem>> -> memref<72xi32, #tpu.memory_space<vmem>>
        %dma_start3A_531 = arith.constant 0 : i32
        %dma_start3A_532 = arith.constant 0 : i32
        %dma_start3A_533 = tpu.memref_slice %arg2[%dma_start3A_531, %dma_start3A_532] : memref<100000x32xi32, #tpu.memory_space<hbm>> -> memref<100000x32xi32, #tpu.memory_space<hbm>>
        tpu.enqueue_indirect_dma source(%dma_start3A_533 : memref<100000x32xi32, #tpu.memory_space<hbm>>) target(%dma_start3A_529 : memref<72x32xi32, #tpu.memory_space<vmem>>) offsets(%dma_start3A_530 : memref<72xi32, #tpu.memory_space<vmem>>) semaphore(%arg19 : memref<!tpu.dma_semaphore, #tpu.memory_space<semaphore_mem>>)
      } else {
      }
      %dma_wait3A_376 = arith.constant 0 : i32
      %dma_wait3A_377 = arith.constant 0 : i32
      %dma_wait3A_378 = tpu.memref_slice %arg2[%dma_wait3A_376, %dma_wait3A_377] : memref<100000x32xi32, #tpu.memory_space<hbm>> -> memref<200x32xi32, #tpu.memory_space<hbm>>
      %dma_wait3A_379 = arith.constant 0 : i32
      %dma_wait3A_380 = arith.constant 0 : i32
      %dma_wait3A_381 = tpu.memref_slice %arg2[%dma_wait3A_379, %dma_wait3A_380] : memref<100000x32xi32, #tpu.memory_space<hbm>> -> memref<200x32xi32, #tpu.memory_space<hbm>>
      tpu.wait_dma2 semaphore(%arg20 : memref<!tpu.dma_semaphore, #tpu.memory_space<semaphore_mem>>) src(%dma_wait3A_381 : memref<200x32xi32, #tpu.memory_space<hbm>>) dst(%arg11 : memref<200x32xi32, #tpu.memory_space<vmem>>)
      %broadcast_in_dim3A_382 = arith.constant 0.000000e+00 : f32
      %broadcast_in_dim3A_383 = vector.broadcast %broadcast_in_dim3A_382 : f32 to vector<16xf32>
      %scan3A_384 = arith.constant 0 : i32
      %scan3A_385 = arith.constant 25 : i32
      %scan3A_386 = arith.addi %scan3A_384, %scan3A_385 : i32
      %scan3A_387 = arith.constant 1 : i32
      %scan3A_388:4 = scf.for %scan3A_512 = %scan3A_384 to %scan3A_386 step %scan3A_387 iter_args(%scan3A_513 = %broadcast_in_dim3A_383, %scan3A_514 = %broadcast_in_dim3A_383, %scan3A_515 = %broadcast_in_dim3A_383, %scan3A_516 = %broadcast_in_dim3A_383) -> (vector<16xf32>, vector<16xf32>, vector<16xf32>, vector<16xf32>)  : i32 {
        %mul3A_517 = arith.constant 8 : i32
        %mul3A_518 = arith.muli %scan3A_512, %mul3A_517 : i32
        %add3A_519 = arith.constant 0 : i32
        %add3A_520 = arith.addi %mul3A_518, %add3A_519 : i32
        %get3A = arith.index_cast %add3A_520 : i32 to index
        %get3A_521 = arith.constant 0 : index
        %get3A_522 = tpu.vector_load %arg11[%get3A, %get3A_521] {strides = array<i32>} : memref<200x32xi32, #tpu.memory_space<vmem>>, vector<16xi32>,
        %shift_left3A = arith.constant 16 : i32
        %shift_left3A_523 = vector.broadcast %shift_left3A : i32 to vector<16xi32>
        %shift_left3A_524 = arith.shli %get3A_522, %shift_left3A_523 : vector<16xi32>
        %bitcast3A = vector.bitcast %shift_left3A_524 : vector<16xi32> to vector<16xf32>
        %and3A = arith.andi %get3A_522, %broadcast_in_dim3A_3 : vector<16xi32>
        %bitcast3A_525 = vector.bitcast %and3A : vector<16xi32> to vector<16xf32>
        %add3A_526 = arith.addf %scan3A_513, %bitcast3A : vector<16xf32>
        %add3A_527 = arith.addf %scan3A_514, %bitcast3A_525 : vector<16xf32>
        %get3A_528 = arith.index_cast %add3A_520 : i32 to index
        %get3A_529 = arith.constant 16 : index
        %get3A_530 = tpu.vector_load %arg11[%get3A_528, %get3A_529] {strides = array<i32>} : memref<200x32xi32, #tpu.memory_space<vmem>>, vector<16xi32>,
        %shift_left3A_531 = arith.constant 16 : i32
        %shift_left3A_532 = vector.broadcast %shift_left3A_531 : i32 to vector<16xi32>
        %shift_left3A_533 = arith.shli %get3A_530, %shift_left3A_532 : vector<16xi32>
        %bitcast3A_534 = vector.bitcast %shift_left3A_533 : vector<16xi32> to vector<16xf32>
        %and3A_535 = arith.andi %get3A_530, %broadcast_in_dim3A_3 : vector<16xi32>
        %bitcast3A_536 = vector.bitcast %and3A_535 : vector<16xi32> to vector<16xf32>
        %add3A_537 = arith.addf %scan3A_515, %bitcast3A_534 : vector<16xf32>
        %add3A_538 = arith.addf %scan3A_516, %bitcast3A_536 : vector<16xf32>
        %mul3A_539 = arith.constant 8 : i32
        %mul3A_540 = arith.muli %scan3A_512, %mul3A_539 : i32
        %add3A_541 = arith.constant 1 : i32
        %add3A_542 = arith.addi %mul3A_540, %add3A_541 : i32
        %get3A_543 = arith.index_cast %add3A_542 : i32 to index
        %get3A_544 = arith.constant 0 : index
        %get3A_545 = tpu.vector_load %arg11[%get3A_543, %get3A_544] {strides = array<i32>} : memref<200x32xi32, #tpu.memory_space<vmem>>, vector<16xi32>,
        %shift_left3A_546 = arith.constant 16 : i32
        %shift_left3A_547 = vector.broadcast %shift_left3A_546 : i32 to vector<16xi32>
        %shift_left3A_548 = arith.shli %get3A_545, %shift_left3A_547 : vector<16xi32>
        %bitcast3A_549 = vector.bitcast %shift_left3A_548 : vector<16xi32> to vector<16xf32>
        %and3A_550 = arith.andi %get3A_545, %broadcast_in_dim3A_3 : vector<16xi32>
        %bitcast3A_551 = vector.bitcast %and3A_550 : vector<16xi32> to vector<16xf32>
        %add3A_552 = arith.addf %add3A_526, %bitcast3A_549 : vector<16xf32>
        %add3A_553 = arith.addf %add3A_527, %bitcast3A_551 : vector<16xf32>
        %get3A_554 = arith.index_cast %add3A_542 : i32 to index
        %get3A_555 = arith.constant 16 : index
        %get3A_556 = tpu.vector_load %arg11[%get3A_554, %get3A_555] {strides = array<i32>} : memref<200x32xi32, #tpu.memory_space<vmem>>, vector<16xi32>,
        %shift_left3A_557 = arith.constant 16 : i32
        %shift_left3A_558 = vector.broadcast %shift_left3A_557 : i32 to vector<16xi32>
        %shift_left3A_559 = arith.shli %get3A_556, %shift_left3A_558 : vector<16xi32>
        %bitcast3A_560 = vector.bitcast %shift_left3A_559 : vector<16xi32> to vector<16xf32>
        %and3A_561 = arith.andi %get3A_556, %broadcast_in_dim3A_3 : vector<16xi32>
        %bitcast3A_562 = vector.bitcast %and3A_561 : vector<16xi32> to vector<16xf32>
        %add3A_563 = arith.addf %add3A_537, %bitcast3A_560 : vector<16xf32>
        %add3A_564 = arith.addf %add3A_538, %bitcast3A_562 : vector<16xf32>
        %mul3A_565 = arith.constant 8 : i32
        %mul3A_566 = arith.muli %scan3A_512, %mul3A_565 : i32
        %add3A_567 = arith.constant 2 : i32
        %add3A_568 = arith.addi %mul3A_566, %add3A_567 : i32
        %get3A_569 = arith.index_cast %add3A_568 : i32 to index
        %get3A_570 = arith.constant 0 : index
        %get3A_571 = tpu.vector_load %arg11[%get3A_569, %get3A_570] {strides = array<i32>} : memref<200x32xi32, #tpu.memory_space<vmem>>, vector<16xi32>,
        %shift_left3A_572 = arith.constant 16 : i32
        %shift_left3A_573 = vector.broadcast %shift_left3A_572 : i32 to vector<16xi32>
        %shift_left3A_574 = arith.shli %get3A_571, %shift_left3A_573 : vector<16xi32>
        %bitcast3A_575 = vector.bitcast %shift_left3A_574 : vector<16xi32> to vector<16xf32>
        %and3A_576 = arith.andi %get3A_571, %broadcast_in_dim3A_3 : vector<16xi32>
        %bitcast3A_577 = vector.bitcast %and3A_576 : vector<16xi32> to vector<16xf32>
        %add3A_578 = arith.addf %add3A_552, %bitcast3A_575 : vector<16xf32>
        %add3A_579 = arith.addf %add3A_553, %bitcast3A_577 : vector<16xf32>
        %get3A_580 = arith.index_cast %add3A_568 : i32 to index
        %get3A_581 = arith.constant 16 : index
        %get3A_582 = tpu.vector_load %arg11[%get3A_580, %get3A_581] {strides = array<i32>} : memref<200x32xi32, #tpu.memory_space<vmem>>, vector<16xi32>,
        %shift_left3A_583 = arith.constant 16 : i32
        %shift_left3A_584 = vector.broadcast %shift_left3A_583 : i32 to vector<16xi32>
        %shift_left3A_585 = arith.shli %get3A_582, %shift_left3A_584 : vector<16xi32>
        %bitcast3A_586 = vector.bitcast %shift_left3A_585 : vector<16xi32> to vector<16xf32>
        %and3A_587 = arith.andi %get3A_582, %broadcast_in_dim3A_3 : vector<16xi32>
        %bitcast3A_588 = vector.bitcast %and3A_587 : vector<16xi32> to vector<16xf32>
        %add3A_589 = arith.addf %add3A_563, %bitcast3A_586 : vector<16xf32>
        %add3A_590 = arith.addf %add3A_564, %bitcast3A_588 : vector<16xf32>
        %mul3A_591 = arith.constant 8 : i32
        %mul3A_592 = arith.muli %scan3A_512, %mul3A_591 : i32
        %add3A_593 = arith.constant 3 : i32
        %add3A_594 = arith.addi %mul3A_592, %add3A_593 : i32
        %get3A_595 = arith.index_cast %add3A_594 : i32 to index
        %get3A_596 = arith.constant 0 : index
        %get3A_597 = tpu.vector_load %arg11[%get3A_595, %get3A_596] {strides = array<i32>} : memref<200x32xi32, #tpu.memory_space<vmem>>, vector<16xi32>,
        %shift_left3A_598 = arith.constant 16 : i32
        %shift_left3A_599 = vector.broadcast %shift_left3A_598 : i32 to vector<16xi32>
        %shift_left3A_600 = arith.shli %get3A_597, %shift_left3A_599 : vector<16xi32>
        %bitcast3A_601 = vector.bitcast %shift_left3A_600 : vector<16xi32> to vector<16xf32>
        %and3A_602 = arith.andi %get3A_597, %broadcast_in_dim3A_3 : vector<16xi32>
        %bitcast3A_603 = vector.bitcast %and3A_602 : vector<16xi32> to vector<16xf32>
        %add3A_604 = arith.addf %add3A_578, %bitcast3A_601 : vector<16xf32>
        %add3A_605 = arith.addf %add3A_579, %bitcast3A_603 : vector<16xf32>
        %get3A_606 = arith.index_cast %add3A_594 : i32 to index
        %get3A_607 = arith.constant 16 : index
        %get3A_608 = tpu.vector_load %arg11[%get3A_606, %get3A_607] {strides = array<i32>} : memref<200x32xi32, #tpu.memory_space<vmem>>, vector<16xi32>,
        %shift_left3A_609 = arith.constant 16 : i32
        %shift_left3A_610 = vector.broadcast %shift_left3A_609 : i32 to vector<16xi32>
        %shift_left3A_611 = arith.shli %get3A_608, %shift_left3A_610 : vector<16xi32>
        %bitcast3A_612 = vector.bitcast %shift_left3A_611 : vector<16xi32> to vector<16xf32>
        %and3A_613 = arith.andi %get3A_608, %broadcast_in_dim3A_3 : vector<16xi32>
        %bitcast3A_614 = vector.bitcast %and3A_613 : vector<16xi32> to vector<16xf32>
        %add3A_615 = arith.addf %add3A_589, %bitcast3A_612 : vector<16xf32>
        %add3A_616 = arith.addf %add3A_590, %bitcast3A_614 : vector<16xf32>
        %mul3A_617 = arith.constant 8 : i32
        %mul3A_618 = arith.muli %scan3A_512, %mul3A_617 : i32
        %add3A_619 = arith.constant 4 : i32
        %add3A_620 = arith.addi %mul3A_618, %add3A_619 : i32
        %get3A_621 = arith.index_cast %add3A_620 : i32 to index
        %get3A_622 = arith.constant 0 : index
        %get3A_623 = tpu.vector_load %arg11[%get3A_621, %get3A_622] {strides = array<i32>} : memref<200x32xi32, #tpu.memory_space<vmem>>, vector<16xi32>,
        %shift_left3A_624 = arith.constant 16 : i32
        %shift_left3A_625 = vector.broadcast %shift_left3A_624 : i32 to vector<16xi32>
        %shift_left3A_626 = arith.shli %get3A_623, %shift_left3A_625 : vector<16xi32>
        %bitcast3A_627 = vector.bitcast %shift_left3A_626 : vector<16xi32> to vector<16xf32>
        %and3A_628 = arith.andi %get3A_623, %broadcast_in_dim3A_3 : vector<16xi32>
        %bitcast3A_629 = vector.bitcast %and3A_628 : vector<16xi32> to vector<16xf32>
        %add3A_630 = arith.addf %add3A_604, %bitcast3A_627 : vector<16xf32>
        %add3A_631 = arith.addf %add3A_605, %bitcast3A_629 : vector<16xf32>
        %get3A_632 = arith.index_cast %add3A_620 : i32 to index
        %get3A_633 = arith.constant 16 : index
        %get3A_634 = tpu.vector_load %arg11[%get3A_632, %get3A_633] {strides = array<i32>} : memref<200x32xi32, #tpu.memory_space<vmem>>, vector<16xi32>,
        %shift_left3A_635 = arith.constant 16 : i32
        %shift_left3A_636 = vector.broadcast %shift_left3A_635 : i32 to vector<16xi32>
        %shift_left3A_637 = arith.shli %get3A_634, %shift_left3A_636 : vector<16xi32>
        %bitcast3A_638 = vector.bitcast %shift_left3A_637 : vector<16xi32> to vector<16xf32>
        %and3A_639 = arith.andi %get3A_634, %broadcast_in_dim3A_3 : vector<16xi32>
        %bitcast3A_640 = vector.bitcast %and3A_639 : vector<16xi32> to vector<16xf32>
        %add3A_641 = arith.addf %add3A_615, %bitcast3A_638 : vector<16xf32>
        %add3A_642 = arith.addf %add3A_616, %bitcast3A_640 : vector<16xf32>
        %mul3A_643 = arith.constant 8 : i32
        %mul3A_644 = arith.muli %scan3A_512, %mul3A_643 : i32
        %add3A_645 = arith.constant 5 : i32
        %add3A_646 = arith.addi %mul3A_644, %add3A_645 : i32
        %get3A_647 = arith.index_cast %add3A_646 : i32 to index
        %get3A_648 = arith.constant 0 : index
        %get3A_649 = tpu.vector_load %arg11[%get3A_647, %get3A_648] {strides = array<i32>} : memref<200x32xi32, #tpu.memory_space<vmem>>, vector<16xi32>,
        %shift_left3A_650 = arith.constant 16 : i32
        %shift_left3A_651 = vector.broadcast %shift_left3A_650 : i32 to vector<16xi32>
        %shift_left3A_652 = arith.shli %get3A_649, %shift_left3A_651 : vector<16xi32>
        %bitcast3A_653 = vector.bitcast %shift_left3A_652 : vector<16xi32> to vector<16xf32>
        %and3A_654 = arith.andi %get3A_649, %broadcast_in_dim3A_3 : vector<16xi32>
        %bitcast3A_655 = vector.bitcast %and3A_654 : vector<16xi32> to vector<16xf32>
        %add3A_656 = arith.addf %add3A_630, %bitcast3A_653 : vector<16xf32>
        %add3A_657 = arith.addf %add3A_631, %bitcast3A_655 : vector<16xf32>
        %get3A_658 = arith.index_cast %add3A_646 : i32 to index
        %get3A_659 = arith.constant 16 : index
        %get3A_660 = tpu.vector_load %arg11[%get3A_658, %get3A_659] {strides = array<i32>} : memref<200x32xi32, #tpu.memory_space<vmem>>, vector<16xi32>,
        %shift_left3A_661 = arith.constant 16 : i32
        %shift_left3A_662 = vector.broadcast %shift_left3A_661 : i32 to vector<16xi32>
        %shift_left3A_663 = arith.shli %get3A_660, %shift_left3A_662 : vector<16xi32>
        %bitcast3A_664 = vector.bitcast %shift_left3A_663 : vector<16xi32> to vector<16xf32>
        %and3A_665 = arith.andi %get3A_660, %broadcast_in_dim3A_3 : vector<16xi32>
        %bitcast3A_666 = vector.bitcast %and3A_665 : vector<16xi32> to vector<16xf32>
        %add3A_667 = arith.addf %add3A_641, %bitcast3A_664 : vector<16xf32>
        %add3A_668 = arith.addf %add3A_642, %bitcast3A_666 : vector<16xf32>
        %mul3A_669 = arith.constant 8 : i32
        %mul3A_670 = arith.muli %scan3A_512, %mul3A_669 : i32
        %add3A_671 = arith.constant 6 : i32
        %add3A_672 = arith.addi %mul3A_670, %add3A_671 : i32
        %get3A_673 = arith.index_cast %add3A_672 : i32 to index
        %get3A_674 = arith.constant 0 : index
        %get3A_675 = tpu.vector_load %arg11[%get3A_673, %get3A_674] {strides = array<i32>} : memref<200x32xi32, #tpu.memory_space<vmem>>, vector<16xi32>,
        %shift_left3A_676 = arith.constant 16 : i32
        %shift_left3A_677 = vector.broadcast %shift_left3A_676 : i32 to vector<16xi32>
        %shift_left3A_678 = arith.shli %get3A_675, %shift_left3A_677 : vector<16xi32>
        %bitcast3A_679 = vector.bitcast %shift_left3A_678 : vector<16xi32> to vector<16xf32>
        %and3A_680 = arith.andi %get3A_675, %broadcast_in_dim3A_3 : vector<16xi32>
        %bitcast3A_681 = vector.bitcast %and3A_680 : vector<16xi32> to vector<16xf32>
        %add3A_682 = arith.addf %add3A_656, %bitcast3A_679 : vector<16xf32>
        %add3A_683 = arith.addf %add3A_657, %bitcast3A_681 : vector<16xf32>
        %get3A_684 = arith.index_cast %add3A_672 : i32 to index
        %get3A_685 = arith.constant 16 : index
        %get3A_686 = tpu.vector_load %arg11[%get3A_684, %get3A_685] {strides = array<i32>} : memref<200x32xi32, #tpu.memory_space<vmem>>, vector<16xi32>,
        %shift_left3A_687 = arith.constant 16 : i32
        %shift_left3A_688 = vector.broadcast %shift_left3A_687 : i32 to vector<16xi32>
        %shift_left3A_689 = arith.shli %get3A_686, %shift_left3A_688 : vector<16xi32>
        %bitcast3A_690 = vector.bitcast %shift_left3A_689 : vector<16xi32> to vector<16xf32>
        %and3A_691 = arith.andi %get3A_686, %broadcast_in_dim3A_3 : vector<16xi32>
        %bitcast3A_692 = vector.bitcast %and3A_691 : vector<16xi32> to vector<16xf32>
        %add3A_693 = arith.addf %add3A_667, %bitcast3A_690 : vector<16xf32>
        %add3A_694 = arith.addf %add3A_668, %bitcast3A_692 : vector<16xf32>
        %mul3A_695 = arith.constant 8 : i32
        %mul3A_696 = arith.muli %scan3A_512, %mul3A_695 : i32
        %add3A_697 = arith.constant 7 : i32
        %add3A_698 = arith.addi %mul3A_696, %add3A_697 : i32
        %get3A_699 = arith.index_cast %add3A_698 : i32 to index
        %get3A_700 = arith.constant 0 : index
        %get3A_701 = tpu.vector_load %arg11[%get3A_699, %get3A_700] {strides = array<i32>} : memref<200x32xi32, #tpu.memory_space<vmem>>, vector<16xi32>,
        %shift_left3A_702 = arith.constant 16 : i32
        %shift_left3A_703 = vector.broadcast %shift_left3A_702 : i32 to vector<16xi32>
        %shift_left3A_704 = arith.shli %get3A_701, %shift_left3A_703 : vector<16xi32>
        %bitcast3A_705 = vector.bitcast %shift_left3A_704 : vector<16xi32> to vector<16xf32>
        %and3A_706 = arith.andi %get3A_701, %broadcast_in_dim3A_3 : vector<16xi32>
        %bitcast3A_707 = vector.bitcast %and3A_706 : vector<16xi32> to vector<16xf32>
        %add3A_708 = arith.addf %add3A_682, %bitcast3A_705 : vector<16xf32>
        %add3A_709 = arith.addf %add3A_683, %bitcast3A_707 : vector<16xf32>
        %get3A_710 = arith.index_cast %add3A_698 : i32 to index
        %get3A_711 = arith.constant 16 : index
        %get3A_712 = tpu.vector_load %arg11[%get3A_710, %get3A_711] {strides = array<i32>} : memref<200x32xi32, #tpu.memory_space<vmem>>, vector<16xi32>,
        %shift_left3A_713 = arith.constant 16 : i32
        %shift_left3A_714 = vector.broadcast %shift_left3A_713 : i32 to vector<16xi32>
        %shift_left3A_715 = arith.shli %get3A_712, %shift_left3A_714 : vector<16xi32>
        %bitcast3A_716 = vector.bitcast %shift_left3A_715 : vector<16xi32> to vector<16xf32>
        %and3A_717 = arith.andi %get3A_712, %broadcast_in_dim3A_3 : vector<16xi32>
        %bitcast3A_718 = vector.bitcast %and3A_717 : vector<16xi32> to vector<16xf32>
        %add3A_719 = arith.addf %add3A_693, %bitcast3A_716 : vector<16xf32>
        %add3A_720 = arith.addf %add3A_694, %bitcast3A_718 : vector<16xf32>
        scf.yield %add3A_708, %add3A_709, %add3A_719, %add3A_720 : vector<16xf32>, vector<16xf32>, vector<16xf32>, vector<16xf32>
      }
      %scan3A_389 = arith.constant 25 : i32
      %mul3A_390 = arith.constant 5.000000e-03 : f32
      %mul3A_391 = vector.broadcast %mul3A_390 : f32 to vector<16xf32>
      %mul3A_392 = arith.mulf %scan3A_388#0, %mul3A_391 : vector<16xf32>
      %swap3A_393 = arith.index_cast %add3A_366 : i32 to index
      %swap3A_394 = arith.constant 0 : index
      %swap3A_395 = tpu.vector_load %arg14[%swap3A_393, %swap3A_394] {strides = array<i32>} : memref<128x64xf32, #tpu.memory_space<vmem>>, vector<16xf32>,
      tpu.vector_store %arg14[%swap3A_393, %swap3A_394], %mul3A_392 {strides = array<i32>} : memref<128x64xf32, #tpu.memory_space<vmem>>, vector<16xf32>,
      %mul3A_396 = arith.constant 5.000000e-03 : f32
      %mul3A_397 = vector.broadcast %mul3A_396 : f32 to vector<16xf32>
      %mul3A_398 = arith.mulf %scan3A_388#1, %mul3A_397 : vector<16xf32>
      %swap3A_399 = arith.index_cast %add3A_366 : i32 to index
      %swap3A_400 = arith.constant 16 : index
      %swap3A_401 = tpu.vector_load %arg14[%swap3A_399, %swap3A_400] {strides = array<i32>} : memref<128x64xf32, #tpu.memory_space<vmem>>, vector<16xf32>,
      tpu.vector_store %arg14[%swap3A_399, %swap3A_400], %mul3A_398 {strides = array<i32>} : memref<128x64xf32, #tpu.memory_space<vmem>>, vector<16xf32>,
      %mul3A_402 = arith.constant 5.000000e-03 : f32
      %mul3A_403 = vector.broadcast %mul3A_402 : f32 to vector<16xf32>
      %mul3A_404 = arith.mulf %scan3A_388#2, %mul3A_403 : vector<16xf32>
      %swap3A_405 = arith.index_cast %add3A_366 : i32 to index
      %swap3A_406 = arith.constant 32 : index
      %swap3A_407 = tpu.vector_load %arg14[%swap3A_405, %swap3A_406] {strides = array<i32>} : memref<128x64xf32, #tpu.memory_space<vmem>>, vector<16xf32>,
      tpu.vector_store %arg14[%swap3A_405, %swap3A_406], %mul3A_404 {strides = array<i32>} : memref<128x64xf32, #tpu.memory_space<vmem>>, vector<16xf32>,
      %mul3A_408 = arith.constant 5.000000e-03 : f32
      %mul3A_409 = vector.broadcast %mul3A_408 : f32 to vector<16xf32>
      %mul3A_410 = arith.mulf %scan3A_388#3, %mul3A_409 : vector<16xf32>
      %swap3A_411 = arith.index_cast %add3A_366 : i32 to index
      %swap3A_412 = arith.constant 48 : index
      %swap3A_413 = tpu.vector_load %arg14[%swap3A_411, %swap3A_412] {strides = array<i32>} : memref<128x64xf32, #tpu.memory_space<vmem>>, vector<16xf32>,
      tpu.vector_store %arg14[%swap3A_411, %swap3A_412], %mul3A_410 {strides = array<i32>} : memref<128x64xf32, #tpu.memory_space<vmem>>, vector<16xf32>,
      %add3A_414 = arith.constant 6 : i32
      %add3A_415 = arith.addi %add3A_125, %add3A_414 : i32
      %add3A_416 = arith.constant 8 : i32
      %add3A_417 = arith.addi %add3A_415, %add3A_416 : i32
      %sub3A_418 = arith.constant 1 : i32
      %sub3A_419 = arith.subi %add3A_417, %sub3A_418 : i32
      %lt3A_420 = arith.constant 128 : i32
      %lt3A_421 = arith.cmpi slt, %sub3A_419, %lt3A_420 : i32
      %convert_element_type3A_422 = arith.extui %lt3A_421 : i1 to i32
      %cond3A_423 = arith.constant 0 : i32
      %cond3A_424 = arith.cmpi ne, %convert_element_type3A_422, %cond3A_423 : i32
      scf.if %cond3A_424 {
        %add3A_512 = arith.constant 8 : i32
        %add3A_513 = arith.addi %add3A_415, %add3A_512 : i32
        %sub3A_514 = arith.constant 1 : i32
        %sub3A_515 = arith.subi %add3A_513, %sub3A_514 : i32
        %mul3A_516 = arith.constant 200 : i32
        %mul3A_517 = arith.muli %sub3A_515, %mul3A_516 : i32
        %dma_start3A_518 = arith.constant 0 : i32
        %dma_start3A_519 = arith.constant 0 : i32
        %dma_start3A_520 = tpu.memref_slice %arg11[%dma_start3A_518, %dma_start3A_519] : memref<200x32xi32, #tpu.memory_space<vmem>> -> memref<128x32xi32, #tpu.memory_space<vmem>>
        %dma_start3A_521 = tpu.memref_slice %arg5[%mul3A_517] : memref<25600xi32, #tpu.memory_space<vmem>> -> memref<128xi32, #tpu.memory_space<vmem>>
        %dma_start3A_522 = arith.constant 0 : i32
        %dma_start3A_523 = arith.constant 0 : i32
        %dma_start3A_524 = tpu.memref_slice %arg2[%dma_start3A_522, %dma_start3A_523] : memref<100000x32xi32, #tpu.memory_space<hbm>> -> memref<100000x32xi32, #tpu.memory_space<hbm>>
        tpu.enqueue_indirect_dma source(%dma_start3A_524 : memref<100000x32xi32, #tpu.memory_space<hbm>>) target(%dma_start3A_520 : memref<128x32xi32, #tpu.memory_space<vmem>>) offsets(%dma_start3A_521 : memref<128xi32, #tpu.memory_space<vmem>>) semaphore(%arg20 : memref<!tpu.dma_semaphore, #tpu.memory_space<semaphore_mem>>)
        %add3A_525 = arith.constant 128 : i32
        %add3A_526 = arith.addi %mul3A_517, %add3A_525 : i32
        %dma_start3A_527 = arith.constant 128 : i32
        %dma_start3A_528 = arith.constant 0 : i32
        %dma_start3A_529 = tpu.memref_slice %arg11[%dma_start3A_527, %dma_start3A_528] : memref<200x32xi32, #tpu.memory_space<vmem>> -> memref<72x32xi32, #tpu.memory_space<vmem>>
        %dma_start3A_530 = tpu.memref_slice %arg5[%add3A_526] : memref<25600xi32, #tpu.memory_space<vmem>> -> memref<72xi32, #tpu.memory_space<vmem>>
        %dma_start3A_531 = arith.constant 0 : i32
        %dma_start3A_532 = arith.constant 0 : i32
        %dma_start3A_533 = tpu.memref_slice %arg2[%dma_start3A_531, %dma_start3A_532] : memref<100000x32xi32, #tpu.memory_space<hbm>> -> memref<100000x32xi32, #tpu.memory_space<hbm>>
        tpu.enqueue_indirect_dma source(%dma_start3A_533 : memref<100000x32xi32, #tpu.memory_space<hbm>>) target(%dma_start3A_529 : memref<72x32xi32, #tpu.memory_space<vmem>>) offsets(%dma_start3A_530 : memref<72xi32, #tpu.memory_space<vmem>>) semaphore(%arg20 : memref<!tpu.dma_semaphore, #tpu.memory_space<semaphore_mem>>)
      } else {
      }
      %dma_wait3A_425 = arith.constant 0 : i32
      %dma_wait3A_426 = arith.constant 0 : i32
      %dma_wait3A_427 = tpu.memref_slice %arg2[%dma_wait3A_425, %dma_wait3A_426] : memref<100000x32xi32, #tpu.memory_space<hbm>> -> memref<200x32xi32, #tpu.memory_space<hbm>>
      %dma_wait3A_428 = arith.constant 0 : i32
      %dma_wait3A_429 = arith.constant 0 : i32
      %dma_wait3A_430 = tpu.memref_slice %arg2[%dma_wait3A_428, %dma_wait3A_429] : memref<100000x32xi32, #tpu.memory_space<hbm>> -> memref<200x32xi32, #tpu.memory_space<hbm>>
      tpu.wait_dma2 semaphore(%arg21 : memref<!tpu.dma_semaphore, #tpu.memory_space<semaphore_mem>>) src(%dma_wait3A_430 : memref<200x32xi32, #tpu.memory_space<hbm>>) dst(%arg12 : memref<200x32xi32, #tpu.memory_space<vmem>>)
      %broadcast_in_dim3A_431 = arith.constant 0.000000e+00 : f32
      %broadcast_in_dim3A_432 = vector.broadcast %broadcast_in_dim3A_431 : f32 to vector<16xf32>
      %scan3A_433 = arith.constant 0 : i32
      %scan3A_434 = arith.constant 25 : i32
      %scan3A_435 = arith.addi %scan3A_433, %scan3A_434 : i32
      %scan3A_436 = arith.constant 1 : i32
      %scan3A_437:4 = scf.for %scan3A_512 = %scan3A_433 to %scan3A_435 step %scan3A_436 iter_args(%scan3A_513 = %broadcast_in_dim3A_432, %scan3A_514 = %broadcast_in_dim3A_432, %scan3A_515 = %broadcast_in_dim3A_432, %scan3A_516 = %broadcast_in_dim3A_432) -> (vector<16xf32>, vector<16xf32>, vector<16xf32>, vector<16xf32>)  : i32 {
        %mul3A_517 = arith.constant 8 : i32
        %mul3A_518 = arith.muli %scan3A_512, %mul3A_517 : i32
        %add3A_519 = arith.constant 0 : i32
        %add3A_520 = arith.addi %mul3A_518, %add3A_519 : i32
        %get3A = arith.index_cast %add3A_520 : i32 to index
        %get3A_521 = arith.constant 0 : index
        %get3A_522 = tpu.vector_load %arg12[%get3A, %get3A_521] {strides = array<i32>} : memref<200x32xi32, #tpu.memory_space<vmem>>, vector<16xi32>,
        %shift_left3A = arith.constant 16 : i32
        %shift_left3A_523 = vector.broadcast %shift_left3A : i32 to vector<16xi32>
        %shift_left3A_524 = arith.shli %get3A_522, %shift_left3A_523 : vector<16xi32>
        %bitcast3A = vector.bitcast %shift_left3A_524 : vector<16xi32> to vector<16xf32>
        %and3A = arith.andi %get3A_522, %broadcast_in_dim3A_3 : vector<16xi32>
        %bitcast3A_525 = vector.bitcast %and3A : vector<16xi32> to vector<16xf32>
        %add3A_526 = arith.addf %scan3A_513, %bitcast3A : vector<16xf32>
        %add3A_527 = arith.addf %scan3A_514, %bitcast3A_525 : vector<16xf32>
        %get3A_528 = arith.index_cast %add3A_520 : i32 to index
        %get3A_529 = arith.constant 16 : index
        %get3A_530 = tpu.vector_load %arg12[%get3A_528, %get3A_529] {strides = array<i32>} : memref<200x32xi32, #tpu.memory_space<vmem>>, vector<16xi32>,
        %shift_left3A_531 = arith.constant 16 : i32
        %shift_left3A_532 = vector.broadcast %shift_left3A_531 : i32 to vector<16xi32>
        %shift_left3A_533 = arith.shli %get3A_530, %shift_left3A_532 : vector<16xi32>
        %bitcast3A_534 = vector.bitcast %shift_left3A_533 : vector<16xi32> to vector<16xf32>
        %and3A_535 = arith.andi %get3A_530, %broadcast_in_dim3A_3 : vector<16xi32>
        %bitcast3A_536 = vector.bitcast %and3A_535 : vector<16xi32> to vector<16xf32>
        %add3A_537 = arith.addf %scan3A_515, %bitcast3A_534 : vector<16xf32>
        %add3A_538 = arith.addf %scan3A_516, %bitcast3A_536 : vector<16xf32>
        %mul3A_539 = arith.constant 8 : i32
        %mul3A_540 = arith.muli %scan3A_512, %mul3A_539 : i32
        %add3A_541 = arith.constant 1 : i32
        %add3A_542 = arith.addi %mul3A_540, %add3A_541 : i32
        %get3A_543 = arith.index_cast %add3A_542 : i32 to index
        %get3A_544 = arith.constant 0 : index
        %get3A_545 = tpu.vector_load %arg12[%get3A_543, %get3A_544] {strides = array<i32>} : memref<200x32xi32, #tpu.memory_space<vmem>>, vector<16xi32>,
        %shift_left3A_546 = arith.constant 16 : i32
        %shift_left3A_547 = vector.broadcast %shift_left3A_546 : i32 to vector<16xi32>
        %shift_left3A_548 = arith.shli %get3A_545, %shift_left3A_547 : vector<16xi32>
        %bitcast3A_549 = vector.bitcast %shift_left3A_548 : vector<16xi32> to vector<16xf32>
        %and3A_550 = arith.andi %get3A_545, %broadcast_in_dim3A_3 : vector<16xi32>
        %bitcast3A_551 = vector.bitcast %and3A_550 : vector<16xi32> to vector<16xf32>
        %add3A_552 = arith.addf %add3A_526, %bitcast3A_549 : vector<16xf32>
        %add3A_553 = arith.addf %add3A_527, %bitcast3A_551 : vector<16xf32>
        %get3A_554 = arith.index_cast %add3A_542 : i32 to index
        %get3A_555 = arith.constant 16 : index
        %get3A_556 = tpu.vector_load %arg12[%get3A_554, %get3A_555] {strides = array<i32>} : memref<200x32xi32, #tpu.memory_space<vmem>>, vector<16xi32>,
        %shift_left3A_557 = arith.constant 16 : i32
        %shift_left3A_558 = vector.broadcast %shift_left3A_557 : i32 to vector<16xi32>
        %shift_left3A_559 = arith.shli %get3A_556, %shift_left3A_558 : vector<16xi32>
        %bitcast3A_560 = vector.bitcast %shift_left3A_559 : vector<16xi32> to vector<16xf32>
        %and3A_561 = arith.andi %get3A_556, %broadcast_in_dim3A_3 : vector<16xi32>
        %bitcast3A_562 = vector.bitcast %and3A_561 : vector<16xi32> to vector<16xf32>
        %add3A_563 = arith.addf %add3A_537, %bitcast3A_560 : vector<16xf32>
        %add3A_564 = arith.addf %add3A_538, %bitcast3A_562 : vector<16xf32>
        %mul3A_565 = arith.constant 8 : i32
        %mul3A_566 = arith.muli %scan3A_512, %mul3A_565 : i32
        %add3A_567 = arith.constant 2 : i32
        %add3A_568 = arith.addi %mul3A_566, %add3A_567 : i32
        %get3A_569 = arith.index_cast %add3A_568 : i32 to index
        %get3A_570 = arith.constant 0 : index
        %get3A_571 = tpu.vector_load %arg12[%get3A_569, %get3A_570] {strides = array<i32>} : memref<200x32xi32, #tpu.memory_space<vmem>>, vector<16xi32>,
        %shift_left3A_572 = arith.constant 16 : i32
        %shift_left3A_573 = vector.broadcast %shift_left3A_572 : i32 to vector<16xi32>
        %shift_left3A_574 = arith.shli %get3A_571, %shift_left3A_573 : vector<16xi32>
        %bitcast3A_575 = vector.bitcast %shift_left3A_574 : vector<16xi32> to vector<16xf32>
        %and3A_576 = arith.andi %get3A_571, %broadcast_in_dim3A_3 : vector<16xi32>
        %bitcast3A_577 = vector.bitcast %and3A_576 : vector<16xi32> to vector<16xf32>
        %add3A_578 = arith.addf %add3A_552, %bitcast3A_575 : vector<16xf32>
        %add3A_579 = arith.addf %add3A_553, %bitcast3A_577 : vector<16xf32>
        %get3A_580 = arith.index_cast %add3A_568 : i32 to index
        %get3A_581 = arith.constant 16 : index
        %get3A_582 = tpu.vector_load %arg12[%get3A_580, %get3A_581] {strides = array<i32>} : memref<200x32xi32, #tpu.memory_space<vmem>>, vector<16xi32>,
        %shift_left3A_583 = arith.constant 16 : i32
        %shift_left3A_584 = vector.broadcast %shift_left3A_583 : i32 to vector<16xi32>
        %shift_left3A_585 = arith.shli %get3A_582, %shift_left3A_584 : vector<16xi32>
        %bitcast3A_586 = vector.bitcast %shift_left3A_585 : vector<16xi32> to vector<16xf32>
        %and3A_587 = arith.andi %get3A_582, %broadcast_in_dim3A_3 : vector<16xi32>
        %bitcast3A_588 = vector.bitcast %and3A_587 : vector<16xi32> to vector<16xf32>
        %add3A_589 = arith.addf %add3A_563, %bitcast3A_586 : vector<16xf32>
        %add3A_590 = arith.addf %add3A_564, %bitcast3A_588 : vector<16xf32>
        %mul3A_591 = arith.constant 8 : i32
        %mul3A_592 = arith.muli %scan3A_512, %mul3A_591 : i32
        %add3A_593 = arith.constant 3 : i32
        %add3A_594 = arith.addi %mul3A_592, %add3A_593 : i32
        %get3A_595 = arith.index_cast %add3A_594 : i32 to index
        %get3A_596 = arith.constant 0 : index
        %get3A_597 = tpu.vector_load %arg12[%get3A_595, %get3A_596] {strides = array<i32>} : memref<200x32xi32, #tpu.memory_space<vmem>>, vector<16xi32>,
        %shift_left3A_598 = arith.constant 16 : i32
        %shift_left3A_599 = vector.broadcast %shift_left3A_598 : i32 to vector<16xi32>
        %shift_left3A_600 = arith.shli %get3A_597, %shift_left3A_599 : vector<16xi32>
        %bitcast3A_601 = vector.bitcast %shift_left3A_600 : vector<16xi32> to vector<16xf32>
        %and3A_602 = arith.andi %get3A_597, %broadcast_in_dim3A_3 : vector<16xi32>
        %bitcast3A_603 = vector.bitcast %and3A_602 : vector<16xi32> to vector<16xf32>
        %add3A_604 = arith.addf %add3A_578, %bitcast3A_601 : vector<16xf32>
        %add3A_605 = arith.addf %add3A_579, %bitcast3A_603 : vector<16xf32>
        %get3A_606 = arith.index_cast %add3A_594 : i32 to index
        %get3A_607 = arith.constant 16 : index
        %get3A_608 = tpu.vector_load %arg12[%get3A_606, %get3A_607] {strides = array<i32>} : memref<200x32xi32, #tpu.memory_space<vmem>>, vector<16xi32>,
        %shift_left3A_609 = arith.constant 16 : i32
        %shift_left3A_610 = vector.broadcast %shift_left3A_609 : i32 to vector<16xi32>
        %shift_left3A_611 = arith.shli %get3A_608, %shift_left3A_610 : vector<16xi32>
        %bitcast3A_612 = vector.bitcast %shift_left3A_611 : vector<16xi32> to vector<16xf32>
        %and3A_613 = arith.andi %get3A_608, %broadcast_in_dim3A_3 : vector<16xi32>
        %bitcast3A_614 = vector.bitcast %and3A_613 : vector<16xi32> to vector<16xf32>
        %add3A_615 = arith.addf %add3A_589, %bitcast3A_612 : vector<16xf32>
        %add3A_616 = arith.addf %add3A_590, %bitcast3A_614 : vector<16xf32>
        %mul3A_617 = arith.constant 8 : i32
        %mul3A_618 = arith.muli %scan3A_512, %mul3A_617 : i32
        %add3A_619 = arith.constant 4 : i32
        %add3A_620 = arith.addi %mul3A_618, %add3A_619 : i32
        %get3A_621 = arith.index_cast %add3A_620 : i32 to index
        %get3A_622 = arith.constant 0 : index
        %get3A_623 = tpu.vector_load %arg12[%get3A_621, %get3A_622] {strides = array<i32>} : memref<200x32xi32, #tpu.memory_space<vmem>>, vector<16xi32>,
        %shift_left3A_624 = arith.constant 16 : i32
        %shift_left3A_625 = vector.broadcast %shift_left3A_624 : i32 to vector<16xi32>
        %shift_left3A_626 = arith.shli %get3A_623, %shift_left3A_625 : vector<16xi32>
        %bitcast3A_627 = vector.bitcast %shift_left3A_626 : vector<16xi32> to vector<16xf32>
        %and3A_628 = arith.andi %get3A_623, %broadcast_in_dim3A_3 : vector<16xi32>
        %bitcast3A_629 = vector.bitcast %and3A_628 : vector<16xi32> to vector<16xf32>
        %add3A_630 = arith.addf %add3A_604, %bitcast3A_627 : vector<16xf32>
        %add3A_631 = arith.addf %add3A_605, %bitcast3A_629 : vector<16xf32>
        %get3A_632 = arith.index_cast %add3A_620 : i32 to index
        %get3A_633 = arith.constant 16 : index
        %get3A_634 = tpu.vector_load %arg12[%get3A_632, %get3A_633] {strides = array<i32>} : memref<200x32xi32, #tpu.memory_space<vmem>>, vector<16xi32>,
        %shift_left3A_635 = arith.constant 16 : i32
        %shift_left3A_636 = vector.broadcast %shift_left3A_635 : i32 to vector<16xi32>
        %shift_left3A_637 = arith.shli %get3A_634, %shift_left3A_636 : vector<16xi32>
        %bitcast3A_638 = vector.bitcast %shift_left3A_637 : vector<16xi32> to vector<16xf32>
        %and3A_639 = arith.andi %get3A_634, %broadcast_in_dim3A_3 : vector<16xi32>
        %bitcast3A_640 = vector.bitcast %and3A_639 : vector<16xi32> to vector<16xf32>
        %add3A_641 = arith.addf %add3A_615, %bitcast3A_638 : vector<16xf32>
        %add3A_642 = arith.addf %add3A_616, %bitcast3A_640 : vector<16xf32>
        %mul3A_643 = arith.constant 8 : i32
        %mul3A_644 = arith.muli %scan3A_512, %mul3A_643 : i32
        %add3A_645 = arith.constant 5 : i32
        %add3A_646 = arith.addi %mul3A_644, %add3A_645 : i32
        %get3A_647 = arith.index_cast %add3A_646 : i32 to index
        %get3A_648 = arith.constant 0 : index
        %get3A_649 = tpu.vector_load %arg12[%get3A_647, %get3A_648] {strides = array<i32>} : memref<200x32xi32, #tpu.memory_space<vmem>>, vector<16xi32>,
        %shift_left3A_650 = arith.constant 16 : i32
        %shift_left3A_651 = vector.broadcast %shift_left3A_650 : i32 to vector<16xi32>
        %shift_left3A_652 = arith.shli %get3A_649, %shift_left3A_651 : vector<16xi32>
        %bitcast3A_653 = vector.bitcast %shift_left3A_652 : vector<16xi32> to vector<16xf32>
        %and3A_654 = arith.andi %get3A_649, %broadcast_in_dim3A_3 : vector<16xi32>
        %bitcast3A_655 = vector.bitcast %and3A_654 : vector<16xi32> to vector<16xf32>
        %add3A_656 = arith.addf %add3A_630, %bitcast3A_653 : vector<16xf32>
        %add3A_657 = arith.addf %add3A_631, %bitcast3A_655 : vector<16xf32>
        %get3A_658 = arith.index_cast %add3A_646 : i32 to index
        %get3A_659 = arith.constant 16 : index
        %get3A_660 = tpu.vector_load %arg12[%get3A_658, %get3A_659] {strides = array<i32>} : memref<200x32xi32, #tpu.memory_space<vmem>>, vector<16xi32>,
        %shift_left3A_661 = arith.constant 16 : i32
        %shift_left3A_662 = vector.broadcast %shift_left3A_661 : i32 to vector<16xi32>
        %shift_left3A_663 = arith.shli %get3A_660, %shift_left3A_662 : vector<16xi32>
        %bitcast3A_664 = vector.bitcast %shift_left3A_663 : vector<16xi32> to vector<16xf32>
        %and3A_665 = arith.andi %get3A_660, %broadcast_in_dim3A_3 : vector<16xi32>
        %bitcast3A_666 = vector.bitcast %and3A_665 : vector<16xi32> to vector<16xf32>
        %add3A_667 = arith.addf %add3A_641, %bitcast3A_664 : vector<16xf32>
        %add3A_668 = arith.addf %add3A_642, %bitcast3A_666 : vector<16xf32>
        %mul3A_669 = arith.constant 8 : i32
        %mul3A_670 = arith.muli %scan3A_512, %mul3A_669 : i32
        %add3A_671 = arith.constant 6 : i32
        %add3A_672 = arith.addi %mul3A_670, %add3A_671 : i32
        %get3A_673 = arith.index_cast %add3A_672 : i32 to index
        %get3A_674 = arith.constant 0 : index
        %get3A_675 = tpu.vector_load %arg12[%get3A_673, %get3A_674] {strides = array<i32>} : memref<200x32xi32, #tpu.memory_space<vmem>>, vector<16xi32>,
        %shift_left3A_676 = arith.constant 16 : i32
        %shift_left3A_677 = vector.broadcast %shift_left3A_676 : i32 to vector<16xi32>
        %shift_left3A_678 = arith.shli %get3A_675, %shift_left3A_677 : vector<16xi32>
        %bitcast3A_679 = vector.bitcast %shift_left3A_678 : vector<16xi32> to vector<16xf32>
        %and3A_680 = arith.andi %get3A_675, %broadcast_in_dim3A_3 : vector<16xi32>
        %bitcast3A_681 = vector.bitcast %and3A_680 : vector<16xi32> to vector<16xf32>
        %add3A_682 = arith.addf %add3A_656, %bitcast3A_679 : vector<16xf32>
        %add3A_683 = arith.addf %add3A_657, %bitcast3A_681 : vector<16xf32>
        %get3A_684 = arith.index_cast %add3A_672 : i32 to index
        %get3A_685 = arith.constant 16 : index
        %get3A_686 = tpu.vector_load %arg12[%get3A_684, %get3A_685] {strides = array<i32>} : memref<200x32xi32, #tpu.memory_space<vmem>>, vector<16xi32>,
        %shift_left3A_687 = arith.constant 16 : i32
        %shift_left3A_688 = vector.broadcast %shift_left3A_687 : i32 to vector<16xi32>
        %shift_left3A_689 = arith.shli %get3A_686, %shift_left3A_688 : vector<16xi32>
        %bitcast3A_690 = vector.bitcast %shift_left3A_689 : vector<16xi32> to vector<16xf32>
        %and3A_691 = arith.andi %get3A_686, %broadcast_in_dim3A_3 : vector<16xi32>
        %bitcast3A_692 = vector.bitcast %and3A_691 : vector<16xi32> to vector<16xf32>
        %add3A_693 = arith.addf %add3A_667, %bitcast3A_690 : vector<16xf32>
        %add3A_694 = arith.addf %add3A_668, %bitcast3A_692 : vector<16xf32>
        %mul3A_695 = arith.constant 8 : i32
        %mul3A_696 = arith.muli %scan3A_512, %mul3A_695 : i32
        %add3A_697 = arith.constant 7 : i32
        %add3A_698 = arith.addi %mul3A_696, %add3A_697 : i32
        %get3A_699 = arith.index_cast %add3A_698 : i32 to index
        %get3A_700 = arith.constant 0 : index
        %get3A_701 = tpu.vector_load %arg12[%get3A_699, %get3A_700] {strides = array<i32>} : memref<200x32xi32, #tpu.memory_space<vmem>>, vector<16xi32>,
        %shift_left3A_702 = arith.constant 16 : i32
        %shift_left3A_703 = vector.broadcast %shift_left3A_702 : i32 to vector<16xi32>
        %shift_left3A_704 = arith.shli %get3A_701, %shift_left3A_703 : vector<16xi32>
        %bitcast3A_705 = vector.bitcast %shift_left3A_704 : vector<16xi32> to vector<16xf32>
        %and3A_706 = arith.andi %get3A_701, %broadcast_in_dim3A_3 : vector<16xi32>
        %bitcast3A_707 = vector.bitcast %and3A_706 : vector<16xi32> to vector<16xf32>
        %add3A_708 = arith.addf %add3A_682, %bitcast3A_705 : vector<16xf32>
        %add3A_709 = arith.addf %add3A_683, %bitcast3A_707 : vector<16xf32>
        %get3A_710 = arith.index_cast %add3A_698 : i32 to index
        %get3A_711 = arith.constant 16 : index
        %get3A_712 = tpu.vector_load %arg12[%get3A_710, %get3A_711] {strides = array<i32>} : memref<200x32xi32, #tpu.memory_space<vmem>>, vector<16xi32>,
        %shift_left3A_713 = arith.constant 16 : i32
        %shift_left3A_714 = vector.broadcast %shift_left3A_713 : i32 to vector<16xi32>
        %shift_left3A_715 = arith.shli %get3A_712, %shift_left3A_714 : vector<16xi32>
        %bitcast3A_716 = vector.bitcast %shift_left3A_715 : vector<16xi32> to vector<16xf32>
        %and3A_717 = arith.andi %get3A_712, %broadcast_in_dim3A_3 : vector<16xi32>
        %bitcast3A_718 = vector.bitcast %and3A_717 : vector<16xi32> to vector<16xf32>
        %add3A_719 = arith.addf %add3A_693, %bitcast3A_716 : vector<16xf32>
        %add3A_720 = arith.addf %add3A_694, %bitcast3A_718 : vector<16xf32>
        scf.yield %add3A_708, %add3A_709, %add3A_719, %add3A_720 : vector<16xf32>, vector<16xf32>, vector<16xf32>, vector<16xf32>
      }
      %scan3A_438 = arith.constant 25 : i32
      %mul3A_439 = arith.constant 5.000000e-03 : f32
      %mul3A_440 = vector.broadcast %mul3A_439 : f32 to vector<16xf32>
      %mul3A_441 = arith.mulf %scan3A_437#0, %mul3A_440 : vector<16xf32>
      %swap3A_442 = arith.index_cast %add3A_415 : i32 to index
      %swap3A_443 = arith.constant 0 : index
      %swap3A_444 = tpu.vector_load %arg14[%swap3A_442, %swap3A_443] {strides = array<i32>} : memref<128x64xf32, #tpu.memory_space<vmem>>, vector<16xf32>,
      tpu.vector_store %arg14[%swap3A_442, %swap3A_443], %mul3A_441 {strides = array<i32>} : memref<128x64xf32, #tpu.memory_space<vmem>>, vector<16xf32>,
      %mul3A_445 = arith.constant 5.000000e-03 : f32
      %mul3A_446 = vector.broadcast %mul3A_445 : f32 to vector<16xf32>
      %mul3A_447 = arith.mulf %scan3A_437#1, %mul3A_446 : vector<16xf32>
      %swap3A_448 = arith.index_cast %add3A_415 : i32 to index
      %swap3A_449 = arith.constant 16 : index
      %swap3A_450 = tpu.vector_load %arg14[%swap3A_448, %swap3A_449] {strides = array<i32>} : memref<128x64xf32, #tpu.memory_space<vmem>>, vector<16xf32>,
      tpu.vector_store %arg14[%swap3A_448, %swap3A_449], %mul3A_447 {strides = array<i32>} : memref<128x64xf32, #tpu.memory_space<vmem>>, vector<16xf32>,
      %mul3A_451 = arith.constant 5.000000e-03 : f32
      %mul3A_452 = vector.broadcast %mul3A_451 : f32 to vector<16xf32>
      %mul3A_453 = arith.mulf %scan3A_437#2, %mul3A_452 : vector<16xf32>
      %swap3A_454 = arith.index_cast %add3A_415 : i32 to index
      %swap3A_455 = arith.constant 32 : index
      %swap3A_456 = tpu.vector_load %arg14[%swap3A_454, %swap3A_455] {strides = array<i32>} : memref<128x64xf32, #tpu.memory_space<vmem>>, vector<16xf32>,
      tpu.vector_store %arg14[%swap3A_454, %swap3A_455], %mul3A_453 {strides = array<i32>} : memref<128x64xf32, #tpu.memory_space<vmem>>, vector<16xf32>,
      %mul3A_457 = arith.constant 5.000000e-03 : f32
      %mul3A_458 = vector.broadcast %mul3A_457 : f32 to vector<16xf32>
      %mul3A_459 = arith.mulf %scan3A_437#3, %mul3A_458 : vector<16xf32>
      %swap3A_460 = arith.index_cast %add3A_415 : i32 to index
      %swap3A_461 = arith.constant 48 : index
      %swap3A_462 = tpu.vector_load %arg14[%swap3A_460, %swap3A_461] {strides = array<i32>} : memref<128x64xf32, #tpu.memory_space<vmem>>, vector<16xf32>,
      tpu.vector_store %arg14[%swap3A_460, %swap3A_461], %mul3A_459 {strides = array<i32>} : memref<128x64xf32, #tpu.memory_space<vmem>>, vector<16xf32>,
      %add3A_463 = arith.constant 7 : i32
      %add3A_464 = arith.addi %add3A_125, %add3A_463 : i32
      %add3A_465 = arith.constant 8 : i32
      %add3A_466 = arith.addi %add3A_464, %add3A_465 : i32
      %sub3A_467 = arith.constant 1 : i32
      %sub3A_468 = arith.subi %add3A_466, %sub3A_467 : i32
      %lt3A_469 = arith.constant 128 : i32
      %lt3A_470 = arith.cmpi slt, %sub3A_468, %lt3A_469 : i32
      %convert_element_type3A_471 = arith.extui %lt3A_470 : i1 to i32
      %cond3A_472 = arith.constant 0 : i32
      %cond3A_473 = arith.cmpi ne, %convert_element_type3A_471, %cond3A_472 : i32
      scf.if %cond3A_473 {
        %add3A_512 = arith.constant 8 : i32
        %add3A_513 = arith.addi %add3A_464, %add3A_512 : i32
        %sub3A_514 = arith.constant 1 : i32
        %sub3A_515 = arith.subi %add3A_513, %sub3A_514 : i32
        %mul3A_516 = arith.constant 200 : i32
        %mul3A_517 = arith.muli %sub3A_515, %mul3A_516 : i32
        %dma_start3A_518 = arith.constant 0 : i32
        %dma_start3A_519 = arith.constant 0 : i32
        %dma_start3A_520 = tpu.memref_slice %arg12[%dma_start3A_518, %dma_start3A_519] : memref<200x32xi32, #tpu.memory_space<vmem>> -> memref<128x32xi32, #tpu.memory_space<vmem>>
        %dma_start3A_521 = tpu.memref_slice %arg5[%mul3A_517] : memref<25600xi32, #tpu.memory_space<vmem>> -> memref<128xi32, #tpu.memory_space<vmem>>
        %dma_start3A_522 = arith.constant 0 : i32
        %dma_start3A_523 = arith.constant 0 : i32
        %dma_start3A_524 = tpu.memref_slice %arg2[%dma_start3A_522, %dma_start3A_523] : memref<100000x32xi32, #tpu.memory_space<hbm>> -> memref<100000x32xi32, #tpu.memory_space<hbm>>
        tpu.enqueue_indirect_dma source(%dma_start3A_524 : memref<100000x32xi32, #tpu.memory_space<hbm>>) target(%dma_start3A_520 : memref<128x32xi32, #tpu.memory_space<vmem>>) offsets(%dma_start3A_521 : memref<128xi32, #tpu.memory_space<vmem>>) semaphore(%arg21 : memref<!tpu.dma_semaphore, #tpu.memory_space<semaphore_mem>>)
        %add3A_525 = arith.constant 128 : i32
        %add3A_526 = arith.addi %mul3A_517, %add3A_525 : i32
        %dma_start3A_527 = arith.constant 128 : i32
        %dma_start3A_528 = arith.constant 0 : i32
        %dma_start3A_529 = tpu.memref_slice %arg12[%dma_start3A_527, %dma_start3A_528] : memref<200x32xi32, #tpu.memory_space<vmem>> -> memref<72x32xi32, #tpu.memory_space<vmem>>
        %dma_start3A_530 = tpu.memref_slice %arg5[%add3A_526] : memref<25600xi32, #tpu.memory_space<vmem>> -> memref<72xi32, #tpu.memory_space<vmem>>
        %dma_start3A_531 = arith.constant 0 : i32
        %dma_start3A_532 = arith.constant 0 : i32
        %dma_start3A_533 = tpu.memref_slice %arg2[%dma_start3A_531, %dma_start3A_532] : memref<100000x32xi32, #tpu.memory_space<hbm>> -> memref<100000x32xi32, #tpu.memory_space<hbm>>
        tpu.enqueue_indirect_dma source(%dma_start3A_533 : memref<100000x32xi32, #tpu.memory_space<hbm>>) target(%dma_start3A_529 : memref<72x32xi32, #tpu.memory_space<vmem>>) offsets(%dma_start3A_530 : memref<72xi32, #tpu.memory_space<vmem>>) semaphore(%arg21 : memref<!tpu.dma_semaphore, #tpu.memory_space<semaphore_mem>>)
      } else {
      }
      %dma_wait3A_474 = arith.constant 0 : i32
      %dma_wait3A_475 = arith.constant 0 : i32
      %dma_wait3A_476 = tpu.memref_slice %arg2[%dma_wait3A_474, %dma_wait3A_475] : memref<100000x32xi32, #tpu.memory_space<hbm>> -> memref<200x32xi32, #tpu.memory_space<hbm>>
      %dma_wait3A_477 = arith.constant 0 : i32
      %dma_wait3A_478 = arith.constant 0 : i32
      %dma_wait3A_479 = tpu.memref_slice %arg2[%dma_wait3A_477, %dma_wait3A_478] : memref<100000x32xi32, #tpu.memory_space<hbm>> -> memref<200x32xi32, #tpu.memory_space<hbm>>
      tpu.wait_dma2 semaphore(%arg22 : memref<!tpu.dma_semaphore, #tpu.memory_space<semaphore_mem>>) src(%dma_wait3A_479 : memref<200x32xi32, #tpu.memory_space<hbm>>) dst(%arg13 : memref<200x32xi32, #tpu.memory_space<vmem>>)
      %broadcast_in_dim3A_480 = arith.constant 0.000000e+00 : f32
      %broadcast_in_dim3A_481 = vector.broadcast %broadcast_in_dim3A_480 : f32 to vector<16xf32>
      %scan3A_482 = arith.constant 0 : i32
      %scan3A_483 = arith.constant 25 : i32
      %scan3A_484 = arith.addi %scan3A_482, %scan3A_483 : i32
      %scan3A_485 = arith.constant 1 : i32
      %scan3A_486:4 = scf.for %scan3A_512 = %scan3A_482 to %scan3A_484 step %scan3A_485 iter_args(%scan3A_513 = %broadcast_in_dim3A_481, %scan3A_514 = %broadcast_in_dim3A_481, %scan3A_515 = %broadcast_in_dim3A_481, %scan3A_516 = %broadcast_in_dim3A_481) -> (vector<16xf32>, vector<16xf32>, vector<16xf32>, vector<16xf32>)  : i32 {
        %mul3A_517 = arith.constant 8 : i32
        %mul3A_518 = arith.muli %scan3A_512, %mul3A_517 : i32
        %add3A_519 = arith.constant 0 : i32
        %add3A_520 = arith.addi %mul3A_518, %add3A_519 : i32
        %get3A = arith.index_cast %add3A_520 : i32 to index
        %get3A_521 = arith.constant 0 : index
        %get3A_522 = tpu.vector_load %arg13[%get3A, %get3A_521] {strides = array<i32>} : memref<200x32xi32, #tpu.memory_space<vmem>>, vector<16xi32>,
        %shift_left3A = arith.constant 16 : i32
        %shift_left3A_523 = vector.broadcast %shift_left3A : i32 to vector<16xi32>
        %shift_left3A_524 = arith.shli %get3A_522, %shift_left3A_523 : vector<16xi32>
        %bitcast3A = vector.bitcast %shift_left3A_524 : vector<16xi32> to vector<16xf32>
        %and3A = arith.andi %get3A_522, %broadcast_in_dim3A_3 : vector<16xi32>
        %bitcast3A_525 = vector.bitcast %and3A : vector<16xi32> to vector<16xf32>
        %add3A_526 = arith.addf %scan3A_513, %bitcast3A : vector<16xf32>
        %add3A_527 = arith.addf %scan3A_514, %bitcast3A_525 : vector<16xf32>
        %get3A_528 = arith.index_cast %add3A_520 : i32 to index
        %get3A_529 = arith.constant 16 : index
        %get3A_530 = tpu.vector_load %arg13[%get3A_528, %get3A_529] {strides = array<i32>} : memref<200x32xi32, #tpu.memory_space<vmem>>, vector<16xi32>,
        %shift_left3A_531 = arith.constant 16 : i32
        %shift_left3A_532 = vector.broadcast %shift_left3A_531 : i32 to vector<16xi32>
        %shift_left3A_533 = arith.shli %get3A_530, %shift_left3A_532 : vector<16xi32>
        %bitcast3A_534 = vector.bitcast %shift_left3A_533 : vector<16xi32> to vector<16xf32>
        %and3A_535 = arith.andi %get3A_530, %broadcast_in_dim3A_3 : vector<16xi32>
        %bitcast3A_536 = vector.bitcast %and3A_535 : vector<16xi32> to vector<16xf32>
        %add3A_537 = arith.addf %scan3A_515, %bitcast3A_534 : vector<16xf32>
        %add3A_538 = arith.addf %scan3A_516, %bitcast3A_536 : vector<16xf32>
        %mul3A_539 = arith.constant 8 : i32
        %mul3A_540 = arith.muli %scan3A_512, %mul3A_539 : i32
        %add3A_541 = arith.constant 1 : i32
        %add3A_542 = arith.addi %mul3A_540, %add3A_541 : i32
        %get3A_543 = arith.index_cast %add3A_542 : i32 to index
        %get3A_544 = arith.constant 0 : index
        %get3A_545 = tpu.vector_load %arg13[%get3A_543, %get3A_544] {strides = array<i32>} : memref<200x32xi32, #tpu.memory_space<vmem>>, vector<16xi32>,
        %shift_left3A_546 = arith.constant 16 : i32
        %shift_left3A_547 = vector.broadcast %shift_left3A_546 : i32 to vector<16xi32>
        %shift_left3A_548 = arith.shli %get3A_545, %shift_left3A_547 : vector<16xi32>
        %bitcast3A_549 = vector.bitcast %shift_left3A_548 : vector<16xi32> to vector<16xf32>
        %and3A_550 = arith.andi %get3A_545, %broadcast_in_dim3A_3 : vector<16xi32>
        %bitcast3A_551 = vector.bitcast %and3A_550 : vector<16xi32> to vector<16xf32>
        %add3A_552 = arith.addf %add3A_526, %bitcast3A_549 : vector<16xf32>
        %add3A_553 = arith.addf %add3A_527, %bitcast3A_551 : vector<16xf32>
        %get3A_554 = arith.index_cast %add3A_542 : i32 to index
        %get3A_555 = arith.constant 16 : index
        %get3A_556 = tpu.vector_load %arg13[%get3A_554, %get3A_555] {strides = array<i32>} : memref<200x32xi32, #tpu.memory_space<vmem>>, vector<16xi32>,
        %shift_left3A_557 = arith.constant 16 : i32
        %shift_left3A_558 = vector.broadcast %shift_left3A_557 : i32 to vector<16xi32>
        %shift_left3A_559 = arith.shli %get3A_556, %shift_left3A_558 : vector<16xi32>
        %bitcast3A_560 = vector.bitcast %shift_left3A_559 : vector<16xi32> to vector<16xf32>
        %and3A_561 = arith.andi %get3A_556, %broadcast_in_dim3A_3 : vector<16xi32>
        %bitcast3A_562 = vector.bitcast %and3A_561 : vector<16xi32> to vector<16xf32>
        %add3A_563 = arith.addf %add3A_537, %bitcast3A_560 : vector<16xf32>
        %add3A_564 = arith.addf %add3A_538, %bitcast3A_562 : vector<16xf32>
        %mul3A_565 = arith.constant 8 : i32
        %mul3A_566 = arith.muli %scan3A_512, %mul3A_565 : i32
        %add3A_567 = arith.constant 2 : i32
        %add3A_568 = arith.addi %mul3A_566, %add3A_567 : i32
        %get3A_569 = arith.index_cast %add3A_568 : i32 to index
        %get3A_570 = arith.constant 0 : index
        %get3A_571 = tpu.vector_load %arg13[%get3A_569, %get3A_570] {strides = array<i32>} : memref<200x32xi32, #tpu.memory_space<vmem>>, vector<16xi32>,
        %shift_left3A_572 = arith.constant 16 : i32
        %shift_left3A_573 = vector.broadcast %shift_left3A_572 : i32 to vector<16xi32>
        %shift_left3A_574 = arith.shli %get3A_571, %shift_left3A_573 : vector<16xi32>
        %bitcast3A_575 = vector.bitcast %shift_left3A_574 : vector<16xi32> to vector<16xf32>
        %and3A_576 = arith.andi %get3A_571, %broadcast_in_dim3A_3 : vector<16xi32>
        %bitcast3A_577 = vector.bitcast %and3A_576 : vector<16xi32> to vector<16xf32>
        %add3A_578 = arith.addf %add3A_552, %bitcast3A_575 : vector<16xf32>
        %add3A_579 = arith.addf %add3A_553, %bitcast3A_577 : vector<16xf32>
        %get3A_580 = arith.index_cast %add3A_568 : i32 to index
        %get3A_581 = arith.constant 16 : index
        %get3A_582 = tpu.vector_load %arg13[%get3A_580, %get3A_581] {strides = array<i32>} : memref<200x32xi32, #tpu.memory_space<vmem>>, vector<16xi32>,
        %shift_left3A_583 = arith.constant 16 : i32
        %shift_left3A_584 = vector.broadcast %shift_left3A_583 : i32 to vector<16xi32>
        %shift_left3A_585 = arith.shli %get3A_582, %shift_left3A_584 : vector<16xi32>
        %bitcast3A_586 = vector.bitcast %shift_left3A_585 : vector<16xi32> to vector<16xf32>
        %and3A_587 = arith.andi %get3A_582, %broadcast_in_dim3A_3 : vector<16xi32>
        %bitcast3A_588 = vector.bitcast %and3A_587 : vector<16xi32> to vector<16xf32>
        %add3A_589 = arith.addf %add3A_563, %bitcast3A_586 : vector<16xf32>
        %add3A_590 = arith.addf %add3A_564, %bitcast3A_588 : vector<16xf32>
        %mul3A_591 = arith.constant 8 : i32
        %mul3A_592 = arith.muli %scan3A_512, %mul3A_591 : i32
        %add3A_593 = arith.constant 3 : i32
        %add3A_594 = arith.addi %mul3A_592, %add3A_593 : i32
        %get3A_595 = arith.index_cast %add3A_594 : i32 to index
        %get3A_596 = arith.constant 0 : index
        %get3A_597 = tpu.vector_load %arg13[%get3A_595, %get3A_596] {strides = array<i32>} : memref<200x32xi32, #tpu.memory_space<vmem>>, vector<16xi32>,
        %shift_left3A_598 = arith.constant 16 : i32
        %shift_left3A_599 = vector.broadcast %shift_left3A_598 : i32 to vector<16xi32>
        %shift_left3A_600 = arith.shli %get3A_597, %shift_left3A_599 : vector<16xi32>
        %bitcast3A_601 = vector.bitcast %shift_left3A_600 : vector<16xi32> to vector<16xf32>
        %and3A_602 = arith.andi %get3A_597, %broadcast_in_dim3A_3 : vector<16xi32>
        %bitcast3A_603 = vector.bitcast %and3A_602 : vector<16xi32> to vector<16xf32>
        %add3A_604 = arith.addf %add3A_578, %bitcast3A_601 : vector<16xf32>
        %add3A_605 = arith.addf %add3A_579, %bitcast3A_603 : vector<16xf32>
        %get3A_606 = arith.index_cast %add3A_594 : i32 to index
        %get3A_607 = arith.constant 16 : index
        %get3A_608 = tpu.vector_load %arg13[%get3A_606, %get3A_607] {strides = array<i32>} : memref<200x32xi32, #tpu.memory_space<vmem>>, vector<16xi32>,
        %shift_left3A_609 = arith.constant 16 : i32
        %shift_left3A_610 = vector.broadcast %shift_left3A_609 : i32 to vector<16xi32>
        %shift_left3A_611 = arith.shli %get3A_608, %shift_left3A_610 : vector<16xi32>
        %bitcast3A_612 = vector.bitcast %shift_left3A_611 : vector<16xi32> to vector<16xf32>
        %and3A_613 = arith.andi %get3A_608, %broadcast_in_dim3A_3 : vector<16xi32>
        %bitcast3A_614 = vector.bitcast %and3A_613 : vector<16xi32> to vector<16xf32>
        %add3A_615 = arith.addf %add3A_589, %bitcast3A_612 : vector<16xf32>
        %add3A_616 = arith.addf %add3A_590, %bitcast3A_614 : vector<16xf32>
        %mul3A_617 = arith.constant 8 : i32
        %mul3A_618 = arith.muli %scan3A_512, %mul3A_617 : i32
        %add3A_619 = arith.constant 4 : i32
        %add3A_620 = arith.addi %mul3A_618, %add3A_619 : i32
        %get3A_621 = arith.index_cast %add3A_620 : i32 to index
        %get3A_622 = arith.constant 0 : index
        %get3A_623 = tpu.vector_load %arg13[%get3A_621, %get3A_622] {strides = array<i32>} : memref<200x32xi32, #tpu.memory_space<vmem>>, vector<16xi32>,
        %shift_left3A_624 = arith.constant 16 : i32
        %shift_left3A_625 = vector.broadcast %shift_left3A_624 : i32 to vector<16xi32>
        %shift_left3A_626 = arith.shli %get3A_623, %shift_left3A_625 : vector<16xi32>
        %bitcast3A_627 = vector.bitcast %shift_left3A_626 : vector<16xi32> to vector<16xf32>
        %and3A_628 = arith.andi %get3A_623, %broadcast_in_dim3A_3 : vector<16xi32>
        %bitcast3A_629 = vector.bitcast %and3A_628 : vector<16xi32> to vector<16xf32>
        %add3A_630 = arith.addf %add3A_604, %bitcast3A_627 : vector<16xf32>
        %add3A_631 = arith.addf %add3A_605, %bitcast3A_629 : vector<16xf32>
        %get3A_632 = arith.index_cast %add3A_620 : i32 to index
        %get3A_633 = arith.constant 16 : index
        %get3A_634 = tpu.vector_load %arg13[%get3A_632, %get3A_633] {strides = array<i32>} : memref<200x32xi32, #tpu.memory_space<vmem>>, vector<16xi32>,
        %shift_left3A_635 = arith.constant 16 : i32
        %shift_left3A_636 = vector.broadcast %shift_left3A_635 : i32 to vector<16xi32>
        %shift_left3A_637 = arith.shli %get3A_634, %shift_left3A_636 : vector<16xi32>
        %bitcast3A_638 = vector.bitcast %shift_left3A_637 : vector<16xi32> to vector<16xf32>
        %and3A_639 = arith.andi %get3A_634, %broadcast_in_dim3A_3 : vector<16xi32>
        %bitcast3A_640 = vector.bitcast %and3A_639 : vector<16xi32> to vector<16xf32>
        %add3A_641 = arith.addf %add3A_615, %bitcast3A_638 : vector<16xf32>
        %add3A_642 = arith.addf %add3A_616, %bitcast3A_640 : vector<16xf32>
        %mul3A_643 = arith.constant 8 : i32
        %mul3A_644 = arith.muli %scan3A_512, %mul3A_643 : i32
        %add3A_645 = arith.constant 5 : i32
        %add3A_646 = arith.addi %mul3A_644, %add3A_645 : i32
        %get3A_647 = arith.index_cast %add3A_646 : i32 to index
        %get3A_648 = arith.constant 0 : index
        %get3A_649 = tpu.vector_load %arg13[%get3A_647, %get3A_648] {strides = array<i32>} : memref<200x32xi32, #tpu.memory_space<vmem>>, vector<16xi32>,
        %shift_left3A_650 = arith.constant 16 : i32
        %shift_left3A_651 = vector.broadcast %shift_left3A_650 : i32 to vector<16xi32>
        %shift_left3A_652 = arith.shli %get3A_649, %shift_left3A_651 : vector<16xi32>
        %bitcast3A_653 = vector.bitcast %shift_left3A_652 : vector<16xi32> to vector<16xf32>
        %and3A_654 = arith.andi %get3A_649, %broadcast_in_dim3A_3 : vector<16xi32>
        %bitcast3A_655 = vector.bitcast %and3A_654 : vector<16xi32> to vector<16xf32>
        %add3A_656 = arith.addf %add3A_630, %bitcast3A_653 : vector<16xf32>
        %add3A_657 = arith.addf %add3A_631, %bitcast3A_655 : vector<16xf32>
        %get3A_658 = arith.index_cast %add3A_646 : i32 to index
        %get3A_659 = arith.constant 16 : index
        %get3A_660 = tpu.vector_load %arg13[%get3A_658, %get3A_659] {strides = array<i32>} : memref<200x32xi32, #tpu.memory_space<vmem>>, vector<16xi32>,
        %shift_left3A_661 = arith.constant 16 : i32
        %shift_left3A_662 = vector.broadcast %shift_left3A_661 : i32 to vector<16xi32>
        %shift_left3A_663 = arith.shli %get3A_660, %shift_left3A_662 : vector<16xi32>
        %bitcast3A_664 = vector.bitcast %shift_left3A_663 : vector<16xi32> to vector<16xf32>
        %and3A_665 = arith.andi %get3A_660, %broadcast_in_dim3A_3 : vector<16xi32>
        %bitcast3A_666 = vector.bitcast %and3A_665 : vector<16xi32> to vector<16xf32>
        %add3A_667 = arith.addf %add3A_641, %bitcast3A_664 : vector<16xf32>
        %add3A_668 = arith.addf %add3A_642, %bitcast3A_666 : vector<16xf32>
        %mul3A_669 = arith.constant 8 : i32
        %mul3A_670 = arith.muli %scan3A_512, %mul3A_669 : i32
        %add3A_671 = arith.constant 6 : i32
        %add3A_672 = arith.addi %mul3A_670, %add3A_671 : i32
        %get3A_673 = arith.index_cast %add3A_672 : i32 to index
        %get3A_674 = arith.constant 0 : index
        %get3A_675 = tpu.vector_load %arg13[%get3A_673, %get3A_674] {strides = array<i32>} : memref<200x32xi32, #tpu.memory_space<vmem>>, vector<16xi32>,
        %shift_left3A_676 = arith.constant 16 : i32
        %shift_left3A_677 = vector.broadcast %shift_left3A_676 : i32 to vector<16xi32>
        %shift_left3A_678 = arith.shli %get3A_675, %shift_left3A_677 : vector<16xi32>
        %bitcast3A_679 = vector.bitcast %shift_left3A_678 : vector<16xi32> to vector<16xf32>
        %and3A_680 = arith.andi %get3A_675, %broadcast_in_dim3A_3 : vector<16xi32>
        %bitcast3A_681 = vector.bitcast %and3A_680 : vector<16xi32> to vector<16xf32>
        %add3A_682 = arith.addf %add3A_656, %bitcast3A_679 : vector<16xf32>
        %add3A_683 = arith.addf %add3A_657, %bitcast3A_681 : vector<16xf32>
        %get3A_684 = arith.index_cast %add3A_672 : i32 to index
        %get3A_685 = arith.constant 16 : index
        %get3A_686 = tpu.vector_load %arg13[%get3A_684, %get3A_685] {strides = array<i32>} : memref<200x32xi32, #tpu.memory_space<vmem>>, vector<16xi32>,
        %shift_left3A_687 = arith.constant 16 : i32
        %shift_left3A_688 = vector.broadcast %shift_left3A_687 : i32 to vector<16xi32>
        %shift_left3A_689 = arith.shli %get3A_686, %shift_left3A_688 : vector<16xi32>
        %bitcast3A_690 = vector.bitcast %shift_left3A_689 : vector<16xi32> to vector<16xf32>
        %and3A_691 = arith.andi %get3A_686, %broadcast_in_dim3A_3 : vector<16xi32>
        %bitcast3A_692 = vector.bitcast %and3A_691 : vector<16xi32> to vector<16xf32>
        %add3A_693 = arith.addf %add3A_667, %bitcast3A_690 : vector<16xf32>
        %add3A_694 = arith.addf %add3A_668, %bitcast3A_692 : vector<16xf32>
        %mul3A_695 = arith.constant 8 : i32
        %mul3A_696 = arith.muli %scan3A_512, %mul3A_695 : i32
        %add3A_697 = arith.constant 7 : i32
        %add3A_698 = arith.addi %mul3A_696, %add3A_697 : i32
        %get3A_699 = arith.index_cast %add3A_698 : i32 to index
        %get3A_700 = arith.constant 0 : index
        %get3A_701 = tpu.vector_load %arg13[%get3A_699, %get3A_700] {strides = array<i32>} : memref<200x32xi32, #tpu.memory_space<vmem>>, vector<16xi32>,
        %shift_left3A_702 = arith.constant 16 : i32
        %shift_left3A_703 = vector.broadcast %shift_left3A_702 : i32 to vector<16xi32>
        %shift_left3A_704 = arith.shli %get3A_701, %shift_left3A_703 : vector<16xi32>
        %bitcast3A_705 = vector.bitcast %shift_left3A_704 : vector<16xi32> to vector<16xf32>
        %and3A_706 = arith.andi %get3A_701, %broadcast_in_dim3A_3 : vector<16xi32>
        %bitcast3A_707 = vector.bitcast %and3A_706 : vector<16xi32> to vector<16xf32>
        %add3A_708 = arith.addf %add3A_682, %bitcast3A_705 : vector<16xf32>
        %add3A_709 = arith.addf %add3A_683, %bitcast3A_707 : vector<16xf32>
        %get3A_710 = arith.index_cast %add3A_698 : i32 to index
        %get3A_711 = arith.constant 16 : index
        %get3A_712 = tpu.vector_load %arg13[%get3A_710, %get3A_711] {strides = array<i32>} : memref<200x32xi32, #tpu.memory_space<vmem>>, vector<16xi32>,
        %shift_left3A_713 = arith.constant 16 : i32
        %shift_left3A_714 = vector.broadcast %shift_left3A_713 : i32 to vector<16xi32>
        %shift_left3A_715 = arith.shli %get3A_712, %shift_left3A_714 : vector<16xi32>
        %bitcast3A_716 = vector.bitcast %shift_left3A_715 : vector<16xi32> to vector<16xf32>
        %and3A_717 = arith.andi %get3A_712, %broadcast_in_dim3A_3 : vector<16xi32>
        %bitcast3A_718 = vector.bitcast %and3A_717 : vector<16xi32> to vector<16xf32>
        %add3A_719 = arith.addf %add3A_693, %bitcast3A_716 : vector<16xf32>
        %add3A_720 = arith.addf %add3A_694, %bitcast3A_718 : vector<16xf32>
        scf.yield %add3A_708, %add3A_709, %add3A_719, %add3A_720 : vector<16xf32>, vector<16xf32>, vector<16xf32>, vector<16xf32>
      }
      %scan3A_487 = arith.constant 25 : i32
      %mul3A_488 = arith.constant 5.000000e-03 : f32
      %mul3A_489 = vector.broadcast %mul3A_488 : f32 to vector<16xf32>
      %mul3A_490 = arith.mulf %scan3A_486#0, %mul3A_489 : vector<16xf32>
      %swap3A_491 = arith.index_cast %add3A_464 : i32 to index
      %swap3A_492 = arith.constant 0 : index
      %swap3A_493 = tpu.vector_load %arg14[%swap3A_491, %swap3A_492] {strides = array<i32>} : memref<128x64xf32, #tpu.memory_space<vmem>>, vector<16xf32>,
      tpu.vector_store %arg14[%swap3A_491, %swap3A_492], %mul3A_490 {strides = array<i32>} : memref<128x64xf32, #tpu.memory_space<vmem>>, vector<16xf32>,
      %mul3A_494 = arith.constant 5.000000e-03 : f32
      %mul3A_495 = vector.broadcast %mul3A_494 : f32 to vector<16xf32>
      %mul3A_496 = arith.mulf %scan3A_486#1, %mul3A_495 : vector<16xf32>
      %swap3A_497 = arith.index_cast %add3A_464 : i32 to index
      %swap3A_498 = arith.constant 16 : index
      %swap3A_499 = tpu.vector_load %arg14[%swap3A_497, %swap3A_498] {strides = array<i32>} : memref<128x64xf32, #tpu.memory_space<vmem>>, vector<16xf32>,
      tpu.vector_store %arg14[%swap3A_497, %swap3A_498], %mul3A_496 {strides = array<i32>} : memref<128x64xf32, #tpu.memory_space<vmem>>, vector<16xf32>,
      %mul3A_500 = arith.constant 5.000000e-03 : f32
      %mul3A_501 = vector.broadcast %mul3A_500 : f32 to vector<16xf32>
      %mul3A_502 = arith.mulf %scan3A_486#2, %mul3A_501 : vector<16xf32>
      %swap3A_503 = arith.index_cast %add3A_464 : i32 to index
      %swap3A_504 = arith.constant 32 : index
      %swap3A_505 = tpu.vector_load %arg14[%swap3A_503, %swap3A_504] {strides = array<i32>} : memref<128x64xf32, #tpu.memory_space<vmem>>, vector<16xf32>,
      tpu.vector_store %arg14[%swap3A_503, %swap3A_504], %mul3A_502 {strides = array<i32>} : memref<128x64xf32, #tpu.memory_space<vmem>>, vector<16xf32>,
      %mul3A_506 = arith.constant 5.000000e-03 : f32
      %mul3A_507 = vector.broadcast %mul3A_506 : f32 to vector<16xf32>
      %mul3A_508 = arith.mulf %scan3A_486#3, %mul3A_507 : vector<16xf32>
      %swap3A_509 = arith.index_cast %add3A_464 : i32 to index
      %swap3A_510 = arith.constant 48 : index
      %swap3A_511 = tpu.vector_load %arg14[%swap3A_509, %swap3A_510] {strides = array<i32>} : memref<128x64xf32, #tpu.memory_space<vmem>>, vector<16xf32>,
      tpu.vector_store %arg14[%swap3A_509, %swap3A_510], %mul3A_508 {strides = array<i32>} : memref<128x64xf32, #tpu.memory_space<vmem>>, vector<16xf32>,
    }
    %scan3A_118 = arith.constant 16 : i32
    %mul3A_119 = arith.constant 128 : i32
    %mul3A_120 = arith.muli %add3A, %mul3A_119 : i32
    "tpu.region"() ({
      %run_scoped3A = tpu.sem_alloc : memref<!tpu.dma_semaphore, #tpu.memory_space<semaphore_mem>>
      %dma_start3A_121 = arith.constant 0 : i32
      %dma_start3A_122 = tpu.memref_slice %arg4[%mul3A_120, %dma_start3A_121] : memref<4096x64xf32, #tpu.memory_space<hbm>> -> memref<128x64xf32, #tpu.memory_space<hbm>>
      %dma_start3A_123 = arith.constant 0 : i32
      %dma_start3A_124 = tpu.memref_slice %arg4[%mul3A_120, %dma_start3A_123] : memref<4096x64xf32, #tpu.memory_space<hbm>> -> memref<128x64xf32, #tpu.memory_space<hbm>>
      tpu.enqueue_dma source(%arg14 : memref<128x64xf32, #tpu.memory_space<vmem>>) target(%dma_start3A_124 : memref<128x64xf32, #tpu.memory_space<hbm>>) target_semaphore(%run_scoped3A : memref<!tpu.dma_semaphore, #tpu.memory_space<semaphore_mem>>)
      %dma_wait3A = arith.constant 0 : i32
      %dma_wait3A_125 = tpu.memref_slice %arg4[%mul3A_120, %dma_wait3A] : memref<4096x64xf32, #tpu.memory_space<hbm>> -> memref<128x64xf32, #tpu.memory_space<hbm>>
      %dma_wait3A_126 = arith.constant 0 : i32
      %dma_wait3A_127 = tpu.memref_slice %arg4[%mul3A_120, %dma_wait3A_126] : memref<4096x64xf32, #tpu.memory_space<hbm>> -> memref<128x64xf32, #tpu.memory_space<hbm>>
      tpu.wait_dma2 semaphore(%run_scoped3A : memref<!tpu.dma_semaphore, #tpu.memory_space<semaphore_mem>>) src(%arg14 : memref<128x64xf32, #tpu.memory_space<vmem>>) dst(%dma_wait3A_127 : memref<128x64xf32, #tpu.memory_space<hbm>>)
      tpu.yield
    }) : () -> ()
    return
  }
}

</mosaic_0001>

<sc_bundles>
// kernel: kernel.3.cloned.1.call-start
scs
__scs_entry_jumppad:
0x0: {  	(pc) =	sbr.rel $0x88, $3  }
0x1: {  	(tag) =	ssettag $0x0;
	lr =	simm.s32 $0x1  }
0x2: {  	[smem:$0x3F9F] =	sst lr;
	_ =	strace $0xD0000000  }
0x3: {  	_ = 	snop  }
0x4: {  	_ = 	snop  }
0x5: {  	_ = 	snop  }
0x6: {  	_ = 	snop  }
0x7: {  	_ = 	snop  }
__scs_overlays_trampoline_lowered:
0x8: {  	[smem:$0x3FAE] =	sst s0  }
0x9: {  	[smem:$0x3FAF] =	sst s1  }
0xa: {  	[smem:$0x3FB0] =	sst s2  }
0xb: {  	[smem:$0x3FB1] =	sst s3  }
0xc: {  	[smem:$0x3FB2] =	sst s4  }
0xd: {  	[smem:$0x3FB3] =	sst s5  }
0xe: {  	[smem:$0x3FB4] =	sst s6  }
0xf: {  	[smem:$0x3FB5] =	sst s7  }
0x10: {  	[smem:$0x3FB6] =	sst s8  }
0x11: {  	[smem:$0x3FB7] =	sst s9;
	s0 =	simm.s32 @!p0 $0x0  }
0x12: {  	s1 =	sld [smem:$0x3F9D];
	s0 =	simm.s32 @p0 $0x1  }
0x13: {  	[smem:$0x3FB8] =	sst s0;
	s0 =	simm.s32 @!p1 $0x0  }
0x14: {  	s2 =	sld [smem:$0x3F9C];
	s0 =	simm.s32 @p1 $0x1  }
0x15: {  	[smem:$0x3FB9] =	sst s0;
	s0 =	simm.s32 @!p2 $0x0  }
0x16: {  	s3 =	sld [smem:$0x3FDB];
	s0 =	simm.s32 @p2 $0x1  }
0x17: {  	s4 =	simm.s32 $0x1BF5;
	[smem:$0x3FBB] =	sst s0  }
0x18: {  	s0 =	sld [smem:$0x3F9E];
	_ =	swait.ge [sflag:s4], $0x0  }
0x19: {  	s7 =	sld [smem:$0x3F9F]  }
0x1a: {  	s8 =	sadd.s32 $0xFFFFE003, lr  }
0x1b: {  	s9 =	sadd.s32 $0xFFFFFEF7, lr;
	s5 =	simm.s32 $0xFFFFFFFF;
	p2 =	slt.u32 s8, $0xFFFFF086  }
0x1c: {  	p1 =	slt.u32 s9, $0xF7A;
	s5 =	simm.s32 @!p2 $0x0  }
0x1d: {  	s5 =	simm.s32 @p1 $0x1;
	p0 =	seq.s32 s7, s2  }
0x1e: {  	s7 =	smul.u32 @!p0 $0xF7A, s2;
	p2 =	seq.s32 @!p0 s5, $0x0  }
0x1f: {  	s9 =	smul.u32 $0xF7A, s1;
	s8 =	simm.s32 @!p0 $0x1BF5;
	p2 =	por !p2, p0  }
0x20: {  	[sflag:s8] =	ssyncset.s32 @!p0 $0xFFFFF086;
	s6 =	sadd.s32 @!p0 s3, s7;
	s7 =	simm.s32 @!p0 $0x108  }
0x21: {  	s3 =	sadd.s32 s3, s9;
	s6 =	sadd.s32 @!p0 $0x88, s6;
	s7 =	simm.s32 @p2 $0x1082  }
0x22: {  	[simem:s7], [sflag:s8] =	dma.local @!p0 [hbm:s6], $0xF7A  }
0x23: {  	s9 =	sor.u32 $0xD0000000, s2;
	s6 =	simm.s32 $0x108;
	_ =	swait.ge @!p0 [sflag:s8], $0x0  }
0x24: {  	s3 =	sadd.s32 $0x88, s3;
	s6 =	simm.s32 @!p1 $0x1082;
	[sflag:s4] =	ssyncset.s32 $0xFFFFF086  }
0x25: {  	[simem:s6], [sflag:s4] =	dma.local [hbm:s3], $0xF7A  }
0x26: {  	[smem:$0x3F9F] =	sst s1;
	(tag) =	ssettag s2;
	_ =	strace s9  }
0x27: {  	s1 =	sld [smem:$0x3FAF]  }
0x28: {  	s2 =	sld [smem:$0x3FB0]  }
0x29: {  	s4 =	sld [smem:$0x3FB2]  }
0x2a: {  	p0 =	seq.s32 s5, $0x0;
	s5 =	sld [smem:$0x3FB3]  }
0x2b: {  	s6 =	sld [smem:$0x3FB4]  }
0x2c: {  	s7 =	sld [smem:$0x3FB5]  }
0x2d: {  	s3 =	simm.s32 $0x108;
	s8 =	sld [smem:$0x3FB6]  }
0x2e: {  	s3 =	simm.s32 @!p0 $0x1082;
	s9 =	sld [smem:$0x3FB7]  }
0x2f: {  	lr =	sadd.s32 s0, s3;
	s0 =	sld [smem:$0x3FAE]  }
0x30: {  	s3 =	sld [smem:$0x3FB1]  }
0x31: {  	[smem:$0x3FBA] =	sst s10  }
0x32: {  	s10 =	sld [smem:$0x3FB8];
	_ =	sdelay $0x3  }
0x33: {  	p0 =	seq.s32 s10, $0x1;
	s10 =	sld [smem:$0x3FBA];
	_ =	sdelay $0x3  }
0x34: {  	[smem:$0x3FBA] =	sst s10  }
0x35: {  	s10 =	sld [smem:$0x3FB9];
	_ =	sdelay $0x3  }
0x36: {  	p1 =	seq.s32 s10, $0x1;
	s10 =	sld [smem:$0x3FBA];
	_ =	sdelay $0x3  }
0x37: {  	[smem:$0x3FBA] =	sst s10  }
0x38: {  	s10 =	sld [smem:$0x3FBB]  }
0x39: {  	_ = 	snop;
	(pc) =	sbr.ind lr, $3  }
0x3a: {  	_ = 	snop  }
0x3b: {  	_ = 	snop  }
0x3c: {  	p2 =	seq.s32 s10, $0x1;
	s10 =	sld [smem:$0x3FBA]  }
0x3d: {  	_ =	shalt  }
0x3e: {  	_ =	shalt  }
0x3f: {  	_ =	shalt  }
0x40: {  	_ =	shalt  }
0x41: {  	_ =	shalt  }
0x42: {  	_ =	shalt  }
0x43: {  	_ =	shalt  }
0x44: {  	_ =	shalt  }
0x45: {  	_ =	shalt  }
0x46: {  	_ =	shalt  }
0x47: {  	_ =	shalt  }
0x48: {  	_ =	shalt  }
0x49: {  	_ =	shalt  }
0x4a: {  	_ =	shalt  }
0x4b: {  	_ =	shalt  }
0x4c: {  	_ =	shalt  }
0x4d: {  	_ =	shalt  }
0x4e: {  	_ =	shalt  }
0x4f: {  	_ =	shalt  }
0x50: {  	_ =	shalt  }
0x51: {  	_ =	shalt  }
0x52: {  	_ =	shalt  }
0x53: {  	_ =	shalt  }
0x54: {  	_ =	shalt  }
0x55: {  	_ =	shalt  }
0x56: {  	_ =	shalt  }
0x57: {  	_ =	shalt  }
0x58: {  	_ =	shalt  }
0x59: {  	_ =	shalt  }
0x5a: {  	_ =	shalt  }
0x5b: {  	_ =	shalt  }
0x5c: {  	_ =	shalt  }
0x5d: {  	_ =	shalt  }
0x5e: {  	_ =	shalt  }
0x5f: {  	_ =	shalt  }
0x60: {  	_ =	shalt  }
0x61: {  	_ =	shalt  }
0x62: {  	_ =	shalt  }
0x63: {  	_ =	shalt  }
0x64: {  	_ =	shalt  }
0x65: {  	_ =	shalt  }
0x66: {  	_ =	shalt  }
0x67: {  	_ =	shalt  }
0x68: {  	_ =	shalt  }
0x69: {  	_ =	shalt  }
0x6a: {  	_ =	shalt  }
0x6b: {  	_ =	shalt  }
0x6c: {  	_ =	shalt  }
0x6d: {  	_ =	shalt  }
0x6e: {  	_ =	shalt  }
0x6f: {  	_ =	shalt  }
0x70: {  	_ =	shalt  }
0x71: {  	_ =	shalt  }
0x72: {  	_ =	shalt  }
0x73: {  	_ =	shalt  }
0x74: {  	_ =	shalt  }
0x75: {  	_ =	shalt  }
0x76: {  	_ =	shalt  }
0x77: {  	_ =	shalt  }
0x78: {  	_ =	shalt  }
0x79: {  	_ =	shalt  }
0x7a: {  	_ =	shalt  }
0x7b: {  	_ =	shalt  }
0x7c: {  	_ =	shalt  }
0x7d: {  	_ =	shalt  }
0x7e: {  	_ =	shalt  }
0x7f: {  	_ =	shalt  }
0x80: {  	_ =	shalt  }
0x81: {  	_ =	shalt  }
0x82: {  	_ =	shalt  }
0x83: {  	_ =	shalt  }
0x84: {  	_ =	shalt  }
0x85: {  	_ =	shalt  }
0x86: {  	_ =	shalt  }
0x87: {  	_ =	shalt  }
.Lfunc_end0:
.L_simem_size_0:
called_computation_lowered:
.L_overlay_start_0:
0x88: {  	s2 =	sld [smem:$0x3FD9]  }
0x89: {  	s3 =	sld [smem:$0x3FFE];
	_ =	sdelay $0x1  }
0x8a: {  	s1 =	srdreg.scid  }
0x8b: {  	s0 =	sand.u32 $0x1, s1  }
0x8c: {  	s17 =	sshll.u32 s0, $0xA;
	s2 =	sadd.s32 s3, s2  }
0x8d: {  	s2 =	sadd.s32 s2, s17  }
0x8e: {  	[smem:$0x3FC6] =	sst s2  }
0x8f: {  	_ = 	snop  }
0x90: {  	s2 =	sld [smem:$0x3FD0];
	(tm) =	ssettm $0x1  }
0x91: {  	s18 =	sld [smem:$0x3FFB];
	_ =	sdelay $0x3  }
0x92: {  	_ =	strace s18  }
0x93: {  	s3 =	sld [smem:$0x3FFC];
	_ =	sdelay $0x3  }
0x94: {  	_ =	strace s3  }
0x95: {  	s3 =	sld [smem:$0x3FFD];
	_ =	sdelay $0x3  }
0x96: {  	_ =	strace s3  }
0x97: {  	_ =	strace $0x8FFFFFFF  }
0x98: {  	s19 =	sld [smem:$0x3FDB];
	_ =	sdelay $0x1  }
0x99: {  	s4 =	simm.s32 $_scs_section_size  }
0x9a: {  	s5 =	simm.s32 $_size__tile_overlayer_lowered;
	s6 =	simm.s32 $_tile_overlayer_lowered  }
0x9b: {  	s22 =	simm.s32 $0x1BFF;
	s21 =	sshll.u32 s6, $0x1;
	s3 =	sadd.s32 s4, s19  }
0x9c: {  	s7 =	simm.s32 $0x0;
	s20 =	sshll.u32 s5, $0x1;
	s5 =	sadd.s32 s21, s3  }
0x9d: {  	[timem:s7], [sflag:s22] =	dma.local [hbm:s5], s20  }
0x9e: {  	_ =	swait.ge [sflag:s22], s20  }
0x9f: {  	s4 =	ssub.s32 $0x0, s20;
	[sflag:s22] =	ssyncset.done $0x0  }
0xa0: {  	[sflag:s22] =	ssyncadd.s32 s4;
	_ =	sdelay $0x1  }
0xa1: {  	s23 =	simm.s32 $0x1B8B  }
0xa2: {  	_ =	swait.ge [sflag:s23], $0x1  }
0xa3: {  	[sflag:s23] =	ssyncset.done $0x0  }
0xa4: {  	s25 =	simm.s32 $0x1B8E;
	s24 =	sld [smem:$0x3FFE];
	[sflag:s23] =	ssyncadd.s32 $0xFFFFFFFF  }
0xa5: {  	s26 =	simm.s32 $execute0_lowered;
	[smem:$0x3FD2] =	sst s25  }
0xa6: {  	s5 =	sshll.u32 s26, $0x1;
	_ =	strace $0x80000046;
	[dreg:$0x1] =	wrdreg $0xFFFFFFFF  }
0xa7: {  	s28 =	simm.s32 $_size_execute0_lowered;
	s3 =	sadd.s32 s3, s5;
	[dreg:$0x0] =	wrdreg $0x0  }
0xa8: {  	s5 =	sshll.u32 s28, $0x1;
	[dreg:$0x2] =	wrdreg s3  }
0xa9: {  	[dreg:$0x3] =	wrdreg s5  }
0xaa: {  	[dreg:$0x4] =	wrdreg $0xC0  }
0xab: {  	_ =	task [dreg:s7], $0x5FFFF  }
0xac: {  	[dreg:$0x1] =	wrdreg $0xFFFFFFFF  }
0xad: {  	[dreg:$0x0] =	wrdreg $0x60  }
0xae: {  	[dreg:$0x2] =	wrdreg s24  }
0xaf: {  	[dreg:$0x3] =	wrdreg s2  }
0xb0: {  	[dreg:$0x4] =	wrdreg $0x9  }
0xb1: {  	_ =	task.clear_ibuf [dreg:s7], $0x5FFFF;
	_ =	strace $0x90000046  }
0xb2: {  	s29 =	simm.s32 $0x9;
	_ =	strace $0x80000048  }
0xb3: {  	_ =	swait.ge [sflag:s29], $0x1  }
0xb4: {  	[sflag:s29] =	ssyncadd.s32 $0xFFFFFFFF  }
0xb5: {  	_ =	strace $0x90000048  }
0xb6: {  	_ =	sfence  }
0xb7: {  	s30 =	sld [smem:$0x0];
	_ =	sdelay $0x2  }
0xb8: {  	s31 =	sshll.u32 s1, $0xD;
	s1 =	sshrl.u32 s1, $0x2  }
0xb9: {  	s3 =	sand.u32 $0x4000, s31;
	s1 =	sadd.s32 s1, s30  }
0xba: {  	s0 =	sor.u32 s3, s0;
	s1 =	sshll.u32 s1, $0x11  }
0xbb: {  	s0 =	sor.u32 s1, s0  }
0xbc: {  	s0 =	sadd.s32 $0x8F2B, s0  }
0xbd: {  	[sflag:s0] =	ssyncadd.remote.s32 $0x1  }
0xbe: {  	_ =	sfence.sel $0xFFFF  }
0xbf: {  	[dreg:$0x0] =	wrdreg $0xFFFFFFFF;
	(pc) =	sbr.abs _section_cstart, $3  }
0xc0: {  	[dreg:$0x1] =	wrdreg $0xFFFFFFFF  }
0xc1: {  	_ =	task.clear_ibuf [dreg:s7], $0x2FFFF;
	_ =	strace $0x9FFFFFFF  }
0xc2: {  	(tm) =	ssettm $0x7FFFFFFF  }
0xc3: {  	_ =	shalt  }
tec
execute0_lowered:
.L_overlay_start_1:
0x0: {  	(tag) =	ssettag $0x1  }
0x1: {  	s0 =	rddreg [dreg:$0x0]  }
0x2: {  	s1 =	srdreg.scid;
	s2 =	stileid.u32  }
0x3: {  	s5 =	rddreg [dreg:$0x1];
	s8 =	simm.s32 $0x80;
	s10 =	simm.s32 $0x48  }
0x4: {  	s9 =	simm.s32 $0xFA00;
	s11 =	simm.s32 $0x530;
	s12 =	simm.s32 $0x10A00  }
0x5: {  	s13 =	simm.s32 $0x11300;
	s14 =	simm.s32 $0x12300;
	s15 =	simm.s32 $0x1  }
0x6: {  	s16 =	simm.s32 $0x2;
	s17 =	simm.s32 $0x3;
	s18 =	simm.s32 $0x4  }
0x7: {  	s19 =	simm.s32 $0x5;
	s20 =	simm.s32 $0x6;
	s21 =	simm.s32 $0x7  }
0x8: {  	s22 =	simm.s32 $0x8;
	s23 =	simm.s32 $0x12C00;
	s24 =	simm.s32 $0x0  }
0x9: {  	s1 =	sand.u32 $0x1, s1;
	s3 =	sshll.u32 s2, $0x1;
	s2 =	simm.s32 $0x0  }
0xa: {  	s4 =	sor.u32 s1, s3;
	[smem:$0x7FF] =	sst s2;
	s1 =	ssub.s32 $0x2, s1  }
0xb: {  	s3 =	sadd.s32 $0x186C00, s0;
	s6 =	smul.u32 $0xC80, s4;
	s31 =	sshrl.u32 s1, $0x1  }
0xc: {  	_ =	strace $0x80000047;
	s7 =	sshll.u32 s4, $0xA;
	s1 =	ssub.s32 s1, s31  }
0xd: {  	s5 =	sadd.s32 s5, s7;
	s7 =	simm.s32 $0x9;
	s0 =	sadd.s32 s6, s0  }
0xe: {  	s6 =	smax.u32 s1, $0x1;
	s4 =	sadd.s32 $0x200, s0;
	s0 =	simm.s32 $0x4B0  }
.LBB2_1:
0xf: {  	[tilespmem:s2], [sflag:$0x9] =	stream.linear.gather [hbm4b:s4+s2], $0x6400, $0x38;
	[tilespmem:$0x14C00] =	vst v63  }
0x10: {  	_ =	swait.ge [sflag:s7], $0x6400  }
0x11: {  	[sflag:s7] =	ssyncset.done $0x0  }
0x12: {  	s1 =	simm.s32 $0x6400;
	[sflag:s7] =	ssyncadd.s32 $0xFFFF9C00  }
0x13: {  	[tilespmem:s1], [sflag:$0x1] =	stream.indirect.gather [hbm4b:s3+s8], $0x20, s2, s8, $0xb8;
	[tilespmem:$0x14C00] =	vst v63  }
0x14: {  	s30 =	simm.s32 $0x7400  }
0x15: {  	[tilespmem:s30], [sflag:$0x1] =	stream.indirect.gather [hbm4b:s3+s10], $0x20, s8, s10, $0xb8;
	[tilespmem:$0x14C00] =	vst v63  }
0x16: {  	s31 =	simm.s32 $0xC8;
	s25 =	simm.s32 $0x7D00  }
0x17: {  	[tilespmem:s25], [sflag:$0x2] =	stream.indirect.gather [hbm4b:s3+s8], $0x20, s31, s8, $0xb8;
	[tilespmem:$0x14C00] =	vst v63  }
0x18: {  	s26 =	simm.s32 $0x8D00;
	s25 =	simm.s32 $0x148  }
0x19: {  	[tilespmem:s26], [sflag:$0x2] =	stream.indirect.gather [hbm4b:s3+s10], $0x20, s25, s10, $0xb8;
	[tilespmem:$0x14C00] =	vst v63  }
0x1a: {  	s28 =	simm.s32 $0x190;
	s29 =	simm.s32 $0x9600  }
0x1b: {  	[tilespmem:s29], [sflag:$0x3] =	stream.indirect.gather [hbm4b:s3+s8], $0x20, s28, s8, $0xb8;
	[tilespmem:$0x14C00] =	vst v63  }
0x1c: {  	s30 =	simm.s32 $0x210;
	s31 =	simm.s32 $0xA600  }
0x1d: {  	[tilespmem:s31], [sflag:$0x3] =	stream.indirect.gather [hbm4b:s3+s10], $0x20, s30, s10, $0xb8;
	[tilespmem:$0x14C00] =	vst v63  }
0x1e: {  	s25 =	simm.s32 $0x258;
	s26 =	simm.s32 $0xAF00  }
0x1f: {  	[tilespmem:s26], [sflag:$0x4] =	stream.indirect.gather [hbm4b:s3+s8], $0x20, s25, s8, $0xb8;
	[tilespmem:$0x14C00] =	vst v63  }
0x20: {  	s28 =	simm.s32 $0x2D8;
	s29 =	simm.s32 $0xBF00  }
0x21: {  	[tilespmem:s29], [sflag:$0x4] =	stream.indirect.gather [hbm4b:s3+s10], $0x20, s28, s10, $0xb8;
	[tilespmem:$0x14C00] =	vst v63  }
0x22: {  	s30 =	simm.s32 $0x320;
	s31 =	simm.s32 $0xC800  }
0x23: {  	[tilespmem:s31], [sflag:$0x5] =	stream.indirect.gather [hbm4b:s3+s8], $0x20, s30, s8, $0xb8;
	[tilespmem:$0x14C00] =	vst v63  }
0x24: {  	s25 =	simm.s32 $0x3A0;
	s26 =	simm.s32 $0xD800  }
0x25: {  	[tilespmem:s26], [sflag:$0x5] =	stream.indirect.gather [hbm4b:s3+s10], $0x20, s25, s10, $0xb8;
	[tilespmem:$0x14C00] =	vst v63  }
0x26: {  	s28 =	simm.s32 $0x3E8;
	s29 =	simm.s32 $0xE100  }
0x27: {  	[tilespmem:s29], [sflag:$0x6] =	stream.indirect.gather [hbm4b:s3+s8], $0x20, s28, s8, $0xb8;
	[tilespmem:$0x14C00] =	vst v63  }
0x28: {  	s30 =	simm.s32 $0x468;
	s31 =	simm.s32 $0xF100  }
0x29: {  	[tilespmem:s31], [sflag:$0x6] =	stream.indirect.gather [hbm4b:s3+s10], $0x20, s30, s10, $0xb8;
	[tilespmem:$0x14C00] =	vst v63  }
0x2a: {  	_ = 	snop  }
0x2b: {  	[tilespmem:s9], [sflag:$0x7] =	stream.indirect.gather [hbm4b:s3+s8], $0x20, s0, s8, $0xb8;
	[tilespmem:$0x14C00] =	vst v63  }
0x2c: {  	s25 =	simm.s32 $0x0  }
0x2d: {  	[tilespmem:s12], [sflag:$0x7] =	stream.indirect.gather [hbm4b:s3+s10], $0x20, s11, s10, $0xb8;
	[tilespmem:$0x14C00] =	vst v63  }
.LBB2_2:
0x2e: {  	s26 =	sshllo.u32 s25, $0x3  }
0x2f: {  	s28 =	smul.u32 $0x320, s26;
	_ =	sdelay $0x1  }
0x30: {  	s28 =	sshra.s32 s28, $0x2  }
0x31: {  	[tilespmem:s13], [sflag:$0x8] =	stream.indirect.gather [hbm4b:s3+s8], $0x20, s28, s8, $0xb8;
	[tilespmem:$0x14C00] =	vst v63  }
0x32: {  	s28 =	sadd.s32 $0x80, s28  }
0x33: {  	[tilespmem:s14], [sflag:$0x8] =	stream.indirect.gather [hbm4b:s3+s10], $0x20, s28, s10, $0xb8;
	[tilespmem:$0x14C00] =	vst v63  }
0x34: {  	_ =	swait.ge [sflag:s15], $0x1900  }
0x35: {  	[sflag:s15] =	ssyncset.done $0x0  }
0x36: {  	s28 =	simm.s32 $0x0;
	[sflag:s15] =	ssyncadd.s32 $0xFFFFE700  }
0x37: {  	v0 =	vld [tilespmem:s28+$0x64E0]  }
0x38: {  	v6 =	vld [tilespmem:s28+$0x64C0]  }
0x39: {  	v2 =	vld [tilespmem:s28+$0x64A0]  }
0x3a: {  	v11 =	vld [tilespmem:s28+$0x6480]  }
0x3b: {  	v8 =	vld [tilespmem:s28+$0x6460]  }
0x3c: {  	v3 =	vld [tilespmem:s28+$0x6440]  }
0x3d: {  	v12 =	vld [tilespmem:s28+$0x6420]  }
0x3e: {  	v4 =	vimm.f32 $0.0e+00;
	v9 =	vimm.f32 $0.0e+00;
	v7 =	vimm.f32 $0.0e+00;
	v13 =	vld [tilespmem:s28+$0x6400]  }
0x3f: {  	s29 =	simm.s32 $0x400;
	v5 =	vimm.f32 $0.0e+00;
	v10 =	vld [tilespmem:s28+$0x6410];
	v1 =	vshll.u32 v0, $0x10;
	v0 =	vand.u32 $0xFFFF0000, v0  }
.LBB2_3:
0x40: {  	p0 =	sne.s32 s29, $0x6000;
	v14 =	vshll.u32 v2, $0x10;
	v15 =	vshll.u32 v6, $0x10;
	v16 =	vand.u32 $0xFFFF0000, v6  }
0x41: {  	v17 =	vshll.u32 v11, $0x10;
	v11 =	vand.u32 $0xFFFF0000, v11;
	v18 =	vand.u32 $0xFFFF0000, v2;
	v6 =	vld [tilespmem:s28+$0x6430]  }
0x42: {  	v19 =	vshll.u32 v8, $0x10;
	v8 =	vand.u32 $0xFFFF0000, v8;
	v2 =	vshll.u32 v3, $0x10  }
0x43: {  	v3 =	vand.u32 $0xFFFF0000, v3;
	v20 =	vshll.u32 v12, $0x10;
	v12 =	vand.u32 $0xFFFF0000, v12;
	v21 =	vld [tilespmem:s28+$0x6450]  }
0x44: {  	v22 =	vshll.u32 v13, $0x10;
	v13 =	vand.u32 $0xFFFF0000, v13;
	v23 =	vshll.u32 v10, $0x10  }
0x45: {  	v4 =	vadd.f32 v22, v4;
	v9 =	vadd.f32 v13, v9;
	v10 =	vand.u32 $0xFFFF0000, v10;
	v13 =	vld [tilespmem:s28+$0x6470]  }
0x46: {  	v7 =	vadd.f32 v23, v7;
	v5 =	vadd.f32 v10, v5;
	v10 =	vshll.u32 v6, $0x10  }
0x47: {  	v4 =	vadd.f32 v20, v4;
	v9 =	vadd.f32 v12, v9;
	v6 =	vand.u32 $0xFFFF0000, v6;
	v12 =	vld [tilespmem:s28+$0x6490]  }
0x48: {  	v7 =	vadd.f32 v10, v7;
	v5 =	vadd.f32 v6, v5;
	v6 =	vshll.u32 v21, $0x10  }
0x49: {  	v2 =	vadd.f32 v2, v4;
	v3 =	vadd.f32 v3, v9;
	v4 =	vand.u32 $0xFFFF0000, v21;
	v9 =	vld [tilespmem:s28+$0x64B0]  }
0x4a: {  	v6 =	vadd.f32 v6, v7;
	v4 =	vadd.f32 v4, v5;
	v5 =	vshll.u32 v13, $0x10  }
0x4b: {  	s30 =	sshra.s32 s29, $0x2;
	v2 =	vadd.f32 v19, v2;
	v3 =	vadd.f32 v8, v3;
	v7 =	vand.u32 $0xFFFF0000, v13;
	v10 =	vld [tilespmem:s28+$0x64D0]  }
0x4c: {  	v5 =	vadd.f32 v5, v6;
	v4 =	vadd.f32 v7, v4;
	v19 =	vld [tilespmem:s30+$0x64E0];
	v7 =	vshll.u32 v12, $0x10  }
0x4d: {  	v8 =	vadd.f32 v17, v2;
	v3 =	vadd.f32 v11, v3;
	v2 =	vand.u32 $0xFFFF0000, v12;
	v13 =	vld [tilespmem:s28+$0x64F0];
	s28 =	smov.u32 s30  }
0x4e: {  	v5 =	vadd.f32 v7, v5;
	v4 =	vadd.f32 v2, v4;
	v6 =	vld [tilespmem:s28+$0x64C0];
	v7 =	vshll.u32 v9, $0x10  }
0x4f: {  	v12 =	vadd.f32 v14, v8;
	v3 =	vadd.f32 v18, v3;
	v8 =	vand.u32 $0xFFFF0000, v9;
	v2 =	vld [tilespmem:s28+$0x64A0]  }
0x50: {  	v5 =	vadd.f32 v7, v5;
	v4 =	vadd.f32 v8, v4;
	v11 =	vld [tilespmem:s28+$0x6480];
	v7 =	vshll.u32 v10, $0x10  }
.Ltmp0:
0x51: {  	v9 =	vadd.f32 v15, v12;
	v14 =	vadd.f32 v16, v3;
	v10 =	vand.u32 $0xFFFF0000, v10;
	v8 =	vld [tilespmem:s28+$0x6460];
	(pc) =	sbr.rel @p0 .LBB2_3-.Ltmp0, $4  }
0x52: {  	v5 =	vadd.f32 v7, v5;
	v10 =	vadd.f32 v10, v4;
	v3 =	vld [tilespmem:s28+$0x6440];
	v7 =	vshll.u32 v13, $0x10  }
0x53: {  	v4 =	vadd.f32 v1, v9;
	v9 =	vadd.f32 v0, v14;
	v0 =	vand.u32 $0xFFFF0000, v13;
	v12 =	vld [tilespmem:s28+$0x6420]  }
0x54: {  	v7 =	vadd.f32 v7, v5;
	v5 =	vadd.f32 v0, v10;
	v13 =	vld [tilespmem:s28+$0x6400]  }
0x55: {  	s29 =	sadd.s32 $0x400, s29;
	v1 =	vshll.u32 v19, $0x10;
	v0 =	vand.u32 $0xFFFF0000, v19;
	v10 =	vld [tilespmem:s28+$0x6410]  }
0x56: {  	v14 =	vshll.u32 v2, $0x10;
	v15 =	vshll.u32 v6, $0x10  }
0x57: {  	v6 =	vand.u32 $0xFFFF0000, v6;
	v16 =	vshll.u32 v11, $0x10;
	v11 =	vand.u32 $0xFFFF0000, v11  }
0x58: {  	v17 =	vld [tilespmem:s28+$0x6430];
	v2 =	vand.u32 $0xFFFF0000, v2;
	v19 =	vshll.u32 v8, $0x10;
	v8 =	vand.u32 $0xFFFF0000, v8  }
0x59: {  	v18 =	vshll.u32 v3, $0x10;
	v3 =	vand.u32 $0xFFFF0000, v3;
	v21 =	vshll.u32 v13, $0x10  }
0x5a: {  	v22 =	vld [tilespmem:s28+$0x6450];
	v20 =	vshll.u32 v12, $0x10;
	v13 =	vand.u32 $0xFFFF0000, v13;
	v4 =	vadd.f32 v21, v4  }
0x5b: {  	v12 =	vand.u32 $0xFFFF0000, v12;
	v62 =	vshll.u32 v10, $0x10;
	v9 =	vadd.f32 v13, v9  }
0x5c: {  	v10 =	vand.u32 $0xFFFF0000, v10;
	v13 =	vld [tilespmem:s28+$0x6470];
	v7 =	vadd.f32 v62, v7;
	v4 =	vadd.f32 v20, v4  }
0x5d: {  	v5 =	vadd.f32 v10, v5;
	v10 =	vshll.u32 v17, $0x10;
	v9 =	vadd.f32 v12, v9  }
0x5e: {  	v63 =	vld [tilespmem:s28+$0x6490];
	v12 =	vand.u32 $0xFFFF0000, v17;
	v7 =	vadd.f32 v10, v7;
	v4 =	vadd.f32 v18, v4  }
0x5f: {  	v5 =	vadd.f32 v12, v5;
	v10 =	vshll.u32 v22, $0x10;
	v3 =	vadd.f32 v3, v9  }
0x60: {  	v12 =	vld [tilespmem:s28+$0x64B0];
	v9 =	vand.u32 $0xFFFF0000, v22;
	v7 =	vadd.f32 v10, v7;
	v4 =	vadd.f32 v19, v4  }
0x61: {  	v5 =	vadd.f32 v9, v5;
	v9 =	vshll.u32 v13, $0x10;
	v3 =	vadd.f32 v8, v3  }
0x62: {  	v10 =	vld [tilespmem:s28+$0x64D0];
	v8 =	vand.u32 $0xFFFF0000, v13;
	v7 =	vadd.f32 v9, v7;
	v4 =	vadd.f32 v16, v4  }
0x63: {  	v5 =	vadd.f32 v8, v5;
	v8 =	vshll.u32 v63, $0x10;
	v3 =	vadd.f32 v11, v3  }
0x64: {  	v9 =	vand.u32 $0xFFFF0000, v63;
	v11 =	vld [tilespmem:s28+$0x64F0];
	v7 =	vadd.f32 v8, v7;
	v4 =	vadd.f32 v14, v4  }
0x65: {  	v5 =	vadd.f32 v9, v5;
	v8 =	vshll.u32 v12, $0x10;
	v2 =	vadd.f32 v2, v3  }
0x66: {  	v3 =	vand.u32 $0xFFFF0000, v12;
	v7 =	vadd.f32 v8, v7;
	v4 =	vadd.f32 v15, v4  }
0x67: {  	v3 =	vadd.f32 v3, v5;
	v5 =	vshll.u32 v10, $0x10;
	v2 =	vadd.f32 v6, v2  }
0x68: {  	v6 =	vand.u32 $0xFFFF0000, v10;
	v5 =	vadd.f32 v5, v7;
	v1 =	vadd.f32 v1, v4  }
0x69: {  	v3 =	vadd.f32 v6, v3;
	v4 =	vshll.u32 v11, $0x10;
	v0 =	vadd.f32 v0, v2  }
0x6a: {  	s28 =	sshll.u32 s25, $0x9;
	v2 =	vand.u32 $0xFFFF0000, v11;
	v4 =	vadd.f32 v4, v5;
	v1 =	vmul.f32 $4.999999890e-03, v1  }
0x6b: {  	p0 =	seq.s32 s25, $0xF;
	s28 =	sand.u32 $0x3FFFFE00, s28;
	v2 =	vadd.f32 v2, v3;
	v0 =	vmul.f32 $4.999999890e-03, v0  }
0x6c: {  	s29 =	smul.u32 @!p0 $0x1900, s25;
	[tilespmem:s28+$0x12C00] =	vst v1;
	v1 =	vmul.f32 $4.999999890e-03, v4  }
0x6d: {  	[tilespmem:s28+$0x12C10] =	vst v0;
	v0 =	vmul.f32 $4.999999890e-03, v2  }
0x6e: {  	s29 =	sshra.s32 @!p0 s29, $0x2;
	[tilespmem:s28+$0x12C20] =	vst v1  }
0x6f: {  	s31 =	simm.s32 @!p0 $0x80;
	s1 =	simm.s32 @!p0 $0x6400;
	s30 =	sadd.s32 @!p0 $0x640, s29;
	[tilespmem:s28+$0x12C30] =	vst v0  }
0x70: {  	[tilespmem:s1], [sflag:$0x1] =	stream.indirect.gather @!p0 [hbm4b:s3+s31], $0x20, s30, s31, $0xb8;
	[tilespmem:$0x14C00] =	vst v63  }
0x71: {  	s1 =	sadd.s32 @!p0 $0x6C0, s29;
	s30 =	simm.s32 @!p0 $0x48;
	s31 =	simm.s32 @!p0 $0x7400  }
0x72: {  	[tilespmem:s31], [sflag:$0x1] =	stream.indirect.gather @!p0 [hbm4b:s3+s30], $0x20, s1, s30, $0xb8;
	[tilespmem:$0x14C00] =	vst v63  }
0x73: {  	_ =	swait.ge [sflag:s16], $0x1900  }
0x74: {  	[sflag:s16] =	ssyncset.done $0x0  }
0x75: {  	s30 =	simm.s32 $0x0;
	[sflag:s16] =	ssyncadd.s32 $0xFFFFE700  }
0x76: {  	v0 =	vld [tilespmem:s30+$0x7DE0]  }
0x77: {  	v6 =	vld [tilespmem:s30+$0x7DC0]  }
0x78: {  	v2 =	vld [tilespmem:s30+$0x7DA0]  }
0x79: {  	v11 =	vld [tilespmem:s30+$0x7D80]  }
0x7a: {  	v8 =	vld [tilespmem:s30+$0x7D60]  }
0x7b: {  	v3 =	vld [tilespmem:s30+$0x7D40]  }
0x7c: {  	v12 =	vld [tilespmem:s30+$0x7D20]  }
0x7d: {  	v9 =	vimm.f32 $0.0e+00;
	v7 =	vimm.f32 $0.0e+00;
	v5 =	vimm.f32 $0.0e+00;
	v13 =	vld [tilespmem:s30+$0x7D00]  }
0x7e: {  	v4 =	vimm.f32 $0.0e+00;
	s31 =	simm.s32 $0x400;
	v10 =	vld [tilespmem:s30+$0x7D10];
	v1 =	vshll.u32 v0, $0x10;
	v0 =	vand.u32 $0xFFFF0000, v0  }
.LBB2_5:
0x7f: {  	p1 =	sne.s32 s31, $0x6000;
	v14 =	vshll.u32 v2, $0x10;
	v15 =	vshll.u32 v6, $0x10;
	v16 =	vand.u32 $0xFFFF0000, v6  }
0x80: {  	v17 =	vshll.u32 v11, $0x10;
	v11 =	vand.u32 $0xFFFF0000, v11;
	v18 =	vand.u32 $0xFFFF0000, v2;
	v6 =	vld [tilespmem:s30+$0x7D30]  }
0x81: {  	v19 =	vshll.u32 v8, $0x10;
	v8 =	vand.u32 $0xFFFF0000, v8;
	v2 =	vshll.u32 v3, $0x10  }
0x82: {  	v3 =	vand.u32 $0xFFFF0000, v3;
	v20 =	vshll.u32 v12, $0x10;
	v12 =	vand.u32 $0xFFFF0000, v12;
	v21 =	vld [tilespmem:s30+$0x7D50]  }
0x83: {  	v22 =	vshll.u32 v13, $0x10;
	v13 =	vand.u32 $0xFFFF0000, v13;
	v23 =	vshll.u32 v10, $0x10  }
0x84: {  	v4 =	vadd.f32 v22, v4;
	v9 =	vadd.f32 v13, v9;
	v10 =	vand.u32 $0xFFFF0000, v10;
	v13 =	vld [tilespmem:s30+$0x7D70]  }
0x85: {  	v7 =	vadd.f32 v23, v7;
	v5 =	vadd.f32 v10, v5;
	v10 =	vshll.u32 v6, $0x10  }
0x86: {  	v4 =	vadd.f32 v20, v4;
	v9 =	vadd.f32 v12, v9;
	v6 =	vand.u32 $0xFFFF0000, v6;
	v12 =	vld [tilespmem:s30+$0x7D90]  }
0x87: {  	v7 =	vadd.f32 v10, v7;
	v5 =	vadd.f32 v6, v5;
	v6 =	vshll.u32 v21, $0x10  }
0x88: {  	v2 =	vadd.f32 v2, v4;
	v3 =	vadd.f32 v3, v9;
	v4 =	vand.u32 $0xFFFF0000, v21;
	v9 =	vld [tilespmem:s30+$0x7DB0]  }
0x89: {  	v6 =	vadd.f32 v6, v7;
	v4 =	vadd.f32 v4, v5;
	v5 =	vshll.u32 v13, $0x10  }
0x8a: {  	s1 =	sshra.s32 s31, $0x2;
	v2 =	vadd.f32 v19, v2;
	v3 =	vadd.f32 v8, v3;
	v7 =	vand.u32 $0xFFFF0000, v13;
	v10 =	vld [tilespmem:s30+$0x7DD0]  }
0x8b: {  	v5 =	vadd.f32 v5, v6;
	v4 =	vadd.f32 v7, v4;
	v19 =	vld [tilespmem:s1+$0x7DE0];
	v7 =	vshll.u32 v12, $0x10  }
0x8c: {  	v8 =	vadd.f32 v17, v2;
	v3 =	vadd.f32 v11, v3;
	v2 =	vand.u32 $0xFFFF0000, v12;
	v13 =	vld [tilespmem:s30+$0x7DF0];
	s30 =	smov.u32 s1  }
0x8d: {  	v5 =	vadd.f32 v7, v5;
	v4 =	vadd.f32 v2, v4;
	v6 =	vld [tilespmem:s30+$0x7DC0];
	v7 =	vshll.u32 v9, $0x10  }
0x8e: {  	v12 =	vadd.f32 v14, v8;
	v3 =	vadd.f32 v18, v3;
	v8 =	vand.u32 $0xFFFF0000, v9;
	v2 =	vld [tilespmem:s30+$0x7DA0]  }
0x8f: {  	v5 =	vadd.f32 v7, v5;
	v4 =	vadd.f32 v8, v4;
	v11 =	vld [tilespmem:s30+$0x7D80];
	v7 =	vshll.u32 v10, $0x10  }
.Ltmp1:
0x90: {  	v9 =	vadd.f32 v15, v12;
	v14 =	vadd.f32 v16, v3;
	v10 =	vand.u32 $0xFFFF0000, v10;
	v8 =	vld [tilespmem:s30+$0x7D60];
	(pc) =	sbr.rel @p1 .LBB2_5-.Ltmp1, $4  }
0x91: {  	v5 =	vadd.f32 v7, v5;
	v10 =	vadd.f32 v10, v4;
	v3 =	vld [tilespmem:s30+$0x7D40];
	v7 =	vshll.u32 v13, $0x10  }
0x92: {  	v4 =	vadd.f32 v1, v9;
	v9 =	vadd.f32 v0, v14;
	v0 =	vand.u32 $0xFFFF0000, v13;
	v12 =	vld [tilespmem:s30+$0x7D20]  }
0x93: {  	v7 =	vadd.f32 v7, v5;
	v5 =	vadd.f32 v0, v10;
	v13 =	vld [tilespmem:s30+$0x7D00]  }
0x94: {  	s31 =	sadd.s32 $0x400, s31;
	v1 =	vshll.u32 v19, $0x10;
	v0 =	vand.u32 $0xFFFF0000, v19;
	v10 =	vld [tilespmem:s30+$0x7D10]  }
0x95: {  	v14 =	vshll.u32 v2, $0x10;
	v15 =	vshll.u32 v6, $0x10  }
0x96: {  	v6 =	vand.u32 $0xFFFF0000, v6;
	v16 =	vshll.u32 v11, $0x10;
	v11 =	vand.u32 $0xFFFF0000, v11  }
0x97: {  	v17 =	vld [tilespmem:s30+$0x7D30];
	v2 =	vand.u32 $0xFFFF0000, v2;
	v19 =	vshll.u32 v8, $0x10;
	v8 =	vand.u32 $0xFFFF0000, v8  }
0x98: {  	v18 =	vshll.u32 v3, $0x10;
	v3 =	vand.u32 $0xFFFF0000, v3;
	v21 =	vshll.u32 v13, $0x10  }
0x99: {  	v22 =	vld [tilespmem:s30+$0x7D50];
	v20 =	vshll.u32 v12, $0x10;
	v13 =	vand.u32 $0xFFFF0000, v13;
	v4 =	vadd.f32 v21, v4  }
0x9a: {  	v12 =	vand.u32 $0xFFFF0000, v12;
	v62 =	vshll.u32 v10, $0x10;
	v9 =	vadd.f32 v13, v9  }
0x9b: {  	v10 =	vand.u32 $0xFFFF0000, v10;
	v13 =	vld [tilespmem:s30+$0x7D70];
	v7 =	vadd.f32 v62, v7;
	v4 =	vadd.f32 v20, v4  }
0x9c: {  	v5 =	vadd.f32 v10, v5;
	v10 =	vshll.u32 v17, $0x10;
	v9 =	vadd.f32 v12, v9  }
0x9d: {  	v63 =	vld [tilespmem:s30+$0x7D90];
	v12 =	vand.u32 $0xFFFF0000, v17;
	v7 =	vadd.f32 v10, v7;
	v4 =	vadd.f32 v18, v4  }
0x9e: {  	v5 =	vadd.f32 v12, v5;
	v10 =	vshll.u32 v22, $0x10;
	v3 =	vadd.f32 v3, v9  }
0x9f: {  	v12 =	vld [tilespmem:s30+$0x7DB0];
	v9 =	vand.u32 $0xFFFF0000, v22;
	v7 =	vadd.f32 v10, v7;
	v4 =	vadd.f32 v19, v4  }
0xa0: {  	v5 =	vadd.f32 v9, v5;
	v9 =	vshll.u32 v13, $0x10;
	v3 =	vadd.f32 v8, v3  }
0xa1: {  	v10 =	vld [tilespmem:s30+$0x7DD0];
	v8 =	vand.u32 $0xFFFF0000, v13;
	v7 =	vadd.f32 v9, v7;
	v4 =	vadd.f32 v16, v4  }
0xa2: {  	v5 =	vadd.f32 v8, v5;
	v8 =	vshll.u32 v63, $0x10;
	v3 =	vadd.f32 v11, v3  }
0xa3: {  	v9 =	vand.u32 $0xFFFF0000, v63;
	v11 =	vld [tilespmem:s30+$0x7DF0];
	v7 =	vadd.f32 v8, v7;
	v4 =	vadd.f32 v14, v4  }
0xa4: {  	v5 =	vadd.f32 v9, v5;
	v8 =	vshll.u32 v12, $0x10;
	v2 =	vadd.f32 v2, v3  }
0xa5: {  	v3 =	vand.u32 $0xFFFF0000, v12;
	v7 =	vadd.f32 v8, v7;
	v4 =	vadd.f32 v15, v4  }
0xa6: {  	v3 =	vadd.f32 v3, v5;
	v5 =	vshll.u32 v10, $0x10;
	v2 =	vadd.f32 v6, v2  }
0xa7: {  	v6 =	vand.u32 $0xFFFF0000, v10;
	v5 =	vadd.f32 v5, v7;
	v1 =	vadd.f32 v1, v4  }
0xa8: {  	v3 =	vadd.f32 v6, v3;
	v4 =	vshll.u32 v11, $0x10;
	v0 =	vadd.f32 v0, v2  }
0xa9: {  	v2 =	vand.u32 $0xFFFF0000, v11;
	v4 =	vadd.f32 v4, v5;
	v1 =	vmul.f32 $4.999999890e-03, v1  }
0xaa: {  	v2 =	vadd.f32 v2, v3;
	v0 =	vmul.f32 $4.999999890e-03, v0  }
0xab: {  	[tilespmem:s28+$0x12C40] =	vst v1;
	v1 =	vmul.f32 $4.999999890e-03, v4  }
0xac: {  	[tilespmem:s28+$0x12C50] =	vst v0;
	v0 =	vmul.f32 $4.999999890e-03, v2  }
0xad: {  	[tilespmem:s28+$0x12C60] =	vst v1  }
0xae: {  	s1 =	sadd.s32 @!p0 $0x708, s29;
	s31 =	simm.s32 @!p0 $0x7D00;
	s30 =	simm.s32 @!p0 $0x80;
	[tilespmem:s28+$0x12C70] =	vst v0  }
0xaf: {  	[tilespmem:s31], [sflag:$0x2] =	stream.indirect.gather @!p0 [hbm4b:s3+s30], $0x20, s1, s30, $0xb8;
	[tilespmem:$0x14C00] =	vst v63  }
0xb0: {  	s1 =	sadd.s32 @!p0 $0x788, s29;
	s30 =	simm.s32 @!p0 $0x48;
	s31 =	simm.s32 @!p0 $0x8D00  }
0xb1: {  	[tilespmem:s31], [sflag:$0x2] =	stream.indirect.gather @!p0 [hbm4b:s3+s30], $0x20, s1, s30, $0xb8;
	[tilespmem:$0x14C00] =	vst v63  }
0xb2: {  	_ =	swait.ge [sflag:s17], $0x1900  }
0xb3: {  	[sflag:s17] =	ssyncset.done $0x0  }
0xb4: {  	s30 =	simm.s32 $0x0;
	[sflag:s17] =	ssyncadd.s32 $0xFFFFE700  }
0xb5: {  	v0 =	vld [tilespmem:s30+$0x96E0]  }
0xb6: {  	v6 =	vld [tilespmem:s30+$0x96C0]  }
0xb7: {  	v2 =	vld [tilespmem:s30+$0x96A0]  }
0xb8: {  	v11 =	vld [tilespmem:s30+$0x9680]  }
0xb9: {  	v8 =	vld [tilespmem:s30+$0x9660]  }
0xba: {  	v3 =	vld [tilespmem:s30+$0x9640]  }
0xbb: {  	v12 =	vld [tilespmem:s30+$0x9620]  }
0xbc: {  	v9 =	vimm.f32 $0.0e+00;
	v7 =	vimm.f32 $0.0e+00;
	v5 =	vimm.f32 $0.0e+00;
	v13 =	vld [tilespmem:s30+$0x9600]  }
0xbd: {  	v4 =	vimm.f32 $0.0e+00;
	s31 =	simm.s32 $0x400;
	v10 =	vld [tilespmem:s30+$0x9610];
	v1 =	vshll.u32 v0, $0x10;
	v0 =	vand.u32 $0xFFFF0000, v0  }
.LBB2_7:
0xbe: {  	p1 =	sne.s32 s31, $0x6000;
	v14 =	vshll.u32 v2, $0x10;
	v15 =	vshll.u32 v6, $0x10;
	v16 =	vand.u32 $0xFFFF0000, v6  }
0xbf: {  	v17 =	vshll.u32 v11, $0x10;
	v11 =	vand.u32 $0xFFFF0000, v11;
	v18 =	vand.u32 $0xFFFF0000, v2;
	v6 =	vld [tilespmem:s30+$0x9630]  }
0xc0: {  	v19 =	vshll.u32 v8, $0x10;
	v8 =	vand.u32 $0xFFFF0000, v8;
	v2 =	vshll.u32 v3, $0x10  }
0xc1: {  	v3 =	vand.u32 $0xFFFF0000, v3;
	v20 =	vshll.u32 v12, $0x10;
	v12 =	vand.u32 $0xFFFF0000, v12;
	v21 =	vld [tilespmem:s30+$0x9650]  }
0xc2: {  	v22 =	vshll.u32 v13, $0x10;
	v13 =	vand.u32 $0xFFFF0000, v13;
	v23 =	vshll.u32 v10, $0x10  }
0xc3: {  	v4 =	vadd.f32 v22, v4;
	v9 =	vadd.f32 v13, v9;
	v10 =	vand.u32 $0xFFFF0000, v10;
	v13 =	vld [tilespmem:s30+$0x9670]  }
0xc4: {  	v7 =	vadd.f32 v23, v7;
	v5 =	vadd.f32 v10, v5;
	v10 =	vshll.u32 v6, $0x10  }
0xc5: {  	v4 =	vadd.f32 v20, v4;
	v9 =	vadd.f32 v12, v9;
	v6 =	vand.u32 $0xFFFF0000, v6;
	v12 =	vld [tilespmem:s30+$0x9690]  }
0xc6: {  	v7 =	vadd.f32 v10, v7;
	v5 =	vadd.f32 v6, v5;
	v6 =	vshll.u32 v21, $0x10  }
0xc7: {  	v2 =	vadd.f32 v2, v4;
	v3 =	vadd.f32 v3, v9;
	v4 =	vand.u32 $0xFFFF0000, v21;
	v9 =	vld [tilespmem:s30+$0x96B0]  }
0xc8: {  	v6 =	vadd.f32 v6, v7;
	v4 =	vadd.f32 v4, v5;
	v5 =	vshll.u32 v13, $0x10  }
0xc9: {  	s1 =	sshra.s32 s31, $0x2;
	v2 =	vadd.f32 v19, v2;
	v3 =	vadd.f32 v8, v3;
	v7 =	vand.u32 $0xFFFF0000, v13;
	v10 =	vld [tilespmem:s30+$0x96D0]  }
0xca: {  	v5 =	vadd.f32 v5, v6;
	v4 =	vadd.f32 v7, v4;
	v19 =	vld [tilespmem:s1+$0x96E0];
	v7 =	vshll.u32 v12, $0x10  }
0xcb: {  	v8 =	vadd.f32 v17, v2;
	v3 =	vadd.f32 v11, v3;
	v2 =	vand.u32 $0xFFFF0000, v12;
	v13 =	vld [tilespmem:s30+$0x96F0];
	s30 =	smov.u32 s1  }
0xcc: {  	v5 =	vadd.f32 v7, v5;
	v4 =	vadd.f32 v2, v4;
	v6 =	vld [tilespmem:s30+$0x96C0];
	v7 =	vshll.u32 v9, $0x10  }
0xcd: {  	v12 =	vadd.f32 v14, v8;
	v3 =	vadd.f32 v18, v3;
	v8 =	vand.u32 $0xFFFF0000, v9;
	v2 =	vld [tilespmem:s30+$0x96A0]  }
0xce: {  	v5 =	vadd.f32 v7, v5;
	v4 =	vadd.f32 v8, v4;
	v11 =	vld [tilespmem:s30+$0x9680];
	v7 =	vshll.u32 v10, $0x10  }
.Ltmp2:
0xcf: {  	v9 =	vadd.f32 v15, v12;
	v14 =	vadd.f32 v16, v3;
	v10 =	vand.u32 $0xFFFF0000, v10;
	v8 =	vld [tilespmem:s30+$0x9660];
	(pc) =	sbr.rel @p1 .LBB2_7-.Ltmp2, $4  }
0xd0: {  	v5 =	vadd.f32 v7, v5;
	v10 =	vadd.f32 v10, v4;
	v3 =	vld [tilespmem:s30+$0x9640];
	v7 =	vshll.u32 v13, $0x10  }
0xd1: {  	v4 =	vadd.f32 v1, v9;
	v9 =	vadd.f32 v0, v14;
	v0 =	vand.u32 $0xFFFF0000, v13;
	v12 =	vld [tilespmem:s30+$0x9620]  }
0xd2: {  	v7 =	vadd.f32 v7, v5;
	v5 =	vadd.f32 v0, v10;
	v13 =	vld [tilespmem:s30+$0x9600]  }
0xd3: {  	s31 =	sadd.s32 $0x400, s31;
	v1 =	vshll.u32 v19, $0x10;
	v0 =	vand.u32 $0xFFFF0000, v19;
	v10 =	vld [tilespmem:s30+$0x9610]  }
0xd4: {  	v14 =	vshll.u32 v2, $0x10;
	v15 =	vshll.u32 v6, $0x10  }
0xd5: {  	v6 =	vand.u32 $0xFFFF0000, v6;
	v16 =	vshll.u32 v11, $0x10;
	v11 =	vand.u32 $0xFFFF0000, v11  }
0xd6: {  	v17 =	vld [tilespmem:s30+$0x9630];
	v2 =	vand.u32 $0xFFFF0000, v2;
	v19 =	vshll.u32 v8, $0x10;
	v8 =	vand.u32 $0xFFFF0000, v8  }
0xd7: {  	v18 =	vshll.u32 v3, $0x10;
	v3 =	vand.u32 $0xFFFF0000, v3;
	v21 =	vshll.u32 v13, $0x10  }
0xd8: {  	v22 =	vld [tilespmem:s30+$0x9650];
	v20 =	vshll.u32 v12, $0x10;
	v13 =	vand.u32 $0xFFFF0000, v13;
	v4 =	vadd.f32 v21, v4  }
0xd9: {  	v12 =	vand.u32 $0xFFFF0000, v12;
	v62 =	vshll.u32 v10, $0x10;
	v9 =	vadd.f32 v13, v9  }
0xda: {  	v10 =	vand.u32 $0xFFFF0000, v10;
	v13 =	vld [tilespmem:s30+$0x9670];
	v7 =	vadd.f32 v62, v7;
	v4 =	vadd.f32 v20, v4  }
0xdb: {  	v5 =	vadd.f32 v10, v5;
	v10 =	vshll.u32 v17, $0x10;
	v9 =	vadd.f32 v12, v9  }
0xdc: {  	v63 =	vld [tilespmem:s30+$0x9690];
	v12 =	vand.u32 $0xFFFF0000, v17;
	v7 =	vadd.f32 v10, v7;
	v4 =	vadd.f32 v18, v4  }
0xdd: {  	v5 =	vadd.f32 v12, v5;
	v10 =	vshll.u32 v22, $0x10;
	v3 =	vadd.f32 v3, v9  }
0xde: {  	v12 =	vld [tilespmem:s30+$0x96B0];
	v9 =	vand.u32 $0xFFFF0000, v22;
	v7 =	vadd.f32 v10, v7;
	v4 =	vadd.f32 v19, v4  }
0xdf: {  	v5 =	vadd.f32 v9, v5;
	v9 =	vshll.u32 v13, $0x10;
	v3 =	vadd.f32 v8, v3  }
0xe0: {  	v10 =	vld [tilespmem:s30+$0x96D0];
	v8 =	vand.u32 $0xFFFF0000, v13;
	v7 =	vadd.f32 v9, v7;
	v4 =	vadd.f32 v16, v4  }
0xe1: {  	v5 =	vadd.f32 v8, v5;
	v8 =	vshll.u32 v63, $0x10;
	v3 =	vadd.f32 v11, v3  }
0xe2: {  	v9 =	vand.u32 $0xFFFF0000, v63;
	v11 =	vld [tilespmem:s30+$0x96F0];
	v7 =	vadd.f32 v8, v7;
	v4 =	vadd.f32 v14, v4  }
0xe3: {  	v5 =	vadd.f32 v9, v5;
	v8 =	vshll.u32 v12, $0x10;
	v2 =	vadd.f32 v2, v3  }
0xe4: {  	v3 =	vand.u32 $0xFFFF0000, v12;
	v7 =	vadd.f32 v8, v7;
	v4 =	vadd.f32 v15, v4  }
0xe5: {  	v3 =	vadd.f32 v3, v5;
	v5 =	vshll.u32 v10, $0x10;
	v2 =	vadd.f32 v6, v2  }
0xe6: {  	v6 =	vand.u32 $0xFFFF0000, v10;
	v5 =	vadd.f32 v5, v7;
	v1 =	vadd.f32 v1, v4  }
0xe7: {  	v3 =	vadd.f32 v6, v3;
	v4 =	vshll.u32 v11, $0x10;
	v0 =	vadd.f32 v0, v2  }
0xe8: {  	v2 =	vand.u32 $0xFFFF0000, v11;
	v4 =	vadd.f32 v4, v5;
	v1 =	vmul.f32 $4.999999890e-03, v1  }
0xe9: {  	v2 =	vadd.f32 v2, v3;
	v0 =	vmul.f32 $4.999999890e-03, v0  }
0xea: {  	[tilespmem:s28+$0x12C80] =	vst v1;
	v1 =	vmul.f32 $4.999999890e-03, v4  }
0xeb: {  	[tilespmem:s28+$0x12C90] =	vst v0;
	v0 =	vmul.f32 $4.999999890e-03, v2  }
0xec: {  	[tilespmem:s28+$0x12CA0] =	vst v1  }
0xed: {  	s1 =	sadd.s32 @!p0 $0x7D0, s29;
	s31 =	simm.s32 @!p0 $0x9600;
	s30 =	simm.s32 @!p0 $0x80;
	[tilespmem:s28+$0x12CB0] =	vst v0  }
0xee: {  	[tilespmem:s31], [sflag:$0x3] =	stream.indirect.gather @!p0 [hbm4b:s3+s30], $0x20, s1, s30, $0xb8;
	[tilespmem:$0x14C00] =	vst v63  }
0xef: {  	s1 =	sadd.s32 @!p0 $0x850, s29;
	s30 =	simm.s32 @!p0 $0x48;
	s31 =	simm.s32 @!p0 $0xA600  }
0xf0: {  	[tilespmem:s31], [sflag:$0x3] =	stream.indirect.gather @!p0 [hbm4b:s3+s30], $0x20, s1, s30, $0xb8;
	[tilespmem:$0x14C00] =	vst v63  }
0xf1: {  	_ =	swait.ge [sflag:s18], $0x1900  }
0xf2: {  	[sflag:s18] =	ssyncset.done $0x0  }
0xf3: {  	s30 =	simm.s32 $0x0;
	[sflag:s18] =	ssyncadd.s32 $0xFFFFE700  }
0xf4: {  	v0 =	vld [tilespmem:s30+$0xAFE0]  }
0xf5: {  	v6 =	vld [tilespmem:s30+$0xAFC0]  }
0xf6: {  	v2 =	vld [tilespmem:s30+$0xAFA0]  }
0xf7: {  	v11 =	vld [tilespmem:s30+$0xAF80]  }
0xf8: {  	v8 =	vld [tilespmem:s30+$0xAF60]  }
0xf9: {  	v3 =	vld [tilespmem:s30+$0xAF40]  }
0xfa: {  	v12 =	vld [tilespmem:s30+$0xAF20]  }
0xfb: {  	v9 =	vimm.f32 $0.0e+00;
	v7 =	vimm.f32 $0.0e+00;
	v5 =	vimm.f32 $0.0e+00;
	v13 =	vld [tilespmem:s30+$0xAF00]  }
0xfc: {  	v4 =	vimm.f32 $0.0e+00;
	s31 =	simm.s32 $0x400;
	v10 =	vld [tilespmem:s30+$0xAF10];
	v1 =	vshll.u32 v0, $0x10;
	v0 =	vand.u32 $0xFFFF0000, v0  }
.LBB2_9:
0xfd: {  	p1 =	sne.s32 s31, $0x6000;
	v14 =	vshll.u32 v2, $0x10;
	v15 =	vshll.u32 v6, $0x10;
	v16 =	vand.u32 $0xFFFF0000, v6  }
0xfe: {  	v17 =	vshll.u32 v11, $0x10;
	v11 =	vand.u32 $0xFFFF0000, v11;
	v18 =	vand.u32 $0xFFFF0000, v2;
	v6 =	vld [tilespmem:s30+$0xAF30]  }
0xff: {  	v19 =	vshll.u32 v8, $0x10;
	v8 =	vand.u32 $0xFFFF0000, v8;
	v2 =	vshll.u32 v3, $0x10  }
0x100: {  	v3 =	vand.u32 $0xFFFF0000, v3;
	v20 =	vshll.u32 v12, $0x10;
	v12 =	vand.u32 $0xFFFF0000, v12;
	v21 =	vld [tilespmem:s30+$0xAF50]  }
0x101: {  	v22 =	vshll.u32 v13, $0x10;
	v13 =	vand.u32 $0xFFFF0000, v13;
	v23 =	vshll.u32 v10, $0x10  }
0x102: {  	v4 =	vadd.f32 v22, v4;
	v9 =	vadd.f32 v13, v9;
	v10 =	vand.u32 $0xFFFF0000, v10;
	v13 =	vld [tilespmem:s30+$0xAF70]  }
0x103: {  	v7 =	vadd.f32 v23, v7;
	v5 =	vadd.f32 v10, v5;
	v10 =	vshll.u32 v6, $0x10  }
0x104: {  	v4 =	vadd.f32 v20, v4;
	v9 =	vadd.f32 v12, v9;
	v6 =	vand.u32 $0xFFFF0000, v6;
	v12 =	vld [tilespmem:s30+$0xAF90]  }
0x105: {  	v7 =	vadd.f32 v10, v7;
	v5 =	vadd.f32 v6, v5;
	v6 =	vshll.u32 v21, $0x10  }
0x106: {  	v2 =	vadd.f32 v2, v4;
	v3 =	vadd.f32 v3, v9;
	v4 =	vand.u32 $0xFFFF0000, v21;
	v9 =	vld [tilespmem:s30+$0xAFB0]  }
0x107: {  	v6 =	vadd.f32 v6, v7;
	v4 =	vadd.f32 v4, v5;
	v5 =	vshll.u32 v13, $0x10  }
0x108: {  	s1 =	sshra.s32 s31, $0x2;
	v2 =	vadd.f32 v19, v2;
	v3 =	vadd.f32 v8, v3;
	v7 =	vand.u32 $0xFFFF0000, v13;
	v10 =	vld [tilespmem:s30+$0xAFD0]  }
0x109: {  	v5 =	vadd.f32 v5, v6;
	v4 =	vadd.f32 v7, v4;
	v19 =	vld [tilespmem:s1+$0xAFE0];
	v7 =	vshll.u32 v12, $0x10  }
0x10a: {  	v8 =	vadd.f32 v17, v2;
	v3 =	vadd.f32 v11, v3;
	v2 =	vand.u32 $0xFFFF0000, v12;
	v13 =	vld [tilespmem:s30+$0xAFF0];
	s30 =	smov.u32 s1  }
0x10b: {  	v5 =	vadd.f32 v7, v5;
	v4 =	vadd.f32 v2, v4;
	v6 =	vld [tilespmem:s30+$0xAFC0];
	v7 =	vshll.u32 v9, $0x10  }
0x10c: {  	v12 =	vadd.f32 v14, v8;
	v3 =	vadd.f32 v18, v3;
	v8 =	vand.u32 $0xFFFF0000, v9;
	v2 =	vld [tilespmem:s30+$0xAFA0]  }
0x10d: {  	v5 =	vadd.f32 v7, v5;
	v4 =	vadd.f32 v8, v4;
	v11 =	vld [tilespmem:s30+$0xAF80];
	v7 =	vshll.u32 v10, $0x10  }
.Ltmp3:
0x10e: {  	v9 =	vadd.f32 v15, v12;
	v14 =	vadd.f32 v16, v3;
	v10 =	vand.u32 $0xFFFF0000, v10;
	v8 =	vld [tilespmem:s30+$0xAF60];
	(pc) =	sbr.rel @p1 .LBB2_9-.Ltmp3, $4  }
0x10f: {  	v5 =	vadd.f32 v7, v5;
	v10 =	vadd.f32 v10, v4;
	v3 =	vld [tilespmem:s30+$0xAF40];
	v7 =	vshll.u32 v13, $0x10  }
0x110: {  	v4 =	vadd.f32 v1, v9;
	v9 =	vadd.f32 v0, v14;
	v0 =	vand.u32 $0xFFFF0000, v13;
	v12 =	vld [tilespmem:s30+$0xAF20]  }
0x111: {  	v7 =	vadd.f32 v7, v5;
	v5 =	vadd.f32 v0, v10;
	v13 =	vld [tilespmem:s30+$0xAF00]  }
0x112: {  	s31 =	sadd.s32 $0x400, s31;
	v1 =	vshll.u32 v19, $0x10;
	v0 =	vand.u32 $0xFFFF0000, v19;
	v10 =	vld [tilespmem:s30+$0xAF10]  }
0x113: {  	v14 =	vshll.u32 v2, $0x10;
	v15 =	vshll.u32 v6, $0x10  }
0x114: {  	v6 =	vand.u32 $0xFFFF0000, v6;
	v16 =	vshll.u32 v11, $0x10;
	v11 =	vand.u32 $0xFFFF0000, v11  }
0x115: {  	v17 =	vld [tilespmem:s30+$0xAF30];
	v2 =	vand.u32 $0xFFFF0000, v2;
	v19 =	vshll.u32 v8, $0x10;
	v8 =	vand.u32 $0xFFFF0000, v8  }
0x116: {  	v18 =	vshll.u32 v3, $0x10;
	v3 =	vand.u32 $0xFFFF0000, v3;
	v21 =	vshll.u32 v13, $0x10  }
0x117: {  	v22 =	vld [tilespmem:s30+$0xAF50];
	v20 =	vshll.u32 v12, $0x10;
	v13 =	vand.u32 $0xFFFF0000, v13;
	v4 =	vadd.f32 v21, v4  }
0x118: {  	v12 =	vand.u32 $0xFFFF0000, v12;
	v62 =	vshll.u32 v10, $0x10;
	v9 =	vadd.f32 v13, v9  }
0x119: {  	v10 =	vand.u32 $0xFFFF0000, v10;
	v13 =	vld [tilespmem:s30+$0xAF70];
	v7 =	vadd.f32 v62, v7;
	v4 =	vadd.f32 v20, v4  }
0x11a: {  	v5 =	vadd.f32 v10, v5;
	v10 =	vshll.u32 v17, $0x10;
	v9 =	vadd.f32 v12, v9  }
0x11b: {  	v63 =	vld [tilespmem:s30+$0xAF90];
	v12 =	vand.u32 $0xFFFF0000, v17;
	v7 =	vadd.f32 v10, v7;
	v4 =	vadd.f32 v18, v4  }
0x11c: {  	v5 =	vadd.f32 v12, v5;
	v10 =	vshll.u32 v22, $0x10;
	v3 =	vadd.f32 v3, v9  }
0x11d: {  	v12 =	vld [tilespmem:s30+$0xAFB0];
	v9 =	vand.u32 $0xFFFF0000, v22;
	v7 =	vadd.f32 v10, v7;
	v4 =	vadd.f32 v19, v4  }
0x11e: {  	v5 =	vadd.f32 v9, v5;
	v9 =	vshll.u32 v13, $0x10;
	v3 =	vadd.f32 v8, v3  }
0x11f: {  	v10 =	vld [tilespmem:s30+$0xAFD0];
	v8 =	vand.u32 $0xFFFF0000, v13;
	v7 =	vadd.f32 v9, v7;
	v4 =	vadd.f32 v16, v4  }
0x120: {  	v5 =	vadd.f32 v8, v5;
	v8 =	vshll.u32 v63, $0x10;
	v3 =	vadd.f32 v11, v3  }
0x121: {  	v9 =	vand.u32 $0xFFFF0000, v63;
	v11 =	vld [tilespmem:s30+$0xAFF0];
	v7 =	vadd.f32 v8, v7;
	v4 =	vadd.f32 v14, v4  }
0x122: {  	v5 =	vadd.f32 v9, v5;
	v8 =	vshll.u32 v12, $0x10;
	v2 =	vadd.f32 v2, v3  }
0x123: {  	v3 =	vand.u32 $0xFFFF0000, v12;
	v7 =	vadd.f32 v8, v7;
	v4 =	vadd.f32 v15, v4  }
0x124: {  	v3 =	vadd.f32 v3, v5;
	v5 =	vshll.u32 v10, $0x10;
	v2 =	vadd.f32 v6, v2  }
0x125: {  	v6 =	vand.u32 $0xFFFF0000, v10;
	v5 =	vadd.f32 v5, v7;
	v1 =	vadd.f32 v1, v4  }
0x126: {  	v3 =	vadd.f32 v6, v3;
	v4 =	vshll.u32 v11, $0x10;
	v0 =	vadd.f32 v0, v2  }
0x127: {  	v2 =	vand.u32 $0xFFFF0000, v11;
	v4 =	vadd.f32 v4, v5;
	v1 =	vmul.f32 $4.999999890e-03, v1  }
0x128: {  	v2 =	vadd.f32 v2, v3;
	v0 =	vmul.f32 $4.999999890e-03, v0  }
0x129: {  	[tilespmem:s28+$0x12CC0] =	vst v1;
	v1 =	vmul.f32 $4.999999890e-03, v4  }
0x12a: {  	[tilespmem:s28+$0x12CD0] =	vst v0;
	v0 =	vmul.f32 $4.999999890e-03, v2  }
0x12b: {  	[tilespmem:s28+$0x12CE0] =	vst v1  }
0x12c: {  	s1 =	sadd.s32 @!p0 $0x898, s29;
	s31 =	simm.s32 @!p0 $0xAF00;
	s30 =	simm.s32 @!p0 $0x80;
	[tilespmem:s28+$0x12CF0] =	vst v0  }
0x12d: {  	[tilespmem:s31], [sflag:$0x4] =	stream.indirect.gather @!p0 [hbm4b:s3+s30], $0x20, s1, s30, $0xb8;
	[tilespmem:$0x14C00] =	vst v63  }
0x12e: {  	s1 =	sadd.s32 @!p0 $0x918, s29;
	s30 =	simm.s32 @!p0 $0x48;
	s31 =	simm.s32 @!p0 $0xBF00  }
0x12f: {  	[tilespmem:s31], [sflag:$0x4] =	stream.indirect.gather @!p0 [hbm4b:s3+s30], $0x20, s1, s30, $0xb8;
	[tilespmem:$0x14C00] =	vst v63  }
0x130: {  	_ =	swait.ge [sflag:s19], $0x1900  }
0x131: {  	[sflag:s19] =	ssyncset.done $0x0  }
0x132: {  	s30 =	simm.s32 $0x0;
	[sflag:s19] =	ssyncadd.s32 $0xFFFFE700  }
0x133: {  	v0 =	vld [tilespmem:s30+$0xC8E0]  }
0x134: {  	v6 =	vld [tilespmem:s30+$0xC8C0]  }
0x135: {  	v2 =	vld [tilespmem:s30+$0xC8A0]  }
0x136: {  	v11 =	vld [tilespmem:s30+$0xC880]  }
0x137: {  	v8 =	vld [tilespmem:s30+$0xC860]  }
0x138: {  	v3 =	vld [tilespmem:s30+$0xC840]  }
0x139: {  	v12 =	vld [tilespmem:s30+$0xC820]  }
0x13a: {  	v9 =	vimm.f32 $0.0e+00;
	v7 =	vimm.f32 $0.0e+00;
	v5 =	vimm.f32 $0.0e+00;
	v13 =	vld [tilespmem:s30+$0xC800]  }
0x13b: {  	v4 =	vimm.f32 $0.0e+00;
	s31 =	simm.s32 $0x400;
	v10 =	vld [tilespmem:s30+$0xC810];
	v1 =	vshll.u32 v0, $0x10;
	v0 =	vand.u32 $0xFFFF0000, v0  }
.LBB2_11:
0x13c: {  	p1 =	sne.s32 s31, $0x6000;
	v14 =	vshll.u32 v2, $0x10;
	v15 =	vshll.u32 v6, $0x10;
	v16 =	vand.u32 $0xFFFF0000, v6  }
0x13d: {  	v17 =	vshll.u32 v11, $0x10;
	v11 =	vand.u32 $0xFFFF0000, v11;
	v18 =	vand.u32 $0xFFFF0000, v2;
	v6 =	vld [tilespmem:s30+$0xC830]  }
0x13e: {  	v19 =	vshll.u32 v8, $0x10;
	v8 =	vand.u32 $0xFFFF0000, v8;
	v2 =	vshll.u32 v3, $0x10  }
0x13f: {  	v3 =	vand.u32 $0xFFFF0000, v3;
	v20 =	vshll.u32 v12, $0x10;
	v12 =	vand.u32 $0xFFFF0000, v12;
	v21 =	vld [tilespmem:s30+$0xC850]  }
0x140: {  	v22 =	vshll.u32 v13, $0x10;
	v13 =	vand.u32 $0xFFFF0000, v13;
	v23 =	vshll.u32 v10, $0x10  }
0x141: {  	v4 =	vadd.f32 v22, v4;
	v9 =	vadd.f32 v13, v9;
	v10 =	vand.u32 $0xFFFF0000, v10;
	v13 =	vld [tilespmem:s30+$0xC870]  }
0x142: {  	v7 =	vadd.f32 v23, v7;
	v5 =	vadd.f32 v10, v5;
	v10 =	vshll.u32 v6, $0x10  }
0x143: {  	v4 =	vadd.f32 v20, v4;
	v9 =	vadd.f32 v12, v9;
	v6 =	vand.u32 $0xFFFF0000, v6;
	v12 =	vld [tilespmem:s30+$0xC890]  }
0x144: {  	v7 =	vadd.f32 v10, v7;
	v5 =	vadd.f32 v6, v5;
	v6 =	vshll.u32 v21, $0x10  }
0x145: {  	v2 =	vadd.f32 v2, v4;
	v3 =	vadd.f32 v3, v9;
	v4 =	vand.u32 $0xFFFF0000, v21;
	v9 =	vld [tilespmem:s30+$0xC8B0]  }
0x146: {  	v6 =	vadd.f32 v6, v7;
	v4 =	vadd.f32 v4, v5;
	v5 =	vshll.u32 v13, $0x10  }
0x147: {  	s1 =	sshra.s32 s31, $0x2;
	v2 =	vadd.f32 v19, v2;
	v3 =	vadd.f32 v8, v3;
	v7 =	vand.u32 $0xFFFF0000, v13;
	v10 =	vld [tilespmem:s30+$0xC8D0]  }
0x148: {  	v5 =	vadd.f32 v5, v6;
	v4 =	vadd.f32 v7, v4;
	v19 =	vld [tilespmem:s1+$0xC8E0];
	v7 =	vshll.u32 v12, $0x10  }
0x149: {  	v8 =	vadd.f32 v17, v2;
	v3 =	vadd.f32 v11, v3;
	v2 =	vand.u32 $0xFFFF0000, v12;
	v13 =	vld [tilespmem:s30+$0xC8F0];
	s30 =	smov.u32 s1  }
0x14a: {  	v5 =	vadd.f32 v7, v5;
	v4 =	vadd.f32 v2, v4;
	v6 =	vld [tilespmem:s30+$0xC8C0];
	v7 =	vshll.u32 v9, $0x10  }
0x14b: {  	v12 =	vadd.f32 v14, v8;
	v3 =	vadd.f32 v18, v3;
	v8 =	vand.u32 $0xFFFF0000, v9;
	v2 =	vld [tilespmem:s30+$0xC8A0]  }
0x14c: {  	v5 =	vadd.f32 v7, v5;
	v4 =	vadd.f32 v8, v4;
	v11 =	vld [tilespmem:s30+$0xC880];
	v7 =	vshll.u32 v10, $0x10  }
.Ltmp4:
0x14d: {  	v9 =	vadd.f32 v15, v12;
	v14 =	vadd.f32 v16, v3;
	v10 =	vand.u32 $0xFFFF0000, v10;
	v8 =	vld [tilespmem:s30+$0xC860];
	(pc) =	sbr.rel @p1 .LBB2_11-.Ltmp4, $4  }
0x14e: {  	v5 =	vadd.f32 v7, v5;
	v10 =	vadd.f32 v10, v4;
	v3 =	vld [tilespmem:s30+$0xC840];
	v7 =	vshll.u32 v13, $0x10  }
0x14f: {  	v4 =	vadd.f32 v1, v9;
	v9 =	vadd.f32 v0, v14;
	v0 =	vand.u32 $0xFFFF0000, v13;
	v12 =	vld [tilespmem:s30+$0xC820]  }
0x150: {  	v7 =	vadd.f32 v7, v5;
	v5 =	vadd.f32 v0, v10;
	v13 =	vld [tilespmem:s30+$0xC800]  }
0x151: {  	s31 =	sadd.s32 $0x400, s31;
	v1 =	vshll.u32 v19, $0x10;
	v0 =	vand.u32 $0xFFFF0000, v19;
	v10 =	vld [tilespmem:s30+$0xC810]  }
0x152: {  	v14 =	vshll.u32 v2, $0x10;
	v15 =	vshll.u32 v6, $0x10  }
0x153: {  	v6 =	vand.u32 $0xFFFF0000, v6;
	v16 =	vshll.u32 v11, $0x10;
	v11 =	vand.u32 $0xFFFF0000, v11  }
0x154: {  	v17 =	vld [tilespmem:s30+$0xC830];
	v2 =	vand.u32 $0xFFFF0000, v2;
	v19 =	vshll.u32 v8, $0x10;
	v8 =	vand.u32 $0xFFFF0000, v8  }
0x155: {  	v18 =	vshll.u32 v3, $0x10;
	v3 =	vand.u32 $0xFFFF0000, v3;
	v21 =	vshll.u32 v13, $0x10  }
0x156: {  	v22 =	vld [tilespmem:s30+$0xC850];
	v20 =	vshll.u32 v12, $0x10;
	v13 =	vand.u32 $0xFFFF0000, v13;
	v4 =	vadd.f32 v21, v4  }
0x157: {  	v12 =	vand.u32 $0xFFFF0000, v12;
	v62 =	vshll.u32 v10, $0x10;
	v9 =	vadd.f32 v13, v9  }
0x158: {  	v10 =	vand.u32 $0xFFFF0000, v10;
	v13 =	vld [tilespmem:s30+$0xC870];
	v7 =	vadd.f32 v62, v7;
	v4 =	vadd.f32 v20, v4  }
0x159: {  	v5 =	vadd.f32 v10, v5;
	v10 =	vshll.u32 v17, $0x10;
	v9 =	vadd.f32 v12, v9  }
0x15a: {  	v63 =	vld [tilespmem:s30+$0xC890];
	v12 =	vand.u32 $0xFFFF0000, v17;
	v7 =	vadd.f32 v10, v7;
	v4 =	vadd.f32 v18, v4  }
0x15b: {  	v5 =	vadd.f32 v12, v5;
	v10 =	vshll.u32 v22, $0x10;
	v3 =	vadd.f32 v3, v9  }
0x15c: {  	v12 =	vld [tilespmem:s30+$0xC8B0];
	v9 =	vand.u32 $0xFFFF0000, v22;
	v7 =	vadd.f32 v10, v7;
	v4 =	vadd.f32 v19, v4  }
0x15d: {  	v5 =	vadd.f32 v9, v5;
	v9 =	vshll.u32 v13, $0x10;
	v3 =	vadd.f32 v8, v3  }
0x15e: {  	v10 =	vld [tilespmem:s30+$0xC8D0];
	v8 =	vand.u32 $0xFFFF0000, v13;
	v7 =	vadd.f32 v9, v7;
	v4 =	vadd.f32 v16, v4  }
0x15f: {  	v5 =	vadd.f32 v8, v5;
	v8 =	vshll.u32 v63, $0x10;
	v3 =	vadd.f32 v11, v3  }
0x160: {  	v9 =	vand.u32 $0xFFFF0000, v63;
	v11 =	vld [tilespmem:s30+$0xC8F0];
	v7 =	vadd.f32 v8, v7;
	v4 =	vadd.f32 v14, v4  }
0x161: {  	v5 =	vadd.f32 v9, v5;
	v8 =	vshll.u32 v12, $0x10;
	v2 =	vadd.f32 v2, v3  }
0x162: {  	v3 =	vand.u32 $0xFFFF0000, v12;
	v7 =	vadd.f32 v8, v7;
	v4 =	vadd.f32 v15, v4  }
0x163: {  	v3 =	vadd.f32 v3, v5;
	v5 =	vshll.u32 v10, $0x10;
	v2 =	vadd.f32 v6, v2  }
0x164: {  	v6 =	vand.u32 $0xFFFF0000, v10;
	v5 =	vadd.f32 v5, v7;
	v1 =	vadd.f32 v1, v4  }
0x165: {  	v3 =	vadd.f32 v6, v3;
	v4 =	vshll.u32 v11, $0x10;
	v0 =	vadd.f32 v0, v2  }
0x166: {  	v2 =	vand.u32 $0xFFFF0000, v11;
	v4 =	vadd.f32 v4, v5;
	v1 =	vmul.f32 $4.999999890e-03, v1  }
0x167: {  	v2 =	vadd.f32 v2, v3;
	v0 =	vmul.f32 $4.999999890e-03, v0  }
0x168: {  	[tilespmem:s28+$0x12D00] =	vst v1;
	v1 =	vmul.f32 $4.999999890e-03, v4  }
0x169: {  	[tilespmem:s28+$0x12D10] =	vst v0;
	v0 =	vmul.f32 $4.999999890e-03, v2  }
0x16a: {  	[tilespmem:s28+$0x12D20] =	vst v1  }
0x16b: {  	s1 =	sadd.s32 @!p0 $0x960, s29;
	s31 =	simm.s32 @!p0 $0xC800;
	s30 =	simm.s32 @!p0 $0x80;
	[tilespmem:s28+$0x12D30] =	vst v0  }
0x16c: {  	[tilespmem:s31], [sflag:$0x5] =	stream.indirect.gather @!p0 [hbm4b:s3+s30], $0x20, s1, s30, $0xb8;
	[tilespmem:$0x14C00] =	vst v63  }
0x16d: {  	s1 =	sadd.s32 @!p0 $0x9E0, s29;
	s30 =	simm.s32 @!p0 $0x48;
	s31 =	simm.s32 @!p0 $0xD800  }
0x16e: {  	[tilespmem:s31], [sflag:$0x5] =	stream.indirect.gather @!p0 [hbm4b:s3+s30], $0x20, s1, s30, $0xb8;
	[tilespmem:$0x14C00] =	vst v63  }
0x16f: {  	_ =	swait.ge [sflag:s20], $0x1900  }
0x170: {  	[sflag:s20] =	ssyncset.done $0x0  }
0x171: {  	s30 =	simm.s32 $0x0;
	[sflag:s20] =	ssyncadd.s32 $0xFFFFE700  }
0x172: {  	v0 =	vld [tilespmem:s30+$0xE1E0]  }
0x173: {  	v6 =	vld [tilespmem:s30+$0xE1C0]  }
0x174: {  	v2 =	vld [tilespmem:s30+$0xE1A0]  }
0x175: {  	v11 =	vld [tilespmem:s30+$0xE180]  }
0x176: {  	v8 =	vld [tilespmem:s30+$0xE160]  }
0x177: {  	v3 =	vld [tilespmem:s30+$0xE140]  }
0x178: {  	v12 =	vld [tilespmem:s30+$0xE120]  }
0x179: {  	v9 =	vimm.f32 $0.0e+00;
	v7 =	vimm.f32 $0.0e+00;
	v5 =	vimm.f32 $0.0e+00;
	v13 =	vld [tilespmem:s30+$0xE100]  }
0x17a: {  	v4 =	vimm.f32 $0.0e+00;
	s31 =	simm.s32 $0x400;
	v10 =	vld [tilespmem:s30+$0xE110];
	v1 =	vshll.u32 v0, $0x10;
	v0 =	vand.u32 $0xFFFF0000, v0  }
.LBB2_13:
0x17b: {  	p1 =	sne.s32 s31, $0x6000;
	v14 =	vshll.u32 v2, $0x10;
	v15 =	vshll.u32 v6, $0x10;
	v16 =	vand.u32 $0xFFFF0000, v6  }
0x17c: {  	v17 =	vshll.u32 v11, $0x10;
	v11 =	vand.u32 $0xFFFF0000, v11;
	v18 =	vand.u32 $0xFFFF0000, v2;
	v6 =	vld [tilespmem:s30+$0xE130]  }
0x17d: {  	v19 =	vshll.u32 v8, $0x10;
	v8 =	vand.u32 $0xFFFF0000, v8;
	v2 =	vshll.u32 v3, $0x10  }
0x17e: {  	v3 =	vand.u32 $0xFFFF0000, v3;
	v20 =	vshll.u32 v12, $0x10;
	v12 =	vand.u32 $0xFFFF0000, v12;
	v21 =	vld [tilespmem:s30+$0xE150]  }
0x17f: {  	v22 =	vshll.u32 v13, $0x10;
	v13 =	vand.u32 $0xFFFF0000, v13;
	v23 =	vshll.u32 v10, $0x10  }
0x180: {  	v4 =	vadd.f32 v22, v4;
	v9 =	vadd.f32 v13, v9;
	v10 =	vand.u32 $0xFFFF0000, v10;
	v13 =	vld [tilespmem:s30+$0xE170]  }
0x181: {  	v7 =	vadd.f32 v23, v7;
	v5 =	vadd.f32 v10, v5;
	v10 =	vshll.u32 v6, $0x10  }
0x182: {  	v4 =	vadd.f32 v20, v4;
	v9 =	vadd.f32 v12, v9;
	v6 =	vand.u32 $0xFFFF0000, v6;
	v12 =	vld [tilespmem:s30+$0xE190]  }
0x183: {  	v7 =	vadd.f32 v10, v7;
	v5 =	vadd.f32 v6, v5;
	v6 =	vshll.u32 v21, $0x10  }
0x184: {  	v2 =	vadd.f32 v2, v4;
	v3 =	vadd.f32 v3, v9;
	v4 =	vand.u32 $0xFFFF0000, v21;
	v9 =	vld [tilespmem:s30+$0xE1B0]  }
0x185: {  	v6 =	vadd.f32 v6, v7;
	v4 =	vadd.f32 v4, v5;
	v5 =	vshll.u32 v13, $0x10  }
0x186: {  	s1 =	sshra.s32 s31, $0x2;
	v2 =	vadd.f32 v19, v2;
	v3 =	vadd.f32 v8, v3;
	v7 =	vand.u32 $0xFFFF0000, v13;
	v10 =	vld [tilespmem:s30+$0xE1D0]  }
0x187: {  	v5 =	vadd.f32 v5, v6;
	v4 =	vadd.f32 v7, v4;
	v19 =	vld [tilespmem:s1+$0xE1E0];
	v7 =	vshll.u32 v12, $0x10  }
0x188: {  	v8 =	vadd.f32 v17, v2;
	v3 =	vadd.f32 v11, v3;
	v2 =	vand.u32 $0xFFFF0000, v12;
	v13 =	vld [tilespmem:s30+$0xE1F0];
	s30 =	smov.u32 s1  }
0x189: {  	v5 =	vadd.f32 v7, v5;
	v4 =	vadd.f32 v2, v4;
	v6 =	vld [tilespmem:s30+$0xE1C0];
	v7 =	vshll.u32 v9, $0x10  }
0x18a: {  	v12 =	vadd.f32 v14, v8;
	v3 =	vadd.f32 v18, v3;
	v8 =	vand.u32 $0xFFFF0000, v9;
	v2 =	vld [tilespmem:s30+$0xE1A0]  }
0x18b: {  	v5 =	vadd.f32 v7, v5;
	v4 =	vadd.f32 v8, v4;
	v11 =	vld [tilespmem:s30+$0xE180];
	v7 =	vshll.u32 v10, $0x10  }
.Ltmp5:
0x18c: {  	v9 =	vadd.f32 v15, v12;
	v14 =	vadd.f32 v16, v3;
	v10 =	vand.u32 $0xFFFF0000, v10;
	v8 =	vld [tilespmem:s30+$0xE160];
	(pc) =	sbr.rel @p1 .LBB2_13-.Ltmp5, $4  }
0x18d: {  	v5 =	vadd.f32 v7, v5;
	v10 =	vadd.f32 v10, v4;
	v3 =	vld [tilespmem:s30+$0xE140];
	v7 =	vshll.u32 v13, $0x10  }
0x18e: {  	v4 =	vadd.f32 v1, v9;
	v9 =	vadd.f32 v0, v14;
	v0 =	vand.u32 $0xFFFF0000, v13;
	v12 =	vld [tilespmem:s30+$0xE120]  }
0x18f: {  	v7 =	vadd.f32 v7, v5;
	v5 =	vadd.f32 v0, v10;
	v13 =	vld [tilespmem:s30+$0xE100]  }
0x190: {  	s31 =	sadd.s32 $0x400, s31;
	v1 =	vshll.u32 v19, $0x10;
	v0 =	vand.u32 $0xFFFF0000, v19;
	v10 =	vld [tilespmem:s30+$0xE110]  }
0x191: {  	v14 =	vshll.u32 v2, $0x10;
	v15 =	vshll.u32 v6, $0x10  }
0x192: {  	v6 =	vand.u32 $0xFFFF0000, v6;
	v16 =	vshll.u32 v11, $0x10;
	v11 =	vand.u32 $0xFFFF0000, v11  }
0x193: {  	v17 =	vld [tilespmem:s30+$0xE130];
	v2 =	vand.u32 $0xFFFF0000, v2;
	v19 =	vshll.u32 v8, $0x10;
	v8 =	vand.u32 $0xFFFF0000, v8  }
0x194: {  	v18 =	vshll.u32 v3, $0x10;
	v3 =	vand.u32 $0xFFFF0000, v3;
	v21 =	vshll.u32 v13, $0x10  }
0x195: {  	v22 =	vld [tilespmem:s30+$0xE150];
	v20 =	vshll.u32 v12, $0x10;
	v13 =	vand.u32 $0xFFFF0000, v13;
	v4 =	vadd.f32 v21, v4  }
0x196: {  	v12 =	vand.u32 $0xFFFF0000, v12;
	v62 =	vshll.u32 v10, $0x10;
	v9 =	vadd.f32 v13, v9  }
0x197: {  	v10 =	vand.u32 $0xFFFF0000, v10;
	v13 =	vld [tilespmem:s30+$0xE170];
	v7 =	vadd.f32 v62, v7;
	v4 =	vadd.f32 v20, v4  }
0x198: {  	v5 =	vadd.f32 v10, v5;
	v10 =	vshll.u32 v17, $0x10;
	v9 =	vadd.f32 v12, v9  }
0x199: {  	v63 =	vld [tilespmem:s30+$0xE190];
	v12 =	vand.u32 $0xFFFF0000, v17;
	v7 =	vadd.f32 v10, v7;
	v4 =	vadd.f32 v18, v4  }
0x19a: {  	v5 =	vadd.f32 v12, v5;
	v10 =	vshll.u32 v22, $0x10;
	v3 =	vadd.f32 v3, v9  }
0x19b: {  	v12 =	vld [tilespmem:s30+$0xE1B0];
	v9 =	vand.u32 $0xFFFF0000, v22;
	v7 =	vadd.f32 v10, v7;
	v4 =	vadd.f32 v19, v4  }
0x19c: {  	v5 =	vadd.f32 v9, v5;
	v9 =	vshll.u32 v13, $0x10;
	v3 =	vadd.f32 v8, v3  }
0x19d: {  	v10 =	vld [tilespmem:s30+$0xE1D0];
	v8 =	vand.u32 $0xFFFF0000, v13;
	v7 =	vadd.f32 v9, v7;
	v4 =	vadd.f32 v16, v4  }
0x19e: {  	v5 =	vadd.f32 v8, v5;
	v8 =	vshll.u32 v63, $0x10;
	v3 =	vadd.f32 v11, v3  }
0x19f: {  	v9 =	vand.u32 $0xFFFF0000, v63;
	v11 =	vld [tilespmem:s30+$0xE1F0];
	v7 =	vadd.f32 v8, v7;
	v4 =	vadd.f32 v14, v4  }
0x1a0: {  	v5 =	vadd.f32 v9, v5;
	v8 =	vshll.u32 v12, $0x10;
	v2 =	vadd.f32 v2, v3  }
0x1a1: {  	v3 =	vand.u32 $0xFFFF0000, v12;
	v7 =	vadd.f32 v8, v7;
	v4 =	vadd.f32 v15, v4  }
0x1a2: {  	v3 =	vadd.f32 v3, v5;
	v5 =	vshll.u32 v10, $0x10;
	v2 =	vadd.f32 v6, v2  }
0x1a3: {  	v6 =	vand.u32 $0xFFFF0000, v10;
	v5 =	vadd.f32 v5, v7;
	v1 =	vadd.f32 v1, v4  }
0x1a4: {  	v3 =	vadd.f32 v6, v3;
	v4 =	vshll.u32 v11, $0x10;
	v0 =	vadd.f32 v0, v2  }
0x1a5: {  	v2 =	vand.u32 $0xFFFF0000, v11;
	v4 =	vadd.f32 v4, v5;
	v1 =	vmul.f32 $4.999999890e-03, v1  }
0x1a6: {  	v2 =	vadd.f32 v2, v3;
	v0 =	vmul.f32 $4.999999890e-03, v0  }
0x1a7: {  	[tilespmem:s28+$0x12D40] =	vst v1;
	v1 =	vmul.f32 $4.999999890e-03, v4  }
0x1a8: {  	[tilespmem:s28+$0x12D50] =	vst v0;
	v0 =	vmul.f32 $4.999999890e-03, v2  }
0x1a9: {  	[tilespmem:s28+$0x12D60] =	vst v1  }
0x1aa: {  	s1 =	sadd.s32 @!p0 $0xA28, s29;
	s31 =	simm.s32 @!p0 $0xE100;
	s30 =	simm.s32 @!p0 $0x80;
	[tilespmem:s28+$0x12D70] =	vst v0  }
0x1ab: {  	[tilespmem:s31], [sflag:$0x6] =	stream.indirect.gather @!p0 [hbm4b:s3+s30], $0x20, s1, s30, $0xb8;
	[tilespmem:$0x14C00] =	vst v63  }
0x1ac: {  	s1 =	sadd.s32 @!p0 $0xAA8, s29;
	s30 =	simm.s32 @!p0 $0x48;
	s31 =	simm.s32 @!p0 $0xF100  }
0x1ad: {  	[tilespmem:s31], [sflag:$0x6] =	stream.indirect.gather @!p0 [hbm4b:s3+s30], $0x20, s1, s30, $0xb8;
	[tilespmem:$0x14C00] =	vst v63  }
0x1ae: {  	_ =	swait.ge [sflag:s21], $0x1900  }
0x1af: {  	[sflag:s21] =	ssyncset.done $0x0  }
0x1b0: {  	s30 =	simm.s32 $0x0;
	[sflag:s21] =	ssyncadd.s32 $0xFFFFE700  }
0x1b1: {  	v0 =	vld [tilespmem:s30+$0xFAE0]  }
0x1b2: {  	v6 =	vld [tilespmem:s30+$0xFAC0]  }
0x1b3: {  	v2 =	vld [tilespmem:s30+$0xFAA0]  }
0x1b4: {  	v11 =	vld [tilespmem:s30+$0xFA80]  }
0x1b5: {  	v8 =	vld [tilespmem:s30+$0xFA60]  }
0x1b6: {  	v3 =	vld [tilespmem:s30+$0xFA40]  }
0x1b7: {  	v12 =	vld [tilespmem:s30+$0xFA20]  }
0x1b8: {  	v9 =	vimm.f32 $0.0e+00;
	v7 =	vimm.f32 $0.0e+00;
	v5 =	vimm.f32 $0.0e+00;
	v13 =	vld [tilespmem:s30+$0xFA00]  }
0x1b9: {  	v4 =	vimm.f32 $0.0e+00;
	s31 =	simm.s32 $0x400;
	v10 =	vld [tilespmem:s30+$0xFA10];
	v1 =	vshll.u32 v0, $0x10;
	v0 =	vand.u32 $0xFFFF0000, v0  }
.LBB2_15:
0x1ba: {  	p1 =	sne.s32 s31, $0x6000;
	v14 =	vshll.u32 v2, $0x10;
	v15 =	vshll.u32 v6, $0x10;
	v16 =	vand.u32 $0xFFFF0000, v6  }
0x1bb: {  	v17 =	vshll.u32 v11, $0x10;
	v11 =	vand.u32 $0xFFFF0000, v11;
	v18 =	vand.u32 $0xFFFF0000, v2;
	v6 =	vld [tilespmem:s30+$0xFA30]  }
0x1bc: {  	v19 =	vshll.u32 v8, $0x10;
	v8 =	vand.u32 $0xFFFF0000, v8;
	v2 =	vshll.u32 v3, $0x10  }
0x1bd: {  	v3 =	vand.u32 $0xFFFF0000, v3;
	v20 =	vshll.u32 v12, $0x10;
	v12 =	vand.u32 $0xFFFF0000, v12;
	v21 =	vld [tilespmem:s30+$0xFA50]  }
0x1be: {  	v22 =	vshll.u32 v13, $0x10;
	v13 =	vand.u32 $0xFFFF0000, v13;
	v23 =	vshll.u32 v10, $0x10  }
0x1bf: {  	v4 =	vadd.f32 v22, v4;
	v9 =	vadd.f32 v13, v9;
	v10 =	vand.u32 $0xFFFF0000, v10;
	v13 =	vld [tilespmem:s30+$0xFA70]  }
0x1c0: {  	v7 =	vadd.f32 v23, v7;
	v5 =	vadd.f32 v10, v5;
	v10 =	vshll.u32 v6, $0x10  }
0x1c1: {  	v4 =	vadd.f32 v20, v4;
	v9 =	vadd.f32 v12, v9;
	v6 =	vand.u32 $0xFFFF0000, v6;
	v12 =	vld [tilespmem:s30+$0xFA90]  }
0x1c2: {  	v7 =	vadd.f32 v10, v7;
	v5 =	vadd.f32 v6, v5;
	v6 =	vshll.u32 v21, $0x10  }
0x1c3: {  	v2 =	vadd.f32 v2, v4;
	v3 =	vadd.f32 v3, v9;
	v4 =	vand.u32 $0xFFFF0000, v21;
	v9 =	vld [tilespmem:s30+$0xFAB0]  }
0x1c4: {  	v6 =	vadd.f32 v6, v7;
	v4 =	vadd.f32 v4, v5;
	v5 =	vshll.u32 v13, $0x10  }
0x1c5: {  	s1 =	sshra.s32 s31, $0x2;
	v2 =	vadd.f32 v19, v2;
	v3 =	vadd.f32 v8, v3;
	v7 =	vand.u32 $0xFFFF0000, v13;
	v10 =	vld [tilespmem:s30+$0xFAD0]  }
0x1c6: {  	v5 =	vadd.f32 v5, v6;
	v4 =	vadd.f32 v7, v4;
	v19 =	vld [tilespmem:s1+$0xFAE0];
	v7 =	vshll.u32 v12, $0x10  }
0x1c7: {  	v8 =	vadd.f32 v17, v2;
	v3 =	vadd.f32 v11, v3;
	v2 =	vand.u32 $0xFFFF0000, v12;
	v13 =	vld [tilespmem:s30+$0xFAF0];
	s30 =	smov.u32 s1  }
0x1c8: {  	v5 =	vadd.f32 v7, v5;
	v4 =	vadd.f32 v2, v4;
	v6 =	vld [tilespmem:s30+$0xFAC0];
	v7 =	vshll.u32 v9, $0x10  }
0x1c9: {  	v12 =	vadd.f32 v14, v8;
	v3 =	vadd.f32 v18, v3;
	v8 =	vand.u32 $0xFFFF0000, v9;
	v2 =	vld [tilespmem:s30+$0xFAA0]  }
0x1ca: {  	v5 =	vadd.f32 v7, v5;
	v4 =	vadd.f32 v8, v4;
	v11 =	vld [tilespmem:s30+$0xFA80];
	v7 =	vshll.u32 v10, $0x10  }
.Ltmp6:
0x1cb: {  	v9 =	vadd.f32 v15, v12;
	v14 =	vadd.f32 v16, v3;
	v10 =	vand.u32 $0xFFFF0000, v10;
	v8 =	vld [tilespmem:s30+$0xFA60];
	(pc) =	sbr.rel @p1 .LBB2_15-.Ltmp6, $4  }
0x1cc: {  	v5 =	vadd.f32 v7, v5;
	v10 =	vadd.f32 v10, v4;
	v3 =	vld [tilespmem:s30+$0xFA40];
	v7 =	vshll.u32 v13, $0x10  }
0x1cd: {  	v4 =	vadd.f32 v1, v9;
	v9 =	vadd.f32 v0, v14;
	v0 =	vand.u32 $0xFFFF0000, v13;
	v12 =	vld [tilespmem:s30+$0xFA20]  }
0x1ce: {  	v7 =	vadd.f32 v7, v5;
	v5 =	vadd.f32 v0, v10;
	v13 =	vld [tilespmem:s30+$0xFA00]  }
0x1cf: {  	s31 =	sadd.s32 $0x400, s31;
	v1 =	vshll.u32 v19, $0x10;
	v0 =	vand.u32 $0xFFFF0000, v19;
	v10 =	vld [tilespmem:s30+$0xFA10]  }
0x1d0: {  	v14 =	vshll.u32 v2, $0x10;
	v15 =	vshll.u32 v6, $0x10  }
0x1d1: {  	v6 =	vand.u32 $0xFFFF0000, v6;
	v16 =	vshll.u32 v11, $0x10;
	v11 =	vand.u32 $0xFFFF0000, v11  }
0x1d2: {  	v17 =	vld [tilespmem:s30+$0xFA30];
	v2 =	vand.u32 $0xFFFF0000, v2;
	v19 =	vshll.u32 v8, $0x10;
	v8 =	vand.u32 $0xFFFF0000, v8  }
0x1d3: {  	v18 =	vshll.u32 v3, $0x10;
	v3 =	vand.u32 $0xFFFF0000, v3;
	v21 =	vshll.u32 v13, $0x10  }
0x1d4: {  	v22 =	vld [tilespmem:s30+$0xFA50];
	v20 =	vshll.u32 v12, $0x10;
	v13 =	vand.u32 $0xFFFF0000, v13;
	v4 =	vadd.f32 v21, v4  }
0x1d5: {  	v12 =	vand.u32 $0xFFFF0000, v12;
	v62 =	vshll.u32 v10, $0x10;
	v9 =	vadd.f32 v13, v9  }
0x1d6: {  	v10 =	vand.u32 $0xFFFF0000, v10;
	v13 =	vld [tilespmem:s30+$0xFA70];
	v7 =	vadd.f32 v62, v7;
	v4 =	vadd.f32 v20, v4  }
0x1d7: {  	v5 =	vadd.f32 v10, v5;
	v10 =	vshll.u32 v17, $0x10;
	v9 =	vadd.f32 v12, v9  }
0x1d8: {  	v63 =	vld [tilespmem:s30+$0xFA90];
	v12 =	vand.u32 $0xFFFF0000, v17;
	v7 =	vadd.f32 v10, v7;
	v4 =	vadd.f32 v18, v4  }
0x1d9: {  	v5 =	vadd.f32 v12, v5;
	v10 =	vshll.u32 v22, $0x10;
	v3 =	vadd.f32 v3, v9  }
0x1da: {  	v12 =	vld [tilespmem:s30+$0xFAB0];
	v9 =	vand.u32 $0xFFFF0000, v22;
	v7 =	vadd.f32 v10, v7;
	v4 =	vadd.f32 v19, v4  }
0x1db: {  	v5 =	vadd.f32 v9, v5;
	v9 =	vshll.u32 v13, $0x10;
	v3 =	vadd.f32 v8, v3  }
0x1dc: {  	v10 =	vld [tilespmem:s30+$0xFAD0];
	v8 =	vand.u32 $0xFFFF0000, v13;
	v7 =	vadd.f32 v9, v7;
	v4 =	vadd.f32 v16, v4  }
0x1dd: {  	v5 =	vadd.f32 v8, v5;
	v8 =	vshll.u32 v63, $0x10;
	v3 =	vadd.f32 v11, v3  }
0x1de: {  	v9 =	vand.u32 $0xFFFF0000, v63;
	v11 =	vld [tilespmem:s30+$0xFAF0];
	v7 =	vadd.f32 v8, v7;
	v4 =	vadd.f32 v14, v4  }
0x1df: {  	v5 =	vadd.f32 v9, v5;
	v8 =	vshll.u32 v12, $0x10;
	v2 =	vadd.f32 v2, v3  }
0x1e0: {  	v3 =	vand.u32 $0xFFFF0000, v12;
	v7 =	vadd.f32 v8, v7;
	v4 =	vadd.f32 v15, v4  }
0x1e1: {  	v3 =	vadd.f32 v3, v5;
	v5 =	vshll.u32 v10, $0x10;
	v2 =	vadd.f32 v6, v2  }
0x1e2: {  	v6 =	vand.u32 $0xFFFF0000, v10;
	v5 =	vadd.f32 v5, v7;
	v1 =	vadd.f32 v1, v4  }
0x1e3: {  	v3 =	vadd.f32 v6, v3;
	v4 =	vshll.u32 v11, $0x10;
	v0 =	vadd.f32 v0, v2  }
0x1e4: {  	v2 =	vand.u32 $0xFFFF0000, v11;
	v4 =	vadd.f32 v4, v5;
	v1 =	vmul.f32 $4.999999890e-03, v1  }
0x1e5: {  	v2 =	vadd.f32 v2, v3;
	v0 =	vmul.f32 $4.999999890e-03, v0  }
0x1e6: {  	[tilespmem:s28+$0x12D80] =	vst v1;
	v1 =	vmul.f32 $4.999999890e-03, v4  }
0x1e7: {  	[tilespmem:s28+$0x12D90] =	vst v0;
	v0 =	vmul.f32 $4.999999890e-03, v2  }
0x1e8: {  	[tilespmem:s28+$0x12DA0] =	vst v1  }
0x1e9: {  	s1 =	sadd.s32 @!p0 $0xAF0, s29;
	s30 =	simm.s32 @!p0 $0xFA00;
	[tilespmem:s28+$0x12DB0] =	vst v0;
	s28 =	simm.s32 @!p0 $0x80  }
0x1ea: {  	[tilespmem:s30], [sflag:$0x7] =	stream.indirect.gather @!p0 [hbm4b:s3+s28], $0x20, s1, s28, $0xb8;
	[tilespmem:$0x14C00] =	vst v63  }
0x1eb: {  	s1 =	sadd.s32 @!p0 $0xB70, s29;
	s28 =	simm.s32 @!p0 $0x48;
	s29 =	simm.s32 @!p0 $0x10A00  }
0x1ec: {  	[tilespmem:s29], [sflag:$0x7] =	stream.indirect.gather @!p0 [hbm4b:s3+s28], $0x20, s1, s28, $0xb8;
	[tilespmem:$0x14C00] =	vst v63  }
0x1ed: {  	_ =	swait.ge [sflag:s22], $0x1900  }
0x1ee: {  	[sflag:s22] =	ssyncset.done $0x0  }
0x1ef: {  	s28 =	simm.s32 $0x0;
	[sflag:s22] =	ssyncadd.s32 $0xFFFFE700  }
0x1f0: {  	v0 =	vld [tilespmem:s28+$0x113E0]  }
0x1f1: {  	v6 =	vld [tilespmem:s28+$0x113C0]  }
0x1f2: {  	v2 =	vld [tilespmem:s28+$0x113A0]  }
0x1f3: {  	v11 =	vld [tilespmem:s28+$0x11380]  }
0x1f4: {  	v8 =	vld [tilespmem:s28+$0x11360]  }
0x1f5: {  	v3 =	vld [tilespmem:s28+$0x11340]  }
0x1f6: {  	v12 =	vld [tilespmem:s28+$0x11320]  }
0x1f7: {  	v9 =	vimm.f32 $0.0e+00;
	v7 =	vimm.f32 $0.0e+00;
	v5 =	vimm.f32 $0.0e+00;
	v13 =	vld [tilespmem:s28+$0x11300]  }
0x1f8: {  	v4 =	vimm.f32 $0.0e+00;
	s29 =	simm.s32 $0x400;
	v10 =	vld [tilespmem:s28+$0x11310];
	v1 =	vshll.u32 v0, $0x10;
	v0 =	vand.u32 $0xFFFF0000, v0  }
.LBB2_17:
0x1f9: {  	p0 =	sne.s32 s29, $0x6000;
	v14 =	vshll.u32 v2, $0x10;
	v15 =	vshll.u32 v6, $0x10;
	v16 =	vand.u32 $0xFFFF0000, v6  }
0x1fa: {  	v17 =	vshll.u32 v11, $0x10;
	v11 =	vand.u32 $0xFFFF0000, v11;
	v18 =	vand.u32 $0xFFFF0000, v2;
	v6 =	vld [tilespmem:s28+$0x11330]  }
0x1fb: {  	v19 =	vshll.u32 v8, $0x10;
	v8 =	vand.u32 $0xFFFF0000, v8;
	v2 =	vshll.u32 v3, $0x10  }
0x1fc: {  	v3 =	vand.u32 $0xFFFF0000, v3;
	v20 =	vshll.u32 v12, $0x10;
	v12 =	vand.u32 $0xFFFF0000, v12;
	v21 =	vld [tilespmem:s28+$0x11350]  }
0x1fd: {  	v22 =	vshll.u32 v13, $0x10;
	v13 =	vand.u32 $0xFFFF0000, v13;
	v23 =	vshll.u32 v10, $0x10  }
0x1fe: {  	v4 =	vadd.f32 v22, v4;
	v9 =	vadd.f32 v13, v9;
	v10 =	vand.u32 $0xFFFF0000, v10;
	v13 =	vld [tilespmem:s28+$0x11370]  }
0x1ff: {  	v7 =	vadd.f32 v23, v7;
	v5 =	vadd.f32 v10, v5;
	v10 =	vshll.u32 v6, $0x10  }
0x200: {  	v4 =	vadd.f32 v20, v4;
	v9 =	vadd.f32 v12, v9;
	v6 =	vand.u32 $0xFFFF0000, v6;
	v12 =	vld [tilespmem:s28+$0x11390]  }
0x201: {  	v7 =	vadd.f32 v10, v7;
	v5 =	vadd.f32 v6, v5;
	v6 =	vshll.u32 v21, $0x10  }
0x202: {  	v2 =	vadd.f32 v2, v4;
	v3 =	vadd.f32 v3, v9;
	v4 =	vand.u32 $0xFFFF0000, v21;
	v9 =	vld [tilespmem:s28+$0x113B0]  }
0x203: {  	v6 =	vadd.f32 v6, v7;
	v4 =	vadd.f32 v4, v5;
	v5 =	vshll.u32 v13, $0x10  }
0x204: {  	s1 =	sshra.s32 s29, $0x2;
	v2 =	vadd.f32 v19, v2;
	v3 =	vadd.f32 v8, v3;
	v7 =	vand.u32 $0xFFFF0000, v13;
	v10 =	vld [tilespmem:s28+$0x113D0]  }
0x205: {  	v5 =	vadd.f32 v5, v6;
	v4 =	vadd.f32 v7, v4;
	v19 =	vld [tilespmem:s1+$0x113E0];
	v7 =	vshll.u32 v12, $0x10  }
0x206: {  	v8 =	vadd.f32 v17, v2;
	v3 =	vadd.f32 v11, v3;
	v2 =	vand.u32 $0xFFFF0000, v12;
	v13 =	vld [tilespmem:s28+$0x113F0];
	s28 =	smov.u32 s1  }
0x207: {  	v5 =	vadd.f32 v7, v5;
	v4 =	vadd.f32 v2, v4;
	v6 =	vld [tilespmem:s28+$0x113C0];
	v7 =	vshll.u32 v9, $0x10  }
0x208: {  	v12 =	vadd.f32 v14, v8;
	v3 =	vadd.f32 v18, v3;
	v8 =	vand.u32 $0xFFFF0000, v9;
	v2 =	vld [tilespmem:s28+$0x113A0]  }
0x209: {  	v5 =	vadd.f32 v7, v5;
	v4 =	vadd.f32 v8, v4;
	v11 =	vld [tilespmem:s28+$0x11380];
	v7 =	vshll.u32 v10, $0x10  }
.Ltmp7:
0x20a: {  	v9 =	vadd.f32 v15, v12;
	v14 =	vadd.f32 v16, v3;
	v10 =	vand.u32 $0xFFFF0000, v10;
	v8 =	vld [tilespmem:s28+$0x11360];
	(pc) =	sbr.rel @p0 .LBB2_17-.Ltmp7, $4  }
0x20b: {  	v5 =	vadd.f32 v7, v5;
	v10 =	vadd.f32 v10, v4;
	v3 =	vld [tilespmem:s28+$0x11340];
	v7 =	vshll.u32 v13, $0x10  }
0x20c: {  	v4 =	vadd.f32 v1, v9;
	v9 =	vadd.f32 v0, v14;
	v0 =	vand.u32 $0xFFFF0000, v13;
	v12 =	vld [tilespmem:s28+$0x11320]  }
0x20d: {  	v7 =	vadd.f32 v7, v5;
	v5 =	vadd.f32 v0, v10;
	v13 =	vld [tilespmem:s28+$0x11300]  }
0x20e: {  	s29 =	sadd.s32 $0x400, s29;
	v1 =	vshll.u32 v19, $0x10;
	v0 =	vand.u32 $0xFFFF0000, v19;
	v10 =	vld [tilespmem:s28+$0x11310]  }
0x20f: {  	v14 =	vshll.u32 v2, $0x10;
	v15 =	vshll.u32 v6, $0x10  }
0x210: {  	v34 =	vand.u32 $0xFFFF0000, v6;
	v16 =	vshll.u32 v11, $0x10;
	v35 =	vand.u32 $0xFFFF0000, v11  }
0x211: {  	v17 =	vld [tilespmem:s28+$0x11330];
	v36 =	vand.u32 $0xFFFF0000, v2;
	v19 =	vshll.u32 v8, $0x10;
	v37 =	vand.u32 $0xFFFF0000, v8  }
0x212: {  	v18 =	vshll.u32 v3, $0x10;
	v40 =	vand.u32 $0xFFFF0000, v3;
	v21 =	vshll.u32 v13, $0x10  }
0x213: {  	v22 =	vld [tilespmem:s28+$0x11350];
	v20 =	vshll.u32 v12, $0x10;
	v39 =	vand.u32 $0xFFFF0000, v13;
	v4 =	vadd.f32 v21, v4  }
0x214: {  	v38 =	vand.u32 $0xFFFF0000, v12;
	v41 =	vshll.u32 v10, $0x10;
	v9 =	vadd.f32 v39, v9  }
0x215: {  	v43 =	vld [tilespmem:s28+$0x11370];
	v42 =	vand.u32 $0xFFFF0000, v10;
	v7 =	vadd.f32 v41, v7;
	v4 =	vadd.f32 v20, v4  }
0x216: {  	v5 =	vadd.f32 v42, v5;
	v44 =	vshll.u32 v17, $0x10;
	v9 =	vadd.f32 v38, v9  }
0x217: {  	v46 =	vld [tilespmem:s28+$0x11390];
	v45 =	vand.u32 $0xFFFF0000, v17;
	v7 =	vadd.f32 v44, v7;
	v4 =	vadd.f32 v18, v4  }
0x218: {  	v47 =	vshll.u32 v22, $0x10;
	v5 =	vadd.f32 v45, v5;
	v3 =	vadd.f32 v40, v9  }
0x219: {  	v49 =	vld [tilespmem:s28+$0x113B0];
	v48 =	vand.u32 $0xFFFF0000, v22;
	v7 =	vadd.f32 v47, v7;
	v4 =	vadd.f32 v19, v4  }
0x21a: {  	v50 =	vshll.u32 v43, $0x10;
	v5 =	vadd.f32 v48, v5;
	v3 =	vadd.f32 v37, v3  }
0x21b: {  	v52 =	vld [tilespmem:s28+$0x113D0];
	v51 =	vand.u32 $0xFFFF0000, v43;
	v7 =	vadd.f32 v50, v7;
	v4 =	vadd.f32 v16, v4  }
0x21c: {  	v53 =	vshll.u32 v46, $0x10;
	v5 =	vadd.f32 v51, v5;
	v3 =	vadd.f32 v35, v3  }
0x21d: {  	v55 =	vld [tilespmem:s28+$0x113F0];
	v54 =	vand.u32 $0xFFFF0000, v46;
	v7 =	vadd.f32 v53, v7;
	v4 =	vadd.f32 v14, v4  }
0x21e: {  	v56 =	vshll.u32 v49, $0x10;
	v5 =	vadd.f32 v54, v5;
	v2 =	vadd.f32 v36, v3  }
0x21f: {  	v57 =	vand.u32 $0xFFFF0000, v49;
	v7 =	vadd.f32 v56, v7;
	v4 =	vadd.f32 v15, v4  }
0x220: {  	v58 =	vshll.u32 v52, $0x10;
	v3 =	vadd.f32 v57, v5;
	v2 =	vadd.f32 v34, v2  }
0x221: {  	v59 =	vand.u32 $0xFFFF0000, v52;
	v5 =	vadd.f32 v58, v7;
	v1 =	vadd.f32 v1, v4  }
0x222: {  	s25 =	sadd.s32 $0x1, s25;
	v60 =	vshll.u32 v55, $0x10;
	v3 =	vadd.f32 v59, v3;
	v0 =	vadd.f32 v0, v2  }
0x223: {  	s1 =	sshll.u32 s26, $0x6;
	p0 =	sne.s32 s25, $0x10;
	v61 =	vand.u32 $0xFFFF0000, v55;
	v4 =	vadd.f32 v60, v5;
	v1 =	vmul.f32 $4.999999890e-03, v1  }
.Ltmp8:
0x224: {  	s1 =	sand.u32 $0x3FFFFFC0, s1;
	v2 =	vadd.f32 v61, v3;
	v0 =	vmul.f32 $4.999999890e-03, v0;
	(pc) =	sbr.rel @p0 .LBB2_2-.Ltmp8, $4  }
0x225: {  	v62 =	vmul.f32 $4.999999890e-03, v4;
	[tilespmem:s1+$0x12C00] =	vst v1  }
0x226: {  	v63 =	vmul.f32 $4.999999890e-03, v2;
	[tilespmem:s1+$0x12C10] =	vst v0  }
0x227: {  	[tilespmem:s1+$0x12C20] =	vst v62  }
0x228: {  	[tilespmem:s1+$0x12C30] =	vst v63  }
0x229: {  	s24 =	sadd.s32 $0x1, s24  }
0x22a: {  	p0 =	sne.s32 s24, s6  }
.Ltmp9:
0x22b: {  	_ = 	snop;
	(pc) =	sbr.rel @p0 .LBB2_1-.Ltmp9, $4  }
0x22c: {  	[hbm4b:s5+s2] =	stream.linear.scatter [tilespmem:s23], [sflag:$0x9], $0x2000, $0x38;
	[tilespmem:$0x14C00] =	vst v63  }
0x22d: {  	_ =	swait.ge [sflag:s7], $0x2000  }
0x22e: {  	[sflag:s7] =	ssyncset.done $0x0  }
0x22f: {  	[sflag:s7] =	ssyncadd.s32 $0xFFFFE000  }
0x230: {  	_ =	sfence.sel $0x180000  }
0x231: {  	[bflag:$0x0] =	sbarrier.arrive $0xFFFF  }
0x232: {  	_ =	strace $0x90000047  }
0x233: {  	s0 =	stileid.u32;
	[bflag:$0x2] =	sbarrier.arrive $0xFFFF  }
0x234: {  	p0 =	sne.s32 s0, $0x0;
	s0 =	rddreg [dreg:$0x2]  }
0x235: {  	s0 =	sadd.s32 @!p0 $0x100000, s0  }
0x236: {  	[sflag:s0] =	ssyncadd.tile.s32 @!p0 $0x1;
	_ =	shalt  }
.Lfunc_end2:
_tile_overlayer_lowered:
.L_overlay_start_2:
0x237: {  	(tag) =	ssettag $0x2  }
0x238: {  	s0 =	rddreg [dreg:$0x0];
	s2 =	stileid.u32  }
0x239: {  	s1 =	rddreg [dreg:$0x1];
	p0 =	sne.s32 s2, $0x0  }
0x23a: {  	s3 =	rddreg [dreg:$0x2];
	[bflag:$0x3] =	sbarrier.arrive $0xFFFF;
	s2 =	simm.s32 @!p0 $0x1C09  }
0x23b: {  	[timem:s3], [sflag:s2] =	dma.local @!p0 [hbm:s0], s1  }
0x23c: {  	s0 =	simm.s32 @!p0 $0x9  }
0x23d: {  	_ =	swait.ge @!p0 [sflag:s0], s1  }
0x23e: {  	s1 =	ssub.s32 @!p0 $0x0, s1;
	[sflag:s0] =	ssyncset.done @!p0 $0x0  }
0x23f: {  	[sflag:s0] =	ssyncadd.s32 @!p0 s1  }
0x240: {  	[bflag:$0x3] =	sbarrier.arrive $0xFFFF  }
0x241: {  	_ =	shalt  }

</sc_bundles>
